<compile_context>
chip_gen: v7x
topology: tpu7x:2x2x1
jax: 0.10.2.dev20260603
libtpu: 0.0.44.dev20260713+nightly
codegen_flags: <defaults>
</compile_context>

<pallas_src>
import functools

import jax
import jax.numpy as jnp
from jax import lax
from jax.experimental import pallas as pl
from jax.experimental.pallas import tpu as pltpu
from jax.experimental.pallas import tpu_sc as plsc

NU = 25000
NI = 25000
N = NU + NI
NNZ = 800000
EMB = 64
H = 32
NC = 2
NS = 16
EPT = NNZ // NS
MCH = 2000
CH = 80
NMETA = EPT // MCH
NCHUNK = MCH // CH
TOT = EPT // CH
SLAB = 200
NSLAB = N // SLAB


def _spmm_body(rows_hbm, cols_hbm, vals_hbm, ego_hbm, out_hbm,
               accum, col_meta, val_meta, row_meta, col_idx, row_idx,
               gbuf, zbuf, sem_m, sem_g, sem_g2, sem_s):
    c = lax.axis_index("c")
    s = lax.axis_index("s")

    zv = jnp.zeros((16,), jnp.float32)

    def zrow(r, carry):
        zbuf[r, 0:16] = zv
        zbuf[r, 16:32] = zv
        return carry

    lax.fori_loop(0, SLAB, zrow, 0)

    for j in range(pl.cdiv(NSLAB, NS)):
        slab = s + j * NS

        @pl.when(slab < NSLAB)
        def _():
            pltpu.sync_copy(zbuf, accum.at[pl.ds(slab * SLAB, SLAB)])

    plsc.subcore_barrier()

    cbase = c * N
    ebase = s * EPT

    def start_meta(blk, mb):
        off = ebase + blk * MCH
        pltpu.async_copy(cols_hbm.at[pl.ds(off, MCH)], col_meta.at[mb], sem_m.at[mb])
        pltpu.async_copy(vals_hbm.at[pl.ds(off, MCH)], val_meta.at[mb], sem_m.at[mb])
        pltpu.async_copy(rows_hbm.at[pl.ds(off, MCH)], row_meta.at[mb], sem_m.at[mb])

    def wait_meta(mb):
        pltpu.make_async_copy(cols_hbm.at[pl.ds(0, MCH)], col_meta.at[mb],
                              sem_m.at[mb]).wait()
        pltpu.make_async_copy(vals_hbm.at[pl.ds(0, MCH)], val_meta.at[mb],
                              sem_m.at[mb]).wait()
        pltpu.make_async_copy(rows_hbm.at[pl.ds(0, MCH)], row_meta.at[mb],
                              sem_m.at[mb]).wait()

    def build_idx(p, mb, o):
        for g in range(CH // 16):
            cv = col_meta[mb, pl.ds(o + g * 16, 16)]
            col_idx[p, pl.ds(g * 16, 16)] = cv + cbase
            rv = row_meta[mb, pl.ds(o + g * 16, 16)]
            row_idx[p, pl.ds(g * 16, 16)] = rv

    def start_gather(p):
        pltpu.async_copy(ego_hbm.at[col_idx.at[p, pl.ds(0, CH // 2)]],
                         gbuf.at[p, pl.ds(0, CH // 2)], sem_g.at[p])
        pltpu.async_copy(ego_hbm.at[col_idx.at[p, pl.ds(CH // 2, CH // 2)]],
                         gbuf.at[p, pl.ds(CH // 2, CH // 2)], sem_g2.at[p])

    def wait_gather(p):
        pltpu.make_async_copy(ego_hbm.at[col_idx.at[p, pl.ds(0, CH // 2)]],
                              gbuf.at[p, pl.ds(0, CH // 2)],
                              sem_g.at[p]).wait()
        pltpu.make_async_copy(ego_hbm.at[col_idx.at[p, pl.ds(CH // 2, CH // 2)]],
                              gbuf.at[p, pl.ds(CH // 2, CH // 2)],
                              sem_g2.at[p]).wait()

    def start_scatter(p):
        pltpu.async_copy(gbuf.at[p], accum.at[row_idx.at[p]], sem_s.at[p],
                         add=True)

    def wait_scatter(p):
        pltpu.make_async_copy(gbuf.at[p], accum.at[row_idx.at[p]],
                              sem_s.at[p]).wait()

    def scale(p, mb, o):
        def sgroup(g, carry):
            v16 = val_meta[mb, pl.ds(o + g * 16, 16)]
            for e in range(16):
                vv = lax.gather(
                    v16, jnp.full((16, 1), e, jnp.int32),
                    dimension_numbers=lax.GatherDimensionNumbers(
                        offset_dims=(), collapsed_slice_dims=(0,),
                        start_index_map=(0,)),
                    slice_sizes=(1,),
                    mode=lax.GatherScatterMode.PROMISE_IN_BOUNDS)
                r = g * 16 + e
                gbuf[p, r, 0:16] = gbuf[p, r, 0:16] * vv
                gbuf[p, r, 16:32] = gbuf[p, r, 16:32] * vv
            return carry

        lax.fori_loop(0, CH // 16, sgroup, 0)

    start_meta(0, 0)
    wait_meta(0)
    build_idx(0, 0, 0)
    start_gather(0)
    start_meta(1, 1)

    def step(k, carry):
        p = lax.bitwise_and(k, 3)
        blk = lax.div(k, NCHUNK)
        o = lax.rem(k, NCHUNK) * CH
        mb = lax.rem(blk, 2)
        wait_gather(p)

        @pl.when(k < TOT - 1)
        def _():
            k1 = k + 1
            pn = lax.bitwise_and(k1, 3)
            blk1 = lax.div(k1, NCHUNK)
            mb1 = lax.rem(blk1, 2)

            @pl.when(k >= 3)
            def _():
                wait_scatter(pn)

            @pl.when(lax.rem(k1, NCHUNK) == 0)
            def _():
                wait_meta(mb1)

            build_idx(pn, mb1, lax.rem(k1, NCHUNK) * CH)
            start_gather(pn)

        scale(p, mb, o)

        @pl.when((lax.rem(k + 1, NCHUNK) == 0) & (blk + 2 < NMETA))
        def _():
            start_meta(blk + 2, mb)

        start_scatter(p)
        return carry

    lax.fori_loop(0, TOT, step, 0)
    wait_scatter(lax.bitwise_and(TOT - 1, 3))
    wait_scatter(lax.bitwise_and(TOT - 2, 3))
    wait_scatter(lax.bitwise_and(TOT - 3, 3))
    plsc.subcore_barrier()
    for j in range(pl.cdiv(NSLAB, NS)):
        slab = s + j * NS

        @pl.when(slab < NSLAB)
        def _():
            pltpu.sync_copy(accum.at[pl.ds(slab * SLAB, SLAB)],
                            out_hbm.at[pl.ds(cbase + slab * SLAB, SLAB)])


@jax.jit
def _spmm(rows, cols, vals, ego_cat):
    mesh = plsc.VectorSubcoreMesh(core_axis_name="c", subcore_axis_name="s")
    f = pl.kernel(
        _spmm_body,
        out_type=jax.ShapeDtypeStruct((2 * N, H), jnp.float32),
        mesh=mesh,
        compiler_params=pltpu.CompilerParams(use_tc_tiling_on_sc=False),
        scratch_types=[
            pltpu.VMEM_SHARED((N, H), jnp.float32),
            pltpu.VMEM((2, MCH), jnp.int32),
            pltpu.VMEM((2, MCH), jnp.float32),
            pltpu.VMEM((2, MCH), jnp.int32),
            pltpu.VMEM((4, CH), jnp.int32),
            pltpu.VMEM((4, CH), jnp.int32),
            pltpu.VMEM((4, CH, H), jnp.float32),
            pltpu.VMEM((SLAB, H), jnp.float32),
            pltpu.SemaphoreType.DMA((2,)),
            pltpu.SemaphoreType.DMA((4,)),
            pltpu.SemaphoreType.DMA((4,)),
            pltpu.SemaphoreType.DMA((4,)),
        ],
    )
    return f(rows, cols, vals, ego_cat)


def _dense_body(s_ref, e_ref, wg_ref, bg_ref, wb_ref, bb_ref,
                en_ref, nrm_ref):
    sfull = jnp.concatenate([s_ref[0], s_ref[1]], axis=1)
    efull = jnp.concatenate([e_ref[0], e_ref[1]], axis=1)
    a = jnp.dot(sfull, wg_ref[:], preferred_element_type=jnp.float32) + bg_ref[:]
    a = jnp.where(a >= 0, a, 0.01 * a)
    b = jnp.dot(efull * sfull, wb_ref[:], preferred_element_type=jnp.float32) + bb_ref[:]
    b = jnp.where(b >= 0, b, 0.01 * b)
    en = a + b
    en_ref[0] = en[:, :H]
    en_ref[1] = en[:, H:]
    ss = jnp.sum(en * en, axis=1, keepdims=True)
    nrm_ref[:] = en / jnp.maximum(jnp.sqrt(ss), 1e-12)


BR = 2000


@jax.jit
def _dense(side3, ego3, wg, bg, wb, bb):
    grid = (N // BR,)
    half_spec = pl.BlockSpec((2, BR, H), lambda i: (0, i, 0))
    w_spec = pl.BlockSpec((EMB, EMB), lambda i: (0, 0))
    b_spec = pl.BlockSpec((1, EMB), lambda i: (0, 0))
    return pl.pallas_call(
        _dense_body,
        grid=grid,
        in_specs=[half_spec, half_spec, w_spec, b_spec, w_spec, b_spec],
        out_specs=[half_spec, pl.BlockSpec((BR, EMB), lambda i: (i, 0))],
        out_shape=[
            jax.ShapeDtypeStruct((2, N, H), jnp.float32),
            jax.ShapeDtypeStruct((N, EMB), jnp.float32),
        ],
    )(side3, ego3, wg, bg.reshape(1, EMB), wb, bb.reshape(1, EMB))


def kernel(adj_indices, adj_values, user_emb, item_emb,
           GC_W0, GC_b0, GC_W1, GC_b1, GC_W2, GC_b2,
           Bi_W0, Bi_b0, Bi_W1, Bi_b1, Bi_W2, Bi_b2):
    rows = adj_indices[0]
    cols = adj_indices[1]
    GC = [(GC_W0, GC_b0), (GC_W1, GC_b1), (GC_W2, GC_b2)]
    Bi = [(Bi_W0, Bi_b0), (Bi_W1, Bi_b1), (Bi_W2, Bi_b2)]

    ego0 = jnp.concatenate([user_emb, item_emb], axis=0)
    ego3 = jnp.stack([ego0[:, :H], ego0[:, H:]], axis=0)

    norms = []
    for (wg, bg), (wb, bb) in zip(GC, Bi):
        side_cat = _spmm(rows, cols, adj_values, ego3.reshape(2 * N, H))
        ego3, nrm = _dense(side_cat.reshape(2, N, H), ego3, wg, bg, wb, bb)
        norms.append(nrm)

    all_e = jnp.concatenate([ego0] + norms, axis=1)
    return all_e[:NU], all_e[NU:]

# --- scband reference (transcript-rebuilt; emitter-appended) ---
"""Pipeline reference for scband-ngcf-10514079940677 (READ-ONLY COPY).

The authoritative reference and input builder live on the scoring server;
editing this copy changes nothing except your own understanding.
"""

import jax, jax.numpy as jnp
import numpy as np

N_USERS = 25000
N_ITEMS = 25000
EMB = 64
NNZ = 800000
LAYER_SIZE = [64, 64, 64]
N_LAYERS = 3


def setup_inputs(seed: int = 0) -> dict:
    key = jax.random.key(seed)
    ks = jax.random.split(key, 4 + 4 * N_LAYERS)
    N = N_USERS + N_ITEMS
    adj_indices = jax.random.randint(ks[0], (2, NNZ), 0, N, dtype=jnp.int64 if jax.config.jax_enable_x64 else jnp.int32).astype(jnp.int32)
    adj_values = jax.random.uniform(ks[1], (NNZ,), dtype=jnp.float32) * (1.0 / 16.0)
    # xavier-ish init for embeddings (learned parameters)
    user_emb = jax.random.normal(ks[2], (N_USERS, EMB), dtype=jnp.float32) * (1.0 / np.sqrt(EMB))
    item_emb = jax.random.normal(ks[3], (N_ITEMS, EMB), dtype=jnp.float32) * (1.0 / np.sqrt(EMB))
    inp = {"adj_indices": adj_indices, "adj_values": adj_values,
           "user_emb": user_emb, "item_emb": item_emb}
    dims = [EMB] + LAYER_SIZE
    for i in range(N_LAYERS):
        fin, fout = dims[i], dims[i + 1]
        s = 1.0 / np.sqrt(fin)
        inp[f"GC_W{i}"] = jax.random.normal(ks[4 + 4 * i + 0], (fin, fout), jnp.float32) * s
        inp[f"GC_b{i}"] = jnp.zeros((fout,), jnp.float32)
        inp[f"Bi_W{i}"] = jax.random.normal(ks[4 + 4 * i + 1], (fin, fout), jnp.float32) * s
        inp[f"Bi_b{i}"] = jnp.zeros((fout,), jnp.float32)
    return inp


def reference(adj_indices, adj_values, user_emb, item_emb,
              GC_W0, GC_b0, GC_W1, GC_b1, GC_W2, GC_b2,
              Bi_W0, Bi_b0, Bi_W1, Bi_b1, Bi_W2, Bi_b2):
    N = user_emb.shape[0] + item_emb.shape[0]
    rows = adj_indices[0]
    cols = adj_indices[1]
    GC = [(GC_W0, GC_b0), (GC_W1, GC_b1), (GC_W2, GC_b2)]
    Bi = [(Bi_W0, Bi_b0), (Bi_W1, Bi_b1), (Bi_W2, Bi_b2)]

    ego = jnp.concatenate([user_emb, item_emb], axis=0)
    all_embeddings = [ego]
    for (Wg, bg), (Wb, bb) in zip(GC, Bi):
        # sparse.mm(norm_adj, ego): gather at cols, weight, scatter-add at rows
        side = jax.ops.segment_sum(adj_values[:, None] * ego[cols], rows, num_segments=N)
        sum_embeddings = jax.nn.leaky_relu(side @ Wg + bg, negative_slope=0.01)
        bi_embeddings = jax.nn.leaky_relu((ego * side) @ Wb + bb, negative_slope=0.01)
        ego = sum_embeddings + bi_embeddings
        # dropout is identity in eval mode
        norm = ego / jnp.maximum(jnp.linalg.norm(ego, axis=1, keepdims=True), 1e-12)
        all_embeddings.append(norm)
    all_e = jnp.concatenate(all_embeddings, axis=1)
    u_g = all_e[:N_USERS]
    i_g = all_e[N_USERS:]
    return (u_g, i_g)

if __name__ == "__main__":
    import jax
    _d = setup_inputs()
    print(jax.jit(kernel)(*tuple(_d.values())))

</pallas_src>

<mosaic_0001>
#map = affine_map<(d0, d1) -> (0)>
#map1 = affine_map<(d0, d1) -> (0, 0)>
module attributes {stable_mosaic.version = 14 : i64} {
  func.func @_spmm_body(%arg0: i32, %arg1: i32, %arg2: memref<800000xi32, #tpu.memory_space<hbm>>, %arg3: memref<800000xi32, #tpu.memory_space<hbm>>, %arg4: memref<800000xf32, #tpu.memory_space<hbm>>, %arg5: memref<100000x32xf32, #tpu.memory_space<hbm>>, %arg6: memref<100000x32xf32, #tpu.memory_space<hbm>>, %arg7: memref<50000x32xf32, #tpu.memory_space<vmem_shared>>, %arg8: memref<2x2000xi32, #tpu.memory_space<vmem>>, %arg9: memref<2x2000xf32, #tpu.memory_space<vmem>>, %arg10: memref<2x2000xi32, #tpu.memory_space<vmem>>, %arg11: memref<4x80xi32, #tpu.memory_space<vmem>>, %arg12: memref<4x80xi32, #tpu.memory_space<vmem>>, %arg13: memref<4x80x32xf32, #tpu.memory_space<vmem>>, %arg14: memref<200x32xf32, #tpu.memory_space<vmem>>, %arg15: memref<2x!tpu.dma_semaphore, #tpu.memory_space<semaphore_mem>>, %arg16: memref<4x!tpu.dma_semaphore, #tpu.memory_space<semaphore_mem>>, %arg17: memref<4x!tpu.dma_semaphore, #tpu.memory_space<semaphore_mem>>, %arg18: memref<4x!tpu.dma_semaphore, #tpu.memory_space<semaphore_mem>>) attributes {dimension_semantics = [#tpu.dimension_semantics<core_parallel>, #tpu.dimension_semantics<subcore_parallel>], iteration_bounds = array<i64: 2, 16>, scalar_prefetch = 0 : i64, scratch_operands = 12 : i64, tpu.core_type = #tpu.core_type<sc_vector_subcore>, window_params = [{transform_indices = #map}, {transform_indices = #map}, {transform_indices = #map}, {transform_indices = #map1}, {transform_indices = #map1}]} {
    %broadcast_in_dim3A = arith.constant 0.000000e+00 : f32
    %broadcast_in_dim3A_0 = vector.broadcast %broadcast_in_dim3A : f32 to vector<16xf32>
    %scan3A = arith.constant 0 : i32
    %scan3A_1 = arith.constant 0 : i32
    %scan3A_2 = arith.constant 200 : i32
    %scan3A_3 = arith.addi %scan3A_1, %scan3A_2 : i32
    %scan3A_4 = arith.constant 1 : i32
    scf.for %scan3A_544 = %scan3A_1 to %scan3A_3 step %scan3A_4  : i32 {
      %swap3A_545 = arith.index_cast %scan3A_544 : i32 to index
      %swap3A_546 = arith.constant 0 : index
      %swap3A_547 = tpu.vector_load %arg14[%swap3A_545, %swap3A_546] {strides = array<i32>} : memref<200x32xf32, #tpu.memory_space<vmem>>, vector<1x16xf32>,
      %swap3A_548 = vector.shape_cast %swap3A_547 : vector<1x16xf32> to vector<16xf32>
      %swap3A_549 = vector.shape_cast %broadcast_in_dim3A_0 : vector<16xf32> to vector<1x16xf32>
      tpu.vector_store %arg14[%swap3A_545, %swap3A_546], %swap3A_549 {strides = array<i32>} : memref<200x32xf32, #tpu.memory_space<vmem>>, vector<1x16xf32>,
      %swap3A_550 = arith.index_cast %scan3A_544 : i32 to index
      %swap3A_551 = arith.constant 16 : index
      %swap3A_552 = tpu.vector_load %arg14[%swap3A_550, %swap3A_551] {strides = array<i32>} : memref<200x32xf32, #tpu.memory_space<vmem>>, vector<1x16xf32>,
      %swap3A_553 = vector.shape_cast %swap3A_552 : vector<1x16xf32> to vector<16xf32>
      %swap3A_554 = vector.shape_cast %broadcast_in_dim3A_0 : vector<16xf32> to vector<1x16xf32>
      tpu.vector_store %arg14[%swap3A_550, %swap3A_551], %swap3A_554 {strides = array<i32>} : memref<200x32xf32, #tpu.memory_space<vmem>>, vector<1x16xf32>,
    }
    %scan3A_5 = arith.constant 200 : i32
    %add3A = arith.constant 0 : i32
    %add3A_6 = arith.addi %arg1, %add3A : i32
    %lt3A = arith.constant 250 : i32
    %lt3A_7 = arith.cmpi slt, %add3A_6, %lt3A : i32
    %convert_element_type3A = arith.extui %lt3A_7 : i1 to i32
    %cond3A = arith.constant 0 : i32
    %cond3A_8 = arith.cmpi ne, %convert_element_type3A, %cond3A : i32
    scf.if %cond3A_8 {
      %mul3A_544 = arith.constant 200 : i32
      %mul3A_545 = arith.muli %add3A_6, %mul3A_544 : i32
      "tpu.region"() ({
        %run_scoped3A = tpu.sem_alloc : memref<!tpu.dma_semaphore, #tpu.memory_space<semaphore_mem>>
        %dma_start3A_546 = arith.constant 0 : i32
        %dma_start3A_547 = tpu.memref_slice %arg7[%mul3A_545, %dma_start3A_546] : memref<50000x32xf32, #tpu.memory_space<vmem_shared>> -> memref<200x32xf32, #tpu.memory_space<vmem_shared>>
        %dma_start3A_548 = arith.constant 0 : i32
        %dma_start3A_549 = tpu.memref_slice %arg7[%mul3A_545, %dma_start3A_548] : memref<50000x32xf32, #tpu.memory_space<vmem_shared>> -> memref<200x32xf32, #tpu.memory_space<vmem_shared>>
        tpu.enqueue_dma source(%arg14 : memref<200x32xf32, #tpu.memory_space<vmem>>) target(%dma_start3A_549 : memref<200x32xf32, #tpu.memory_space<vmem_shared>>) target_semaphore(%run_scoped3A : memref<!tpu.dma_semaphore, #tpu.memory_space<semaphore_mem>>)
        %dma_wait3A_550 = arith.constant 0 : i32
        %dma_wait3A_551 = tpu.memref_slice %arg7[%mul3A_545, %dma_wait3A_550] : memref<50000x32xf32, #tpu.memory_space<vmem_shared>> -> memref<200x32xf32, #tpu.memory_space<vmem_shared>>
        %dma_wait3A_552 = arith.constant 0 : i32
        %dma_wait3A_553 = tpu.memref_slice %arg7[%mul3A_545, %dma_wait3A_552] : memref<50000x32xf32, #tpu.memory_space<vmem_shared>> -> memref<200x32xf32, #tpu.memory_space<vmem_shared>>
        tpu.wait_dma2 semaphore(%run_scoped3A : memref<!tpu.dma_semaphore, #tpu.memory_space<semaphore_mem>>) src(%arg14 : memref<200x32xf32, #tpu.memory_space<vmem>>) dst(%dma_wait3A_553 : memref<200x32xf32, #tpu.memory_space<vmem_shared>>)
        tpu.yield
      }) : () -> ()
    } else {
    }
    %add3A_9 = arith.constant 16 : i32
    %add3A_10 = arith.addi %arg1, %add3A_9 : i32
    %lt3A_11 = arith.constant 250 : i32
    %lt3A_12 = arith.cmpi slt, %add3A_10, %lt3A_11 : i32
    %convert_element_type3A_13 = arith.extui %lt3A_12 : i1 to i32
    %cond3A_14 = arith.constant 0 : i32
    %cond3A_15 = arith.cmpi ne, %convert_element_type3A_13, %cond3A_14 : i32
    scf.if %cond3A_15 {
      %mul3A_544 = arith.constant 200 : i32
      %mul3A_545 = arith.muli %add3A_10, %mul3A_544 : i32
      "tpu.region"() ({
        %run_scoped3A = tpu.sem_alloc : memref<!tpu.dma_semaphore, #tpu.memory_space<semaphore_mem>>
        %dma_start3A_546 = arith.constant 0 : i32
        %dma_start3A_547 = tpu.memref_slice %arg7[%mul3A_545, %dma_start3A_546] : memref<50000x32xf32, #tpu.memory_space<vmem_shared>> -> memref<200x32xf32, #tpu.memory_space<vmem_shared>>
        %dma_start3A_548 = arith.constant 0 : i32
        %dma_start3A_549 = tpu.memref_slice %arg7[%mul3A_545, %dma_start3A_548] : memref<50000x32xf32, #tpu.memory_space<vmem_shared>> -> memref<200x32xf32, #tpu.memory_space<vmem_shared>>
        tpu.enqueue_dma source(%arg14 : memref<200x32xf32, #tpu.memory_space<vmem>>) target(%dma_start3A_549 : memref<200x32xf32, #tpu.memory_space<vmem_shared>>) target_semaphore(%run_scoped3A : memref<!tpu.dma_semaphore, #tpu.memory_space<semaphore_mem>>)
        %dma_wait3A_550 = arith.constant 0 : i32
        %dma_wait3A_551 = tpu.memref_slice %arg7[%mul3A_545, %dma_wait3A_550] : memref<50000x32xf32, #tpu.memory_space<vmem_shared>> -> memref<200x32xf32, #tpu.memory_space<vmem_shared>>
        %dma_wait3A_552 = arith.constant 0 : i32
        %dma_wait3A_553 = tpu.memref_slice %arg7[%mul3A_545, %dma_wait3A_552] : memref<50000x32xf32, #tpu.memory_space<vmem_shared>> -> memref<200x32xf32, #tpu.memory_space<vmem_shared>>
        tpu.wait_dma2 semaphore(%run_scoped3A : memref<!tpu.dma_semaphore, #tpu.memory_space<semaphore_mem>>) src(%arg14 : memref<200x32xf32, #tpu.memory_space<vmem>>) dst(%dma_wait3A_553 : memref<200x32xf32, #tpu.memory_space<vmem_shared>>)
        tpu.yield
      }) : () -> ()
    } else {
    }
    %add3A_16 = arith.constant 32 : i32
    %add3A_17 = arith.addi %arg1, %add3A_16 : i32
    %lt3A_18 = arith.constant 250 : i32
    %lt3A_19 = arith.cmpi slt, %add3A_17, %lt3A_18 : i32
    %convert_element_type3A_20 = arith.extui %lt3A_19 : i1 to i32
    %cond3A_21 = arith.constant 0 : i32
    %cond3A_22 = arith.cmpi ne, %convert_element_type3A_20, %cond3A_21 : i32
    scf.if %cond3A_22 {
      %mul3A_544 = arith.constant 200 : i32
      %mul3A_545 = arith.muli %add3A_17, %mul3A_544 : i32
      "tpu.region"() ({
        %run_scoped3A = tpu.sem_alloc : memref<!tpu.dma_semaphore, #tpu.memory_space<semaphore_mem>>
        %dma_start3A_546 = arith.constant 0 : i32
        %dma_start3A_547 = tpu.memref_slice %arg7[%mul3A_545, %dma_start3A_546] : memref<50000x32xf32, #tpu.memory_space<vmem_shared>> -> memref<200x32xf32, #tpu.memory_space<vmem_shared>>
        %dma_start3A_548 = arith.constant 0 : i32
        %dma_start3A_549 = tpu.memref_slice %arg7[%mul3A_545, %dma_start3A_548] : memref<50000x32xf32, #tpu.memory_space<vmem_shared>> -> memref<200x32xf32, #tpu.memory_space<vmem_shared>>
        tpu.enqueue_dma source(%arg14 : memref<200x32xf32, #tpu.memory_space<vmem>>) target(%dma_start3A_549 : memref<200x32xf32, #tpu.memory_space<vmem_shared>>) target_semaphore(%run_scoped3A : memref<!tpu.dma_semaphore, #tpu.memory_space<semaphore_mem>>)
        %dma_wait3A_550 = arith.constant 0 : i32
        %dma_wait3A_551 = tpu.memref_slice %arg7[%mul3A_545, %dma_wait3A_550] : memref<50000x32xf32, #tpu.memory_space<vmem_shared>> -> memref<200x32xf32, #tpu.memory_space<vmem_shared>>
        %dma_wait3A_552 = arith.constant 0 : i32
        %dma_wait3A_553 = tpu.memref_slice %arg7[%mul3A_545, %dma_wait3A_552] : memref<50000x32xf32, #tpu.memory_space<vmem_shared>> -> memref<200x32xf32, #tpu.memory_space<vmem_shared>>
        tpu.wait_dma2 semaphore(%run_scoped3A : memref<!tpu.dma_semaphore, #tpu.memory_space<semaphore_mem>>) src(%arg14 : memref<200x32xf32, #tpu.memory_space<vmem>>) dst(%dma_wait3A_553 : memref<200x32xf32, #tpu.memory_space<vmem_shared>>)
        tpu.yield
      }) : () -> ()
    } else {
    }
    %add3A_23 = arith.constant 48 : i32
    %add3A_24 = arith.addi %arg1, %add3A_23 : i32
    %lt3A_25 = arith.constant 250 : i32
    %lt3A_26 = arith.cmpi slt, %add3A_24, %lt3A_25 : i32
    %convert_element_type3A_27 = arith.extui %lt3A_26 : i1 to i32
    %cond3A_28 = arith.constant 0 : i32
    %cond3A_29 = arith.cmpi ne, %convert_element_type3A_27, %cond3A_28 : i32
    scf.if %cond3A_29 {
      %mul3A_544 = arith.constant 200 : i32
      %mul3A_545 = arith.muli %add3A_24, %mul3A_544 : i32
      "tpu.region"() ({
        %run_scoped3A = tpu.sem_alloc : memref<!tpu.dma_semaphore, #tpu.memory_space<semaphore_mem>>
        %dma_start3A_546 = arith.constant 0 : i32
        %dma_start3A_547 = tpu.memref_slice %arg7[%mul3A_545, %dma_start3A_546] : memref<50000x32xf32, #tpu.memory_space<vmem_shared>> -> memref<200x32xf32, #tpu.memory_space<vmem_shared>>
        %dma_start3A_548 = arith.constant 0 : i32
        %dma_start3A_549 = tpu.memref_slice %arg7[%mul3A_545, %dma_start3A_548] : memref<50000x32xf32, #tpu.memory_space<vmem_shared>> -> memref<200x32xf32, #tpu.memory_space<vmem_shared>>
        tpu.enqueue_dma source(%arg14 : memref<200x32xf32, #tpu.memory_space<vmem>>) target(%dma_start3A_549 : memref<200x32xf32, #tpu.memory_space<vmem_shared>>) target_semaphore(%run_scoped3A : memref<!tpu.dma_semaphore, #tpu.memory_space<semaphore_mem>>)
        %dma_wait3A_550 = arith.constant 0 : i32
        %dma_wait3A_551 = tpu.memref_slice %arg7[%mul3A_545, %dma_wait3A_550] : memref<50000x32xf32, #tpu.memory_space<vmem_shared>> -> memref<200x32xf32, #tpu.memory_space<vmem_shared>>
        %dma_wait3A_552 = arith.constant 0 : i32
        %dma_wait3A_553 = tpu.memref_slice %arg7[%mul3A_545, %dma_wait3A_552] : memref<50000x32xf32, #tpu.memory_space<vmem_shared>> -> memref<200x32xf32, #tpu.memory_space<vmem_shared>>
        tpu.wait_dma2 semaphore(%run_scoped3A : memref<!tpu.dma_semaphore, #tpu.memory_space<semaphore_mem>>) src(%arg14 : memref<200x32xf32, #tpu.memory_space<vmem>>) dst(%dma_wait3A_553 : memref<200x32xf32, #tpu.memory_space<vmem_shared>>)
        tpu.yield
      }) : () -> ()
    } else {
    }
    %add3A_30 = arith.constant 64 : i32
    %add3A_31 = arith.addi %arg1, %add3A_30 : i32
    %lt3A_32 = arith.constant 250 : i32
    %lt3A_33 = arith.cmpi slt, %add3A_31, %lt3A_32 : i32
    %convert_element_type3A_34 = arith.extui %lt3A_33 : i1 to i32
    %cond3A_35 = arith.constant 0 : i32
    %cond3A_36 = arith.cmpi ne, %convert_element_type3A_34, %cond3A_35 : i32
    scf.if %cond3A_36 {
      %mul3A_544 = arith.constant 200 : i32
      %mul3A_545 = arith.muli %add3A_31, %mul3A_544 : i32
      "tpu.region"() ({
        %run_scoped3A = tpu.sem_alloc : memref<!tpu.dma_semaphore, #tpu.memory_space<semaphore_mem>>
        %dma_start3A_546 = arith.constant 0 : i32
        %dma_start3A_547 = tpu.memref_slice %arg7[%mul3A_545, %dma_start3A_546] : memref<50000x32xf32, #tpu.memory_space<vmem_shared>> -> memref<200x32xf32, #tpu.memory_space<vmem_shared>>
        %dma_start3A_548 = arith.constant 0 : i32
        %dma_start3A_549 = tpu.memref_slice %arg7[%mul3A_545, %dma_start3A_548] : memref<50000x32xf32, #tpu.memory_space<vmem_shared>> -> memref<200x32xf32, #tpu.memory_space<vmem_shared>>
        tpu.enqueue_dma source(%arg14 : memref<200x32xf32, #tpu.memory_space<vmem>>) target(%dma_start3A_549 : memref<200x32xf32, #tpu.memory_space<vmem_shared>>) target_semaphore(%run_scoped3A : memref<!tpu.dma_semaphore, #tpu.memory_space<semaphore_mem>>)
        %dma_wait3A_550 = arith.constant 0 : i32
        %dma_wait3A_551 = tpu.memref_slice %arg7[%mul3A_545, %dma_wait3A_550] : memref<50000x32xf32, #tpu.memory_space<vmem_shared>> -> memref<200x32xf32, #tpu.memory_space<vmem_shared>>
        %dma_wait3A_552 = arith.constant 0 : i32
        %dma_wait3A_553 = tpu.memref_slice %arg7[%mul3A_545, %dma_wait3A_552] : memref<50000x32xf32, #tpu.memory_space<vmem_shared>> -> memref<200x32xf32, #tpu.memory_space<vmem_shared>>
        tpu.wait_dma2 semaphore(%run_scoped3A : memref<!tpu.dma_semaphore, #tpu.memory_space<semaphore_mem>>) src(%arg14 : memref<200x32xf32, #tpu.memory_space<vmem>>) dst(%dma_wait3A_553 : memref<200x32xf32, #tpu.memory_space<vmem_shared>>)
        tpu.yield
      }) : () -> ()
    } else {
    }
    %add3A_37 = arith.constant 80 : i32
    %add3A_38 = arith.addi %arg1, %add3A_37 : i32
    %lt3A_39 = arith.constant 250 : i32
    %lt3A_40 = arith.cmpi slt, %add3A_38, %lt3A_39 : i32
    %convert_element_type3A_41 = arith.extui %lt3A_40 : i1 to i32
    %cond3A_42 = arith.constant 0 : i32
    %cond3A_43 = arith.cmpi ne, %convert_element_type3A_41, %cond3A_42 : i32
    scf.if %cond3A_43 {
      %mul3A_544 = arith.constant 200 : i32
      %mul3A_545 = arith.muli %add3A_38, %mul3A_544 : i32
      "tpu.region"() ({
        %run_scoped3A = tpu.sem_alloc : memref<!tpu.dma_semaphore, #tpu.memory_space<semaphore_mem>>
        %dma_start3A_546 = arith.constant 0 : i32
        %dma_start3A_547 = tpu.memref_slice %arg7[%mul3A_545, %dma_start3A_546] : memref<50000x32xf32, #tpu.memory_space<vmem_shared>> -> memref<200x32xf32, #tpu.memory_space<vmem_shared>>
        %dma_start3A_548 = arith.constant 0 : i32
        %dma_start3A_549 = tpu.memref_slice %arg7[%mul3A_545, %dma_start3A_548] : memref<50000x32xf32, #tpu.memory_space<vmem_shared>> -> memref<200x32xf32, #tpu.memory_space<vmem_shared>>
        tpu.enqueue_dma source(%arg14 : memref<200x32xf32, #tpu.memory_space<vmem>>) target(%dma_start3A_549 : memref<200x32xf32, #tpu.memory_space<vmem_shared>>) target_semaphore(%run_scoped3A : memref<!tpu.dma_semaphore, #tpu.memory_space<semaphore_mem>>)
        %dma_wait3A_550 = arith.constant 0 : i32
        %dma_wait3A_551 = tpu.memref_slice %arg7[%mul3A_545, %dma_wait3A_550] : memref<50000x32xf32, #tpu.memory_space<vmem_shared>> -> memref<200x32xf32, #tpu.memory_space<vmem_shared>>
        %dma_wait3A_552 = arith.constant 0 : i32
        %dma_wait3A_553 = tpu.memref_slice %arg7[%mul3A_545, %dma_wait3A_552] : memref<50000x32xf32, #tpu.memory_space<vmem_shared>> -> memref<200x32xf32, #tpu.memory_space<vmem_shared>>
        tpu.wait_dma2 semaphore(%run_scoped3A : memref<!tpu.dma_semaphore, #tpu.memory_space<semaphore_mem>>) src(%arg14 : memref<200x32xf32, #tpu.memory_space<vmem>>) dst(%dma_wait3A_553 : memref<200x32xf32, #tpu.memory_space<vmem_shared>>)
        tpu.yield
      }) : () -> ()
    } else {
    }
    %add3A_44 = arith.constant 96 : i32
    %add3A_45 = arith.addi %arg1, %add3A_44 : i32
    %lt3A_46 = arith.constant 250 : i32
    %lt3A_47 = arith.cmpi slt, %add3A_45, %lt3A_46 : i32
    %convert_element_type3A_48 = arith.extui %lt3A_47 : i1 to i32
    %cond3A_49 = arith.constant 0 : i32
    %cond3A_50 = arith.cmpi ne, %convert_element_type3A_48, %cond3A_49 : i32
    scf.if %cond3A_50 {
      %mul3A_544 = arith.constant 200 : i32
      %mul3A_545 = arith.muli %add3A_45, %mul3A_544 : i32
      "tpu.region"() ({
        %run_scoped3A = tpu.sem_alloc : memref<!tpu.dma_semaphore, #tpu.memory_space<semaphore_mem>>
        %dma_start3A_546 = arith.constant 0 : i32
        %dma_start3A_547 = tpu.memref_slice %arg7[%mul3A_545, %dma_start3A_546] : memref<50000x32xf32, #tpu.memory_space<vmem_shared>> -> memref<200x32xf32, #tpu.memory_space<vmem_shared>>
        %dma_start3A_548 = arith.constant 0 : i32
        %dma_start3A_549 = tpu.memref_slice %arg7[%mul3A_545, %dma_start3A_548] : memref<50000x32xf32, #tpu.memory_space<vmem_shared>> -> memref<200x32xf32, #tpu.memory_space<vmem_shared>>
        tpu.enqueue_dma source(%arg14 : memref<200x32xf32, #tpu.memory_space<vmem>>) target(%dma_start3A_549 : memref<200x32xf32, #tpu.memory_space<vmem_shared>>) target_semaphore(%run_scoped3A : memref<!tpu.dma_semaphore, #tpu.memory_space<semaphore_mem>>)
        %dma_wait3A_550 = arith.constant 0 : i32
        %dma_wait3A_551 = tpu.memref_slice %arg7[%mul3A_545, %dma_wait3A_550] : memref<50000x32xf32, #tpu.memory_space<vmem_shared>> -> memref<200x32xf32, #tpu.memory_space<vmem_shared>>
        %dma_wait3A_552 = arith.constant 0 : i32
        %dma_wait3A_553 = tpu.memref_slice %arg7[%mul3A_545, %dma_wait3A_552] : memref<50000x32xf32, #tpu.memory_space<vmem_shared>> -> memref<200x32xf32, #tpu.memory_space<vmem_shared>>
        tpu.wait_dma2 semaphore(%run_scoped3A : memref<!tpu.dma_semaphore, #tpu.memory_space<semaphore_mem>>) src(%arg14 : memref<200x32xf32, #tpu.memory_space<vmem>>) dst(%dma_wait3A_553 : memref<200x32xf32, #tpu.memory_space<vmem_shared>>)
        tpu.yield
      }) : () -> ()
    } else {
    }
    %add3A_51 = arith.constant 112 : i32
    %add3A_52 = arith.addi %arg1, %add3A_51 : i32
    %lt3A_53 = arith.constant 250 : i32
    %lt3A_54 = arith.cmpi slt, %add3A_52, %lt3A_53 : i32
    %convert_element_type3A_55 = arith.extui %lt3A_54 : i1 to i32
    %cond3A_56 = arith.constant 0 : i32
    %cond3A_57 = arith.cmpi ne, %convert_element_type3A_55, %cond3A_56 : i32
    scf.if %cond3A_57 {
      %mul3A_544 = arith.constant 200 : i32
      %mul3A_545 = arith.muli %add3A_52, %mul3A_544 : i32
      "tpu.region"() ({
        %run_scoped3A = tpu.sem_alloc : memref<!tpu.dma_semaphore, #tpu.memory_space<semaphore_mem>>
        %dma_start3A_546 = arith.constant 0 : i32
        %dma_start3A_547 = tpu.memref_slice %arg7[%mul3A_545, %dma_start3A_546] : memref<50000x32xf32, #tpu.memory_space<vmem_shared>> -> memref<200x32xf32, #tpu.memory_space<vmem_shared>>
        %dma_start3A_548 = arith.constant 0 : i32
        %dma_start3A_549 = tpu.memref_slice %arg7[%mul3A_545, %dma_start3A_548] : memref<50000x32xf32, #tpu.memory_space<vmem_shared>> -> memref<200x32xf32, #tpu.memory_space<vmem_shared>>
        tpu.enqueue_dma source(%arg14 : memref<200x32xf32, #tpu.memory_space<vmem>>) target(%dma_start3A_549 : memref<200x32xf32, #tpu.memory_space<vmem_shared>>) target_semaphore(%run_scoped3A : memref<!tpu.dma_semaphore, #tpu.memory_space<semaphore_mem>>)
        %dma_wait3A_550 = arith.constant 0 : i32
        %dma_wait3A_551 = tpu.memref_slice %arg7[%mul3A_545, %dma_wait3A_550] : memref<50000x32xf32, #tpu.memory_space<vmem_shared>> -> memref<200x32xf32, #tpu.memory_space<vmem_shared>>
        %dma_wait3A_552 = arith.constant 0 : i32
        %dma_wait3A_553 = tpu.memref_slice %arg7[%mul3A_545, %dma_wait3A_552] : memref<50000x32xf32, #tpu.memory_space<vmem_shared>> -> memref<200x32xf32, #tpu.memory_space<vmem_shared>>
        tpu.wait_dma2 semaphore(%run_scoped3A : memref<!tpu.dma_semaphore, #tpu.memory_space<semaphore_mem>>) src(%arg14 : memref<200x32xf32, #tpu.memory_space<vmem>>) dst(%dma_wait3A_553 : memref<200x32xf32, #tpu.memory_space<vmem_shared>>)
        tpu.yield
      }) : () -> ()
    } else {
    }
    %add3A_58 = arith.constant 128 : i32
    %add3A_59 = arith.addi %arg1, %add3A_58 : i32
    %lt3A_60 = arith.constant 250 : i32
    %lt3A_61 = arith.cmpi slt, %add3A_59, %lt3A_60 : i32
    %convert_element_type3A_62 = arith.extui %lt3A_61 : i1 to i32
    %cond3A_63 = arith.constant 0 : i32
    %cond3A_64 = arith.cmpi ne, %convert_element_type3A_62, %cond3A_63 : i32
    scf.if %cond3A_64 {
      %mul3A_544 = arith.constant 200 : i32
      %mul3A_545 = arith.muli %add3A_59, %mul3A_544 : i32
      "tpu.region"() ({
        %run_scoped3A = tpu.sem_alloc : memref<!tpu.dma_semaphore, #tpu.memory_space<semaphore_mem>>
        %dma_start3A_546 = arith.constant 0 : i32
        %dma_start3A_547 = tpu.memref_slice %arg7[%mul3A_545, %dma_start3A_546] : memref<50000x32xf32, #tpu.memory_space<vmem_shared>> -> memref<200x32xf32, #tpu.memory_space<vmem_shared>>
        %dma_start3A_548 = arith.constant 0 : i32
        %dma_start3A_549 = tpu.memref_slice %arg7[%mul3A_545, %dma_start3A_548] : memref<50000x32xf32, #tpu.memory_space<vmem_shared>> -> memref<200x32xf32, #tpu.memory_space<vmem_shared>>
        tpu.enqueue_dma source(%arg14 : memref<200x32xf32, #tpu.memory_space<vmem>>) target(%dma_start3A_549 : memref<200x32xf32, #tpu.memory_space<vmem_shared>>) target_semaphore(%run_scoped3A : memref<!tpu.dma_semaphore, #tpu.memory_space<semaphore_mem>>)
        %dma_wait3A_550 = arith.constant 0 : i32
        %dma_wait3A_551 = tpu.memref_slice %arg7[%mul3A_545, %dma_wait3A_550] : memref<50000x32xf32, #tpu.memory_space<vmem_shared>> -> memref<200x32xf32, #tpu.memory_space<vmem_shared>>
        %dma_wait3A_552 = arith.constant 0 : i32
        %dma_wait3A_553 = tpu.memref_slice %arg7[%mul3A_545, %dma_wait3A_552] : memref<50000x32xf32, #tpu.memory_space<vmem_shared>> -> memref<200x32xf32, #tpu.memory_space<vmem_shared>>
        tpu.wait_dma2 semaphore(%run_scoped3A : memref<!tpu.dma_semaphore, #tpu.memory_space<semaphore_mem>>) src(%arg14 : memref<200x32xf32, #tpu.memory_space<vmem>>) dst(%dma_wait3A_553 : memref<200x32xf32, #tpu.memory_space<vmem_shared>>)
        tpu.yield
      }) : () -> ()
    } else {
    }
    %add3A_65 = arith.constant 144 : i32
    %add3A_66 = arith.addi %arg1, %add3A_65 : i32
    %lt3A_67 = arith.constant 250 : i32
    %lt3A_68 = arith.cmpi slt, %add3A_66, %lt3A_67 : i32
    %convert_element_type3A_69 = arith.extui %lt3A_68 : i1 to i32
    %cond3A_70 = arith.constant 0 : i32
    %cond3A_71 = arith.cmpi ne, %convert_element_type3A_69, %cond3A_70 : i32
    scf.if %cond3A_71 {
      %mul3A_544 = arith.constant 200 : i32
      %mul3A_545 = arith.muli %add3A_66, %mul3A_544 : i32
      "tpu.region"() ({
        %run_scoped3A = tpu.sem_alloc : memref<!tpu.dma_semaphore, #tpu.memory_space<semaphore_mem>>
        %dma_start3A_546 = arith.constant 0 : i32
        %dma_start3A_547 = tpu.memref_slice %arg7[%mul3A_545, %dma_start3A_546] : memref<50000x32xf32, #tpu.memory_space<vmem_shared>> -> memref<200x32xf32, #tpu.memory_space<vmem_shared>>
        %dma_start3A_548 = arith.constant 0 : i32
        %dma_start3A_549 = tpu.memref_slice %arg7[%mul3A_545, %dma_start3A_548] : memref<50000x32xf32, #tpu.memory_space<vmem_shared>> -> memref<200x32xf32, #tpu.memory_space<vmem_shared>>
        tpu.enqueue_dma source(%arg14 : memref<200x32xf32, #tpu.memory_space<vmem>>) target(%dma_start3A_549 : memref<200x32xf32, #tpu.memory_space<vmem_shared>>) target_semaphore(%run_scoped3A : memref<!tpu.dma_semaphore, #tpu.memory_space<semaphore_mem>>)
        %dma_wait3A_550 = arith.constant 0 : i32
        %dma_wait3A_551 = tpu.memref_slice %arg7[%mul3A_545, %dma_wait3A_550] : memref<50000x32xf32, #tpu.memory_space<vmem_shared>> -> memref<200x32xf32, #tpu.memory_space<vmem_shared>>
        %dma_wait3A_552 = arith.constant 0 : i32
        %dma_wait3A_553 = tpu.memref_slice %arg7[%mul3A_545, %dma_wait3A_552] : memref<50000x32xf32, #tpu.memory_space<vmem_shared>> -> memref<200x32xf32, #tpu.memory_space<vmem_shared>>
        tpu.wait_dma2 semaphore(%run_scoped3A : memref<!tpu.dma_semaphore, #tpu.memory_space<semaphore_mem>>) src(%arg14 : memref<200x32xf32, #tpu.memory_space<vmem>>) dst(%dma_wait3A_553 : memref<200x32xf32, #tpu.memory_space<vmem_shared>>)
        tpu.yield
      }) : () -> ()
    } else {
    }
    %add3A_72 = arith.constant 160 : i32
    %add3A_73 = arith.addi %arg1, %add3A_72 : i32
    %lt3A_74 = arith.constant 250 : i32
    %lt3A_75 = arith.cmpi slt, %add3A_73, %lt3A_74 : i32
    %convert_element_type3A_76 = arith.extui %lt3A_75 : i1 to i32
    %cond3A_77 = arith.constant 0 : i32
    %cond3A_78 = arith.cmpi ne, %convert_element_type3A_76, %cond3A_77 : i32
    scf.if %cond3A_78 {
      %mul3A_544 = arith.constant 200 : i32
      %mul3A_545 = arith.muli %add3A_73, %mul3A_544 : i32
      "tpu.region"() ({
        %run_scoped3A = tpu.sem_alloc : memref<!tpu.dma_semaphore, #tpu.memory_space<semaphore_mem>>
        %dma_start3A_546 = arith.constant 0 : i32
        %dma_start3A_547 = tpu.memref_slice %arg7[%mul3A_545, %dma_start3A_546] : memref<50000x32xf32, #tpu.memory_space<vmem_shared>> -> memref<200x32xf32, #tpu.memory_space<vmem_shared>>
        %dma_start3A_548 = arith.constant 0 : i32
        %dma_start3A_549 = tpu.memref_slice %arg7[%mul3A_545, %dma_start3A_548] : memref<50000x32xf32, #tpu.memory_space<vmem_shared>> -> memref<200x32xf32, #tpu.memory_space<vmem_shared>>
        tpu.enqueue_dma source(%arg14 : memref<200x32xf32, #tpu.memory_space<vmem>>) target(%dma_start3A_549 : memref<200x32xf32, #tpu.memory_space<vmem_shared>>) target_semaphore(%run_scoped3A : memref<!tpu.dma_semaphore, #tpu.memory_space<semaphore_mem>>)
        %dma_wait3A_550 = arith.constant 0 : i32
        %dma_wait3A_551 = tpu.memref_slice %arg7[%mul3A_545, %dma_wait3A_550] : memref<50000x32xf32, #tpu.memory_space<vmem_shared>> -> memref<200x32xf32, #tpu.memory_space<vmem_shared>>
        %dma_wait3A_552 = arith.constant 0 : i32
        %dma_wait3A_553 = tpu.memref_slice %arg7[%mul3A_545, %dma_wait3A_552] : memref<50000x32xf32, #tpu.memory_space<vmem_shared>> -> memref<200x32xf32, #tpu.memory_space<vmem_shared>>
        tpu.wait_dma2 semaphore(%run_scoped3A : memref<!tpu.dma_semaphore, #tpu.memory_space<semaphore_mem>>) src(%arg14 : memref<200x32xf32, #tpu.memory_space<vmem>>) dst(%dma_wait3A_553 : memref<200x32xf32, #tpu.memory_space<vmem_shared>>)
        tpu.yield
      }) : () -> ()
    } else {
    }
    %add3A_79 = arith.constant 176 : i32
    %add3A_80 = arith.addi %arg1, %add3A_79 : i32
    %lt3A_81 = arith.constant 250 : i32
    %lt3A_82 = arith.cmpi slt, %add3A_80, %lt3A_81 : i32
    %convert_element_type3A_83 = arith.extui %lt3A_82 : i1 to i32
    %cond3A_84 = arith.constant 0 : i32
    %cond3A_85 = arith.cmpi ne, %convert_element_type3A_83, %cond3A_84 : i32
    scf.if %cond3A_85 {
      %mul3A_544 = arith.constant 200 : i32
      %mul3A_545 = arith.muli %add3A_80, %mul3A_544 : i32
      "tpu.region"() ({
        %run_scoped3A = tpu.sem_alloc : memref<!tpu.dma_semaphore, #tpu.memory_space<semaphore_mem>>
        %dma_start3A_546 = arith.constant 0 : i32
        %dma_start3A_547 = tpu.memref_slice %arg7[%mul3A_545, %dma_start3A_546] : memref<50000x32xf32, #tpu.memory_space<vmem_shared>> -> memref<200x32xf32, #tpu.memory_space<vmem_shared>>
        %dma_start3A_548 = arith.constant 0 : i32
        %dma_start3A_549 = tpu.memref_slice %arg7[%mul3A_545, %dma_start3A_548] : memref<50000x32xf32, #tpu.memory_space<vmem_shared>> -> memref<200x32xf32, #tpu.memory_space<vmem_shared>>
        tpu.enqueue_dma source(%arg14 : memref<200x32xf32, #tpu.memory_space<vmem>>) target(%dma_start3A_549 : memref<200x32xf32, #tpu.memory_space<vmem_shared>>) target_semaphore(%run_scoped3A : memref<!tpu.dma_semaphore, #tpu.memory_space<semaphore_mem>>)
        %dma_wait3A_550 = arith.constant 0 : i32
        %dma_wait3A_551 = tpu.memref_slice %arg7[%mul3A_545, %dma_wait3A_550] : memref<50000x32xf32, #tpu.memory_space<vmem_shared>> -> memref<200x32xf32, #tpu.memory_space<vmem_shared>>
        %dma_wait3A_552 = arith.constant 0 : i32
        %dma_wait3A_553 = tpu.memref_slice %arg7[%mul3A_545, %dma_wait3A_552] : memref<50000x32xf32, #tpu.memory_space<vmem_shared>> -> memref<200x32xf32, #tpu.memory_space<vmem_shared>>
        tpu.wait_dma2 semaphore(%run_scoped3A : memref<!tpu.dma_semaphore, #tpu.memory_space<semaphore_mem>>) src(%arg14 : memref<200x32xf32, #tpu.memory_space<vmem>>) dst(%dma_wait3A_553 : memref<200x32xf32, #tpu.memory_space<vmem_shared>>)
        tpu.yield
      }) : () -> ()
    } else {
    }
    %add3A_86 = arith.constant 192 : i32
    %add3A_87 = arith.addi %arg1, %add3A_86 : i32
    %lt3A_88 = arith.constant 250 : i32
    %lt3A_89 = arith.cmpi slt, %add3A_87, %lt3A_88 : i32
    %convert_element_type3A_90 = arith.extui %lt3A_89 : i1 to i32
    %cond3A_91 = arith.constant 0 : i32
    %cond3A_92 = arith.cmpi ne, %convert_element_type3A_90, %cond3A_91 : i32
    scf.if %cond3A_92 {
      %mul3A_544 = arith.constant 200 : i32
      %mul3A_545 = arith.muli %add3A_87, %mul3A_544 : i32
      "tpu.region"() ({
        %run_scoped3A = tpu.sem_alloc : memref<!tpu.dma_semaphore, #tpu.memory_space<semaphore_mem>>
        %dma_start3A_546 = arith.constant 0 : i32
        %dma_start3A_547 = tpu.memref_slice %arg7[%mul3A_545, %dma_start3A_546] : memref<50000x32xf32, #tpu.memory_space<vmem_shared>> -> memref<200x32xf32, #tpu.memory_space<vmem_shared>>
        %dma_start3A_548 = arith.constant 0 : i32
        %dma_start3A_549 = tpu.memref_slice %arg7[%mul3A_545, %dma_start3A_548] : memref<50000x32xf32, #tpu.memory_space<vmem_shared>> -> memref<200x32xf32, #tpu.memory_space<vmem_shared>>
        tpu.enqueue_dma source(%arg14 : memref<200x32xf32, #tpu.memory_space<vmem>>) target(%dma_start3A_549 : memref<200x32xf32, #tpu.memory_space<vmem_shared>>) target_semaphore(%run_scoped3A : memref<!tpu.dma_semaphore, #tpu.memory_space<semaphore_mem>>)
        %dma_wait3A_550 = arith.constant 0 : i32
        %dma_wait3A_551 = tpu.memref_slice %arg7[%mul3A_545, %dma_wait3A_550] : memref<50000x32xf32, #tpu.memory_space<vmem_shared>> -> memref<200x32xf32, #tpu.memory_space<vmem_shared>>
        %dma_wait3A_552 = arith.constant 0 : i32
        %dma_wait3A_553 = tpu.memref_slice %arg7[%mul3A_545, %dma_wait3A_552] : memref<50000x32xf32, #tpu.memory_space<vmem_shared>> -> memref<200x32xf32, #tpu.memory_space<vmem_shared>>
        tpu.wait_dma2 semaphore(%run_scoped3A : memref<!tpu.dma_semaphore, #tpu.memory_space<semaphore_mem>>) src(%arg14 : memref<200x32xf32, #tpu.memory_space<vmem>>) dst(%dma_wait3A_553 : memref<200x32xf32, #tpu.memory_space<vmem_shared>>)
        tpu.yield
      }) : () -> ()
    } else {
    }
    %add3A_93 = arith.constant 208 : i32
    %add3A_94 = arith.addi %arg1, %add3A_93 : i32
    %lt3A_95 = arith.constant 250 : i32
    %lt3A_96 = arith.cmpi slt, %add3A_94, %lt3A_95 : i32
    %convert_element_type3A_97 = arith.extui %lt3A_96 : i1 to i32
    %cond3A_98 = arith.constant 0 : i32
    %cond3A_99 = arith.cmpi ne, %convert_element_type3A_97, %cond3A_98 : i32
    scf.if %cond3A_99 {
      %mul3A_544 = arith.constant 200 : i32
      %mul3A_545 = arith.muli %add3A_94, %mul3A_544 : i32
      "tpu.region"() ({
        %run_scoped3A = tpu.sem_alloc : memref<!tpu.dma_semaphore, #tpu.memory_space<semaphore_mem>>
        %dma_start3A_546 = arith.constant 0 : i32
        %dma_start3A_547 = tpu.memref_slice %arg7[%mul3A_545, %dma_start3A_546] : memref<50000x32xf32, #tpu.memory_space<vmem_shared>> -> memref<200x32xf32, #tpu.memory_space<vmem_shared>>
        %dma_start3A_548 = arith.constant 0 : i32
        %dma_start3A_549 = tpu.memref_slice %arg7[%mul3A_545, %dma_start3A_548] : memref<50000x32xf32, #tpu.memory_space<vmem_shared>> -> memref<200x32xf32, #tpu.memory_space<vmem_shared>>
        tpu.enqueue_dma source(%arg14 : memref<200x32xf32, #tpu.memory_space<vmem>>) target(%dma_start3A_549 : memref<200x32xf32, #tpu.memory_space<vmem_shared>>) target_semaphore(%run_scoped3A : memref<!tpu.dma_semaphore, #tpu.memory_space<semaphore_mem>>)
        %dma_wait3A_550 = arith.constant 0 : i32
        %dma_wait3A_551 = tpu.memref_slice %arg7[%mul3A_545, %dma_wait3A_550] : memref<50000x32xf32, #tpu.memory_space<vmem_shared>> -> memref<200x32xf32, #tpu.memory_space<vmem_shared>>
        %dma_wait3A_552 = arith.constant 0 : i32
        %dma_wait3A_553 = tpu.memref_slice %arg7[%mul3A_545, %dma_wait3A_552] : memref<50000x32xf32, #tpu.memory_space<vmem_shared>> -> memref<200x32xf32, #tpu.memory_space<vmem_shared>>
        tpu.wait_dma2 semaphore(%run_scoped3A : memref<!tpu.dma_semaphore, #tpu.memory_space<semaphore_mem>>) src(%arg14 : memref<200x32xf32, #tpu.memory_space<vmem>>) dst(%dma_wait3A_553 : memref<200x32xf32, #tpu.memory_space<vmem_shared>>)
        tpu.yield
      }) : () -> ()
    } else {
    }
    %add3A_100 = arith.constant 224 : i32
    %add3A_101 = arith.addi %arg1, %add3A_100 : i32
    %lt3A_102 = arith.constant 250 : i32
    %lt3A_103 = arith.cmpi slt, %add3A_101, %lt3A_102 : i32
    %convert_element_type3A_104 = arith.extui %lt3A_103 : i1 to i32
    %cond3A_105 = arith.constant 0 : i32
    %cond3A_106 = arith.cmpi ne, %convert_element_type3A_104, %cond3A_105 : i32
    scf.if %cond3A_106 {
      %mul3A_544 = arith.constant 200 : i32
      %mul3A_545 = arith.muli %add3A_101, %mul3A_544 : i32
      "tpu.region"() ({
        %run_scoped3A = tpu.sem_alloc : memref<!tpu.dma_semaphore, #tpu.memory_space<semaphore_mem>>
        %dma_start3A_546 = arith.constant 0 : i32
        %dma_start3A_547 = tpu.memref_slice %arg7[%mul3A_545, %dma_start3A_546] : memref<50000x32xf32, #tpu.memory_space<vmem_shared>> -> memref<200x32xf32, #tpu.memory_space<vmem_shared>>
        %dma_start3A_548 = arith.constant 0 : i32
        %dma_start3A_549 = tpu.memref_slice %arg7[%mul3A_545, %dma_start3A_548] : memref<50000x32xf32, #tpu.memory_space<vmem_shared>> -> memref<200x32xf32, #tpu.memory_space<vmem_shared>>
        tpu.enqueue_dma source(%arg14 : memref<200x32xf32, #tpu.memory_space<vmem>>) target(%dma_start3A_549 : memref<200x32xf32, #tpu.memory_space<vmem_shared>>) target_semaphore(%run_scoped3A : memref<!tpu.dma_semaphore, #tpu.memory_space<semaphore_mem>>)
        %dma_wait3A_550 = arith.constant 0 : i32
        %dma_wait3A_551 = tpu.memref_slice %arg7[%mul3A_545, %dma_wait3A_550] : memref<50000x32xf32, #tpu.memory_space<vmem_shared>> -> memref<200x32xf32, #tpu.memory_space<vmem_shared>>
        %dma_wait3A_552 = arith.constant 0 : i32
        %dma_wait3A_553 = tpu.memref_slice %arg7[%mul3A_545, %dma_wait3A_552] : memref<50000x32xf32, #tpu.memory_space<vmem_shared>> -> memref<200x32xf32, #tpu.memory_space<vmem_shared>>
        tpu.wait_dma2 semaphore(%run_scoped3A : memref<!tpu.dma_semaphore, #tpu.memory_space<semaphore_mem>>) src(%arg14 : memref<200x32xf32, #tpu.memory_space<vmem>>) dst(%dma_wait3A_553 : memref<200x32xf32, #tpu.memory_space<vmem_shared>>)
        tpu.yield
      }) : () -> ()
    } else {
    }
    %add3A_107 = arith.constant 240 : i32
    %add3A_108 = arith.addi %arg1, %add3A_107 : i32
    %lt3A_109 = arith.constant 250 : i32
    %lt3A_110 = arith.cmpi slt, %add3A_108, %lt3A_109 : i32
    %convert_element_type3A_111 = arith.extui %lt3A_110 : i1 to i32
    %cond3A_112 = arith.constant 0 : i32
    %cond3A_113 = arith.cmpi ne, %convert_element_type3A_111, %cond3A_112 : i32
    scf.if %cond3A_113 {
      %mul3A_544 = arith.constant 200 : i32
      %mul3A_545 = arith.muli %add3A_108, %mul3A_544 : i32
      "tpu.region"() ({
        %run_scoped3A = tpu.sem_alloc : memref<!tpu.dma_semaphore, #tpu.memory_space<semaphore_mem>>
        %dma_start3A_546 = arith.constant 0 : i32
        %dma_start3A_547 = tpu.memref_slice %arg7[%mul3A_545, %dma_start3A_546] : memref<50000x32xf32, #tpu.memory_space<vmem_shared>> -> memref<200x32xf32, #tpu.memory_space<vmem_shared>>
        %dma_start3A_548 = arith.constant 0 : i32
        %dma_start3A_549 = tpu.memref_slice %arg7[%mul3A_545, %dma_start3A_548] : memref<50000x32xf32, #tpu.memory_space<vmem_shared>> -> memref<200x32xf32, #tpu.memory_space<vmem_shared>>
        tpu.enqueue_dma source(%arg14 : memref<200x32xf32, #tpu.memory_space<vmem>>) target(%dma_start3A_549 : memref<200x32xf32, #tpu.memory_space<vmem_shared>>) target_semaphore(%run_scoped3A : memref<!tpu.dma_semaphore, #tpu.memory_space<semaphore_mem>>)
        %dma_wait3A_550 = arith.constant 0 : i32
        %dma_wait3A_551 = tpu.memref_slice %arg7[%mul3A_545, %dma_wait3A_550] : memref<50000x32xf32, #tpu.memory_space<vmem_shared>> -> memref<200x32xf32, #tpu.memory_space<vmem_shared>>
        %dma_wait3A_552 = arith.constant 0 : i32
        %dma_wait3A_553 = tpu.memref_slice %arg7[%mul3A_545, %dma_wait3A_552] : memref<50000x32xf32, #tpu.memory_space<vmem_shared>> -> memref<200x32xf32, #tpu.memory_space<vmem_shared>>
        tpu.wait_dma2 semaphore(%run_scoped3A : memref<!tpu.dma_semaphore, #tpu.memory_space<semaphore_mem>>) src(%arg14 : memref<200x32xf32, #tpu.memory_space<vmem>>) dst(%dma_wait3A_553 : memref<200x32xf32, #tpu.memory_space<vmem_shared>>)
        tpu.yield
      }) : () -> ()
    } else {
    }
    %barrier3A = arith.constant 0 : index
    tpu.barrier barrier_id(%barrier3A)
    %mul3A = arith.constant 50000 : i32
    %mul3A_114 = arith.muli %arg0, %mul3A : i32
    %mul3A_115 = arith.constant 50000 : i32
    %mul3A_116 = arith.muli %arg1, %mul3A_115 : i32
    %add3A_117 = arith.constant 0 : i32
    %add3A_118 = arith.addi %mul3A_116, %add3A_117 : i32
    %dma_start3A = arith.constant 0 : i32
    %dma_start3A_119 = arith.constant 0 : i32
    %dma_start3A_120 = arith.constant 0 : i32
    %dma_start3A_121 = tpu.memref_slice %arg8[%dma_start3A, %dma_start3A_120] : memref<2x2000xi32, #tpu.memory_space<vmem>> -> memref<1x2000xi32, #tpu.memory_space<vmem>>
    %dma_start3A_122 = tpu.memref_squeeze %dma_start3A_121 : memref<1x2000xi32, #tpu.memory_space<vmem>> -> memref<2000xi32, #tpu.memory_space<vmem>>
    %dma_start3A_123 = tpu.memref_slice %arg3[%add3A_118] : memref<800000xi32, #tpu.memory_space<hbm>> -> memref<2000xi32, #tpu.memory_space<hbm>>
    %dma_start3A_124 = tpu.memref_slice %arg15[%dma_start3A_119] : memref<2x!tpu.dma_semaphore, #tpu.memory_space<semaphore_mem>> -> memref<1x!tpu.dma_semaphore, #tpu.memory_space<semaphore_mem>>
    %dma_start3A_125 = tpu.memref_squeeze %dma_start3A_124 : memref<1x!tpu.dma_semaphore, #tpu.memory_space<semaphore_mem>> -> memref<!tpu.dma_semaphore, #tpu.memory_space<semaphore_mem>>
    %dma_start3A_126 = arith.constant 0 : i32
    %dma_start3A_127 = tpu.memref_slice %arg8[%dma_start3A, %dma_start3A_126] : memref<2x2000xi32, #tpu.memory_space<vmem>> -> memref<1x2000xi32, #tpu.memory_space<vmem>>
    %dma_start3A_128 = tpu.memref_squeeze %dma_start3A_127 : memref<1x2000xi32, #tpu.memory_space<vmem>> -> memref<2000xi32, #tpu.memory_space<vmem>>
    %dma_start3A_129 = tpu.memref_slice %arg3[%add3A_118] : memref<800000xi32, #tpu.memory_space<hbm>> -> memref<2000xi32, #tpu.memory_space<hbm>>
    tpu.enqueue_dma source(%dma_start3A_129 : memref<2000xi32, #tpu.memory_space<hbm>>) target(%dma_start3A_128 : memref<2000xi32, #tpu.memory_space<vmem>>) target_semaphore(%dma_start3A_125 : memref<!tpu.dma_semaphore, #tpu.memory_space<semaphore_mem>>)
    %dma_start3A_130 = arith.constant 0 : i32
    %dma_start3A_131 = arith.constant 0 : i32
    %dma_start3A_132 = arith.constant 0 : i32
    %dma_start3A_133 = tpu.memref_slice %arg9[%dma_start3A_130, %dma_start3A_132] : memref<2x2000xf32, #tpu.memory_space<vmem>> -> memref<1x2000xf32, #tpu.memory_space<vmem>>
    %dma_start3A_134 = tpu.memref_squeeze %dma_start3A_133 : memref<1x2000xf32, #tpu.memory_space<vmem>> -> memref<2000xf32, #tpu.memory_space<vmem>>
    %dma_start3A_135 = tpu.memref_slice %arg4[%add3A_118] : memref<800000xf32, #tpu.memory_space<hbm>> -> memref<2000xf32, #tpu.memory_space<hbm>>
    %dma_start3A_136 = tpu.memref_slice %arg15[%dma_start3A_131] : memref<2x!tpu.dma_semaphore, #tpu.memory_space<semaphore_mem>> -> memref<1x!tpu.dma_semaphore, #tpu.memory_space<semaphore_mem>>
    %dma_start3A_137 = tpu.memref_squeeze %dma_start3A_136 : memref<1x!tpu.dma_semaphore, #tpu.memory_space<semaphore_mem>> -> memref<!tpu.dma_semaphore, #tpu.memory_space<semaphore_mem>>
    %dma_start3A_138 = arith.constant 0 : i32
    %dma_start3A_139 = tpu.memref_slice %arg9[%dma_start3A_130, %dma_start3A_138] : memref<2x2000xf32, #tpu.memory_space<vmem>> -> memref<1x2000xf32, #tpu.memory_space<vmem>>
    %dma_start3A_140 = tpu.memref_squeeze %dma_start3A_139 : memref<1x2000xf32, #tpu.memory_space<vmem>> -> memref<2000xf32, #tpu.memory_space<vmem>>
    %dma_start3A_141 = tpu.memref_slice %arg4[%add3A_118] : memref<800000xf32, #tpu.memory_space<hbm>> -> memref<2000xf32, #tpu.memory_space<hbm>>
    tpu.enqueue_dma source(%dma_start3A_141 : memref<2000xf32, #tpu.memory_space<hbm>>) target(%dma_start3A_140 : memref<2000xf32, #tpu.memory_space<vmem>>) target_semaphore(%dma_start3A_137 : memref<!tpu.dma_semaphore, #tpu.memory_space<semaphore_mem>>)
    %dma_start3A_142 = arith.constant 0 : i32
    %dma_start3A_143 = arith.constant 0 : i32
    %dma_start3A_144 = arith.constant 0 : i32
    %dma_start3A_145 = tpu.memref_slice %arg10[%dma_start3A_142, %dma_start3A_144] : memref<2x2000xi32, #tpu.memory_space<vmem>> -> memref<1x2000xi32, #tpu.memory_space<vmem>>
    %dma_start3A_146 = tpu.memref_squeeze %dma_start3A_145 : memref<1x2000xi32, #tpu.memory_space<vmem>> -> memref<2000xi32, #tpu.memory_space<vmem>>
    %dma_start3A_147 = tpu.memref_slice %arg2[%add3A_118] : memref<800000xi32, #tpu.memory_space<hbm>> -> memref<2000xi32, #tpu.memory_space<hbm>>
    %dma_start3A_148 = tpu.memref_slice %arg15[%dma_start3A_143] : memref<2x!tpu.dma_semaphore, #tpu.memory_space<semaphore_mem>> -> memref<1x!tpu.dma_semaphore, #tpu.memory_space<semaphore_mem>>
    %dma_start3A_149 = tpu.memref_squeeze %dma_start3A_148 : memref<1x!tpu.dma_semaphore, #tpu.memory_space<semaphore_mem>> -> memref<!tpu.dma_semaphore, #tpu.memory_space<semaphore_mem>>
    %dma_start3A_150 = arith.constant 0 : i32
    %dma_start3A_151 = tpu.memref_slice %arg10[%dma_start3A_142, %dma_start3A_150] : memref<2x2000xi32, #tpu.memory_space<vmem>> -> memref<1x2000xi32, #tpu.memory_space<vmem>>
    %dma_start3A_152 = tpu.memref_squeeze %dma_start3A_151 : memref<1x2000xi32, #tpu.memory_space<vmem>> -> memref<2000xi32, #tpu.memory_space<vmem>>
    %dma_start3A_153 = tpu.memref_slice %arg2[%add3A_118] : memref<800000xi32, #tpu.memory_space<hbm>> -> memref<2000xi32, #tpu.memory_space<hbm>>
    tpu.enqueue_dma source(%dma_start3A_153 : memref<2000xi32, #tpu.memory_space<hbm>>) target(%dma_start3A_152 : memref<2000xi32, #tpu.memory_space<vmem>>) target_semaphore(%dma_start3A_149 : memref<!tpu.dma_semaphore, #tpu.memory_space<semaphore_mem>>)
    %dma_wait3A = arith.constant 0 : i32
    %dma_wait3A_154 = arith.constant 0 : i32
    %dma_wait3A_155 = arith.constant 0 : i32
    %dma_wait3A_156 = tpu.memref_slice %arg8[%dma_wait3A, %dma_wait3A_155] : memref<2x2000xi32, #tpu.memory_space<vmem>> -> memref<1x2000xi32, #tpu.memory_space<vmem>>
    %dma_wait3A_157 = tpu.memref_squeeze %dma_wait3A_156 : memref<1x2000xi32, #tpu.memory_space<vmem>> -> memref<2000xi32, #tpu.memory_space<vmem>>
    %dma_wait3A_158 = arith.constant 0 : i32
    %dma_wait3A_159 = tpu.memref_slice %arg3[%dma_wait3A_158] : memref<800000xi32, #tpu.memory_space<hbm>> -> memref<2000xi32, #tpu.memory_space<hbm>>
    %dma_wait3A_160 = tpu.memref_slice %arg15[%dma_wait3A_154] : memref<2x!tpu.dma_semaphore, #tpu.memory_space<semaphore_mem>> -> memref<1x!tpu.dma_semaphore, #tpu.memory_space<semaphore_mem>>
    %dma_wait3A_161 = tpu.memref_squeeze %dma_wait3A_160 : memref<1x!tpu.dma_semaphore, #tpu.memory_space<semaphore_mem>> -> memref<!tpu.dma_semaphore, #tpu.memory_space<semaphore_mem>>
    %dma_wait3A_162 = arith.constant 0 : i32
    %dma_wait3A_163 = tpu.memref_slice %arg8[%dma_wait3A, %dma_wait3A_162] : memref<2x2000xi32, #tpu.memory_space<vmem>> -> memref<1x2000xi32, #tpu.memory_space<vmem>>
    %dma_wait3A_164 = tpu.memref_squeeze %dma_wait3A_163 : memref<1x2000xi32, #tpu.memory_space<vmem>> -> memref<2000xi32, #tpu.memory_space<vmem>>
    %dma_wait3A_165 = arith.constant 0 : i32
    %dma_wait3A_166 = tpu.memref_slice %arg3[%dma_wait3A_165] : memref<800000xi32, #tpu.memory_space<hbm>> -> memref<2000xi32, #tpu.memory_space<hbm>>
    tpu.wait_dma2 semaphore(%dma_wait3A_161 : memref<!tpu.dma_semaphore, #tpu.memory_space<semaphore_mem>>) src(%dma_wait3A_166 : memref<2000xi32, #tpu.memory_space<hbm>>) dst(%dma_wait3A_164 : memref<2000xi32, #tpu.memory_space<vmem>>)
    %dma_wait3A_167 = arith.constant 0 : i32
    %dma_wait3A_168 = arith.constant 0 : i32
    %dma_wait3A_169 = arith.constant 0 : i32
    %dma_wait3A_170 = tpu.memref_slice %arg9[%dma_wait3A_167, %dma_wait3A_169] : memref<2x2000xf32, #tpu.memory_space<vmem>> -> memref<1x2000xf32, #tpu.memory_space<vmem>>
    %dma_wait3A_171 = tpu.memref_squeeze %dma_wait3A_170 : memref<1x2000xf32, #tpu.memory_space<vmem>> -> memref<2000xf32, #tpu.memory_space<vmem>>
    %dma_wait3A_172 = arith.constant 0 : i32
    %dma_wait3A_173 = tpu.memref_slice %arg4[%dma_wait3A_172] : memref<800000xf32, #tpu.memory_space<hbm>> -> memref<2000xf32, #tpu.memory_space<hbm>>
    %dma_wait3A_174 = tpu.memref_slice %arg15[%dma_wait3A_168] : memref<2x!tpu.dma_semaphore, #tpu.memory_space<semaphore_mem>> -> memref<1x!tpu.dma_semaphore, #tpu.memory_space<semaphore_mem>>
    %dma_wait3A_175 = tpu.memref_squeeze %dma_wait3A_174 : memref<1x!tpu.dma_semaphore, #tpu.memory_space<semaphore_mem>> -> memref<!tpu.dma_semaphore, #tpu.memory_space<semaphore_mem>>
    %dma_wait3A_176 = arith.constant 0 : i32
    %dma_wait3A_177 = tpu.memref_slice %arg9[%dma_wait3A_167, %dma_wait3A_176] : memref<2x2000xf32, #tpu.memory_space<vmem>> -> memref<1x2000xf32, #tpu.memory_space<vmem>>
    %dma_wait3A_178 = tpu.memref_squeeze %dma_wait3A_177 : memref<1x2000xf32, #tpu.memory_space<vmem>> -> memref<2000xf32, #tpu.memory_space<vmem>>
    %dma_wait3A_179 = arith.constant 0 : i32
    %dma_wait3A_180 = tpu.memref_slice %arg4[%dma_wait3A_179] : memref<800000xf32, #tpu.memory_space<hbm>> -> memref<2000xf32, #tpu.memory_space<hbm>>
    tpu.wait_dma2 semaphore(%dma_wait3A_175 : memref<!tpu.dma_semaphore, #tpu.memory_space<semaphore_mem>>) src(%dma_wait3A_180 : memref<2000xf32, #tpu.memory_space<hbm>>) dst(%dma_wait3A_178 : memref<2000xf32, #tpu.memory_space<vmem>>)
    %dma_wait3A_181 = arith.constant 0 : i32
    %dma_wait3A_182 = arith.constant 0 : i32
    %dma_wait3A_183 = arith.constant 0 : i32
    %dma_wait3A_184 = tpu.memref_slice %arg10[%dma_wait3A_181, %dma_wait3A_183] : memref<2x2000xi32, #tpu.memory_space<vmem>> -> memref<1x2000xi32, #tpu.memory_space<vmem>>
    %dma_wait3A_185 = tpu.memref_squeeze %dma_wait3A_184 : memref<1x2000xi32, #tpu.memory_space<vmem>> -> memref<2000xi32, #tpu.memory_space<vmem>>
    %dma_wait3A_186 = arith.constant 0 : i32
    %dma_wait3A_187 = tpu.memref_slice %arg2[%dma_wait3A_186] : memref<800000xi32, #tpu.memory_space<hbm>> -> memref<2000xi32, #tpu.memory_space<hbm>>
    %dma_wait3A_188 = tpu.memref_slice %arg15[%dma_wait3A_182] : memref<2x!tpu.dma_semaphore, #tpu.memory_space<semaphore_mem>> -> memref<1x!tpu.dma_semaphore, #tpu.memory_space<semaphore_mem>>
    %dma_wait3A_189 = tpu.memref_squeeze %dma_wait3A_188 : memref<1x!tpu.dma_semaphore, #tpu.memory_space<semaphore_mem>> -> memref<!tpu.dma_semaphore, #tpu.memory_space<semaphore_mem>>
    %dma_wait3A_190 = arith.constant 0 : i32
    %dma_wait3A_191 = tpu.memref_slice %arg10[%dma_wait3A_181, %dma_wait3A_190] : memref<2x2000xi32, #tpu.memory_space<vmem>> -> memref<1x2000xi32, #tpu.memory_space<vmem>>
    %dma_wait3A_192 = tpu.memref_squeeze %dma_wait3A_191 : memref<1x2000xi32, #tpu.memory_space<vmem>> -> memref<2000xi32, #tpu.memory_space<vmem>>
    %dma_wait3A_193 = arith.constant 0 : i32
    %dma_wait3A_194 = tpu.memref_slice %arg2[%dma_wait3A_193] : memref<800000xi32, #tpu.memory_space<hbm>> -> memref<2000xi32, #tpu.memory_space<hbm>>
    tpu.wait_dma2 semaphore(%dma_wait3A_189 : memref<!tpu.dma_semaphore, #tpu.memory_space<semaphore_mem>>) src(%dma_wait3A_194 : memref<2000xi32, #tpu.memory_space<hbm>>) dst(%dma_wait3A_192 : memref<2000xi32, #tpu.memory_space<vmem>>)
    %get3A = arith.constant 0 : i32
    %get3A_195 = arith.index_cast %get3A : i32 to index
    %get3A_196 = arith.constant 0 : index
    %get3A_197 = tpu.vector_load %arg8[%get3A_195, %get3A_196] {strides = array<i32>} : memref<2x2000xi32, #tpu.memory_space<vmem>>, vector<1x16xi32>,
    %get3A_198 = vector.shape_cast %get3A_197 : vector<1x16xi32> to vector<16xi32>
    %add3A_199 = vector.broadcast %mul3A_114 : i32 to vector<16xi32>
    %add3A_200 = arith.addi %get3A_198, %add3A_199 : vector<16xi32>
    %swap3A = arith.constant 0 : i32
    %swap3A_201 = arith.index_cast %swap3A : i32 to index
    %swap3A_202 = arith.constant 0 : index
    %swap3A_203 = tpu.vector_load %arg11[%swap3A_201, %swap3A_202] {strides = array<i32>} : memref<4x80xi32, #tpu.memory_space<vmem>>, vector<1x16xi32>,
    %swap3A_204 = vector.shape_cast %swap3A_203 : vector<1x16xi32> to vector<16xi32>
    %swap3A_205 = vector.shape_cast %add3A_200 : vector<16xi32> to vector<1x16xi32>
    tpu.vector_store %arg11[%swap3A_201, %swap3A_202], %swap3A_205 {strides = array<i32>} : memref<4x80xi32, #tpu.memory_space<vmem>>, vector<1x16xi32>,
    %get3A_206 = arith.constant 0 : i32
    %get3A_207 = arith.index_cast %get3A_206 : i32 to index
    %get3A_208 = arith.constant 0 : index
    %get3A_209 = tpu.vector_load %arg10[%get3A_207, %get3A_208] {strides = array<i32>} : memref<2x2000xi32, #tpu.memory_space<vmem>>, vector<1x16xi32>,
    %get3A_210 = vector.shape_cast %get3A_209 : vector<1x16xi32> to vector<16xi32>
    %swap3A_211 = arith.constant 0 : i32
    %swap3A_212 = arith.index_cast %swap3A_211 : i32 to index
    %swap3A_213 = arith.constant 0 : index
    %swap3A_214 = tpu.vector_load %arg12[%swap3A_212, %swap3A_213] {strides = array<i32>} : memref<4x80xi32, #tpu.memory_space<vmem>>, vector<1x16xi32>,
    %swap3A_215 = vector.shape_cast %swap3A_214 : vector<1x16xi32> to vector<16xi32>
    %swap3A_216 = vector.shape_cast %get3A_210 : vector<16xi32> to vector<1x16xi32>
    tpu.vector_store %arg12[%swap3A_212, %swap3A_213], %swap3A_216 {strides = array<i32>} : memref<4x80xi32, #tpu.memory_space<vmem>>, vector<1x16xi32>,
    %get3A_217 = arith.constant 0 : i32
    %get3A_218 = arith.index_cast %get3A_217 : i32 to index
    %get3A_219 = arith.constant 16 : index
    %get3A_220 = tpu.vector_load %arg8[%get3A_218, %get3A_219] {strides = array<i32>} : memref<2x2000xi32, #tpu.memory_space<vmem>>, vector<1x16xi32>,
    %get3A_221 = vector.shape_cast %get3A_220 : vector<1x16xi32> to vector<16xi32>
    %add3A_222 = vector.broadcast %mul3A_114 : i32 to vector<16xi32>
    %add3A_223 = arith.addi %get3A_221, %add3A_222 : vector<16xi32>
    %swap3A_224 = arith.constant 0 : i32
    %swap3A_225 = arith.index_cast %swap3A_224 : i32 to index
    %swap3A_226 = arith.constant 16 : index
    %swap3A_227 = tpu.vector_load %arg11[%swap3A_225, %swap3A_226] {strides = array<i32>} : memref<4x80xi32, #tpu.memory_space<vmem>>, vector<1x16xi32>,
    %swap3A_228 = vector.shape_cast %swap3A_227 : vector<1x16xi32> to vector<16xi32>
    %swap3A_229 = vector.shape_cast %add3A_223 : vector<16xi32> to vector<1x16xi32>
    tpu.vector_store %arg11[%swap3A_225, %swap3A_226], %swap3A_229 {strides = array<i32>} : memref<4x80xi32, #tpu.memory_space<vmem>>, vector<1x16xi32>,
    %get3A_230 = arith.constant 0 : i32
    %get3A_231 = arith.index_cast %get3A_230 : i32 to index
    %get3A_232 = arith.constant 16 : index
    %get3A_233 = tpu.vector_load %arg10[%get3A_231, %get3A_232] {strides = array<i32>} : memref<2x2000xi32, #tpu.memory_space<vmem>>, vector<1x16xi32>,
    %get3A_234 = vector.shape_cast %get3A_233 : vector<1x16xi32> to vector<16xi32>
    %swap3A_235 = arith.constant 0 : i32
    %swap3A_236 = arith.index_cast %swap3A_235 : i32 to index
    %swap3A_237 = arith.constant 16 : index
    %swap3A_238 = tpu.vector_load %arg12[%swap3A_236, %swap3A_237] {strides = array<i32>} : memref<4x80xi32, #tpu.memory_space<vmem>>, vector<1x16xi32>,
    %swap3A_239 = vector.shape_cast %swap3A_238 : vector<1x16xi32> to vector<16xi32>
    %swap3A_240 = vector.shape_cast %get3A_234 : vector<16xi32> to vector<1x16xi32>
    tpu.vector_store %arg12[%swap3A_236, %swap3A_237], %swap3A_240 {strides = array<i32>} : memref<4x80xi32, #tpu.memory_space<vmem>>, vector<1x16xi32>,
    %get3A_241 = arith.constant 0 : i32
    %get3A_242 = arith.index_cast %get3A_241 : i32 to index
    %get3A_243 = arith.constant 32 : index
    %get3A_244 = tpu.vector_load %arg8[%get3A_242, %get3A_243] {strides = array<i32>} : memref<2x2000xi32, #tpu.memory_space<vmem>>, vector<1x16xi32>,
    %get3A_245 = vector.shape_cast %get3A_244 : vector<1x16xi32> to vector<16xi32>
    %add3A_246 = vector.broadcast %mul3A_114 : i32 to vector<16xi32>
    %add3A_247 = arith.addi %get3A_245, %add3A_246 : vector<16xi32>
    %swap3A_248 = arith.constant 0 : i32
    %swap3A_249 = arith.index_cast %swap3A_248 : i32 to index
    %swap3A_250 = arith.constant 32 : index
    %swap3A_251 = tpu.vector_load %arg11[%swap3A_249, %swap3A_250] {strides = array<i32>} : memref<4x80xi32, #tpu.memory_space<vmem>>, vector<1x16xi32>,
    %swap3A_252 = vector.shape_cast %swap3A_251 : vector<1x16xi32> to vector<16xi32>
    %swap3A_253 = vector.shape_cast %add3A_247 : vector<16xi32> to vector<1x16xi32>
    tpu.vector_store %arg11[%swap3A_249, %swap3A_250], %swap3A_253 {strides = array<i32>} : memref<4x80xi32, #tpu.memory_space<vmem>>, vector<1x16xi32>,
    %get3A_254 = arith.constant 0 : i32
    %get3A_255 = arith.index_cast %get3A_254 : i32 to index
    %get3A_256 = arith.constant 32 : index
    %get3A_257 = tpu.vector_load %arg10[%get3A_255, %get3A_256] {strides = array<i32>} : memref<2x2000xi32, #tpu.memory_space<vmem>>, vector<1x16xi32>,
    %get3A_258 = vector.shape_cast %get3A_257 : vector<1x16xi32> to vector<16xi32>
    %swap3A_259 = arith.constant 0 : i32
    %swap3A_260 = arith.index_cast %swap3A_259 : i32 to index
    %swap3A_261 = arith.constant 32 : index
    %swap3A_262 = tpu.vector_load %arg12[%swap3A_260, %swap3A_261] {strides = array<i32>} : memref<4x80xi32, #tpu.memory_space<vmem>>, vector<1x16xi32>,
    %swap3A_263 = vector.shape_cast %swap3A_262 : vector<1x16xi32> to vector<16xi32>
    %swap3A_264 = vector.shape_cast %get3A_258 : vector<16xi32> to vector<1x16xi32>
    tpu.vector_store %arg12[%swap3A_260, %swap3A_261], %swap3A_264 {strides = array<i32>} : memref<4x80xi32, #tpu.memory_space<vmem>>, vector<1x16xi32>,
    %get3A_265 = arith.constant 0 : i32
    %get3A_266 = arith.index_cast %get3A_265 : i32 to index
    %get3A_267 = arith.constant 48 : index
    %get3A_268 = tpu.vector_load %arg8[%get3A_266, %get3A_267] {strides = array<i32>} : memref<2x2000xi32, #tpu.memory_space<vmem>>, vector<1x16xi32>,
    %get3A_269 = vector.shape_cast %get3A_268 : vector<1x16xi32> to vector<16xi32>
    %add3A_270 = vector.broadcast %mul3A_114 : i32 to vector<16xi32>
    %add3A_271 = arith.addi %get3A_269, %add3A_270 : vector<16xi32>
    %swap3A_272 = arith.constant 0 : i32
    %swap3A_273 = arith.index_cast %swap3A_272 : i32 to index
    %swap3A_274 = arith.constant 48 : index
    %swap3A_275 = tpu.vector_load %arg11[%swap3A_273, %swap3A_274] {strides = array<i32>} : memref<4x80xi32, #tpu.memory_space<vmem>>, vector<1x16xi32>,
    %swap3A_276 = vector.shape_cast %swap3A_275 : vector<1x16xi32> to vector<16xi32>
    %swap3A_277 = vector.shape_cast %add3A_271 : vector<16xi32> to vector<1x16xi32>
    tpu.vector_store %arg11[%swap3A_273, %swap3A_274], %swap3A_277 {strides = array<i32>} : memref<4x80xi32, #tpu.memory_space<vmem>>, vector<1x16xi32>,
    %get3A_278 = arith.constant 0 : i32
    %get3A_279 = arith.index_cast %get3A_278 : i32 to index
    %get3A_280 = arith.constant 48 : index
    %get3A_281 = tpu.vector_load %arg10[%get3A_279, %get3A_280] {strides = array<i32>} : memref<2x2000xi32, #tpu.memory_space<vmem>>, vector<1x16xi32>,
    %get3A_282 = vector.shape_cast %get3A_281 : vector<1x16xi32> to vector<16xi32>
    %swap3A_283 = arith.constant 0 : i32
    %swap3A_284 = arith.index_cast %swap3A_283 : i32 to index
    %swap3A_285 = arith.constant 48 : index
    %swap3A_286 = tpu.vector_load %arg12[%swap3A_284, %swap3A_285] {strides = array<i32>} : memref<4x80xi32, #tpu.memory_space<vmem>>, vector<1x16xi32>,
    %swap3A_287 = vector.shape_cast %swap3A_286 : vector<1x16xi32> to vector<16xi32>
    %swap3A_288 = vector.shape_cast %get3A_282 : vector<16xi32> to vector<1x16xi32>
    tpu.vector_store %arg12[%swap3A_284, %swap3A_285], %swap3A_288 {strides = array<i32>} : memref<4x80xi32, #tpu.memory_space<vmem>>, vector<1x16xi32>,
    %get3A_289 = arith.constant 0 : i32
    %get3A_290 = arith.index_cast %get3A_289 : i32 to index
    %get3A_291 = arith.constant 64 : index
    %get3A_292 = tpu.vector_load %arg8[%get3A_290, %get3A_291] {strides = array<i32>} : memref<2x2000xi32, #tpu.memory_space<vmem>>, vector<1x16xi32>,
    %get3A_293 = vector.shape_cast %get3A_292 : vector<1x16xi32> to vector<16xi32>
    %add3A_294 = vector.broadcast %mul3A_114 : i32 to vector<16xi32>
    %add3A_295 = arith.addi %get3A_293, %add3A_294 : vector<16xi32>
    %swap3A_296 = arith.constant 0 : i32
    %swap3A_297 = arith.index_cast %swap3A_296 : i32 to index
    %swap3A_298 = arith.constant 64 : index
    %swap3A_299 = tpu.vector_load %arg11[%swap3A_297, %swap3A_298] {strides = array<i32>} : memref<4x80xi32, #tpu.memory_space<vmem>>, vector<1x16xi32>,
    %swap3A_300 = vector.shape_cast %swap3A_299 : vector<1x16xi32> to vector<16xi32>
    %swap3A_301 = vector.shape_cast %add3A_295 : vector<16xi32> to vector<1x16xi32>
    tpu.vector_store %arg11[%swap3A_297, %swap3A_298], %swap3A_301 {strides = array<i32>} : memref<4x80xi32, #tpu.memory_space<vmem>>, vector<1x16xi32>,
    %get3A_302 = arith.constant 0 : i32
    %get3A_303 = arith.index_cast %get3A_302 : i32 to index
    %get3A_304 = arith.constant 64 : index
    %get3A_305 = tpu.vector_load %arg10[%get3A_303, %get3A_304] {strides = array<i32>} : memref<2x2000xi32, #tpu.memory_space<vmem>>, vector<1x16xi32>,
    %get3A_306 = vector.shape_cast %get3A_305 : vector<1x16xi32> to vector<16xi32>
    %swap3A_307 = arith.constant 0 : i32
    %swap3A_308 = arith.index_cast %swap3A_307 : i32 to index
    %swap3A_309 = arith.constant 64 : index
    %swap3A_310 = tpu.vector_load %arg12[%swap3A_308, %swap3A_309] {strides = array<i32>} : memref<4x80xi32, #tpu.memory_space<vmem>>, vector<1x16xi32>,
    %swap3A_311 = vector.shape_cast %swap3A_310 : vector<1x16xi32> to vector<16xi32>
    %swap3A_312 = vector.shape_cast %get3A_306 : vector<16xi32> to vector<1x16xi32>
    tpu.vector_store %arg12[%swap3A_308, %swap3A_309], %swap3A_312 {strides = array<i32>} : memref<4x80xi32, #tpu.memory_space<vmem>>, vector<1x16xi32>,
    %dma_start3A_313 = arith.constant 0 : i32
    %dma_start3A_314 = arith.constant 0 : i32
    %dma_start3A_315 = arith.constant 0 : i32
    %dma_start3A_316 = arith.constant 0 : i32
    %dma_start3A_317 = arith.constant 0 : i32
    %dma_start3A_318 = tpu.memref_slice %arg13[%dma_start3A_314, %dma_start3A_316, %dma_start3A_317] : memref<4x80x32xf32, #tpu.memory_space<vmem>> -> memref<1x40x32xf32, #tpu.memory_space<vmem>>
    %dma_start3A_319 = tpu.memref_squeeze %dma_start3A_318 : memref<1x40x32xf32, #tpu.memory_space<vmem>> -> memref<40x32xf32, #tpu.memory_space<vmem>>
    %dma_start3A_320 = arith.constant 0 : i32
    %dma_start3A_321 = tpu.memref_slice %arg11[%dma_start3A_313, %dma_start3A_320] : memref<4x80xi32, #tpu.memory_space<vmem>> -> memref<1x40xi32, #tpu.memory_space<vmem>>
    %dma_start3A_322 = tpu.memref_squeeze %dma_start3A_321 : memref<1x40xi32, #tpu.memory_space<vmem>> -> memref<40xi32, #tpu.memory_space<vmem>>
    %dma_start3A_323 = arith.constant 0 : i32
    %dma_start3A_324 = arith.constant 0 : i32
    %dma_start3A_325 = tpu.memref_slice %arg5[%dma_start3A_323, %dma_start3A_324] : memref<100000x32xf32, #tpu.memory_space<hbm>> -> memref<100000x32xf32, #tpu.memory_space<hbm>>
    %dma_start3A_326 = tpu.memref_slice %arg16[%dma_start3A_315] : memref<4x!tpu.dma_semaphore, #tpu.memory_space<semaphore_mem>> -> memref<1x!tpu.dma_semaphore, #tpu.memory_space<semaphore_mem>>
    %dma_start3A_327 = tpu.memref_squeeze %dma_start3A_326 : memref<1x!tpu.dma_semaphore, #tpu.memory_space<semaphore_mem>> -> memref<!tpu.dma_semaphore, #tpu.memory_space<semaphore_mem>>
    tpu.enqueue_indirect_dma source(%dma_start3A_325 : memref<100000x32xf32, #tpu.memory_space<hbm>>) target(%dma_start3A_319 : memref<40x32xf32, #tpu.memory_space<vmem>>) offsets(%dma_start3A_322 : memref<40xi32, #tpu.memory_space<vmem>>) semaphore(%dma_start3A_327 : memref<!tpu.dma_semaphore, #tpu.memory_space<semaphore_mem>>)
    %dma_start3A_328 = arith.constant 0 : i32
    %dma_start3A_329 = arith.constant 0 : i32
    %dma_start3A_330 = arith.constant 0 : i32
    %dma_start3A_331 = arith.constant 40 : i32
    %dma_start3A_332 = arith.constant 0 : i32
    %dma_start3A_333 = tpu.memref_slice %arg13[%dma_start3A_329, %dma_start3A_331, %dma_start3A_332] : memref<4x80x32xf32, #tpu.memory_space<vmem>> -> memref<1x40x32xf32, #tpu.memory_space<vmem>>
    %dma_start3A_334 = tpu.memref_squeeze %dma_start3A_333 : memref<1x40x32xf32, #tpu.memory_space<vmem>> -> memref<40x32xf32, #tpu.memory_space<vmem>>
    %dma_start3A_335 = arith.constant 40 : i32
    %dma_start3A_336 = tpu.memref_slice %arg11[%dma_start3A_328, %dma_start3A_335] : memref<4x80xi32, #tpu.memory_space<vmem>> -> memref<1x40xi32, #tpu.memory_space<vmem>>
    %dma_start3A_337 = tpu.memref_squeeze %dma_start3A_336 : memref<1x40xi32, #tpu.memory_space<vmem>> -> memref<40xi32, #tpu.memory_space<vmem>>
    %dma_start3A_338 = arith.constant 0 : i32
    %dma_start3A_339 = arith.constant 0 : i32
    %dma_start3A_340 = tpu.memref_slice %arg5[%dma_start3A_338, %dma_start3A_339] : memref<100000x32xf32, #tpu.memory_space<hbm>> -> memref<100000x32xf32, #tpu.memory_space<hbm>>
    %dma_start3A_341 = tpu.memref_slice %arg17[%dma_start3A_330] : memref<4x!tpu.dma_semaphore, #tpu.memory_space<semaphore_mem>> -> memref<1x!tpu.dma_semaphore, #tpu.memory_space<semaphore_mem>>
    %dma_start3A_342 = tpu.memref_squeeze %dma_start3A_341 : memref<1x!tpu.dma_semaphore, #tpu.memory_space<semaphore_mem>> -> memref<!tpu.dma_semaphore, #tpu.memory_space<semaphore_mem>>
    tpu.enqueue_indirect_dma source(%dma_start3A_340 : memref<100000x32xf32, #tpu.memory_space<hbm>>) target(%dma_start3A_334 : memref<40x32xf32, #tpu.memory_space<vmem>>) offsets(%dma_start3A_337 : memref<40xi32, #tpu.memory_space<vmem>>) semaphore(%dma_start3A_342 : memref<!tpu.dma_semaphore, #tpu.memory_space<semaphore_mem>>)
    %add3A_343 = arith.constant 2000 : i32
    %add3A_344 = arith.addi %mul3A_116, %add3A_343 : i32
    %dma_start3A_345 = arith.constant 1 : i32
    %dma_start3A_346 = arith.constant 1 : i32
    %dma_start3A_347 = arith.constant 0 : i32
    %dma_start3A_348 = tpu.memref_slice %arg8[%dma_start3A_345, %dma_start3A_347] : memref<2x2000xi32, #tpu.memory_space<vmem>> -> memref<1x2000xi32, #tpu.memory_space<vmem>>
    %dma_start3A_349 = tpu.memref_squeeze %dma_start3A_348 : memref<1x2000xi32, #tpu.memory_space<vmem>> -> memref<2000xi32, #tpu.memory_space<vmem>>
    %dma_start3A_350 = tpu.memref_slice %arg3[%add3A_344] : memref<800000xi32, #tpu.memory_space<hbm>> -> memref<2000xi32, #tpu.memory_space<hbm>>
    %dma_start3A_351 = tpu.memref_slice %arg15[%dma_start3A_346] : memref<2x!tpu.dma_semaphore, #tpu.memory_space<semaphore_mem>> -> memref<1x!tpu.dma_semaphore, #tpu.memory_space<semaphore_mem>>
    %dma_start3A_352 = tpu.memref_squeeze %dma_start3A_351 : memref<1x!tpu.dma_semaphore, #tpu.memory_space<semaphore_mem>> -> memref<!tpu.dma_semaphore, #tpu.memory_space<semaphore_mem>>
    %dma_start3A_353 = arith.constant 0 : i32
    %dma_start3A_354 = tpu.memref_slice %arg8[%dma_start3A_345, %dma_start3A_353] : memref<2x2000xi32, #tpu.memory_space<vmem>> -> memref<1x2000xi32, #tpu.memory_space<vmem>>
    %dma_start3A_355 = tpu.memref_squeeze %dma_start3A_354 : memref<1x2000xi32, #tpu.memory_space<vmem>> -> memref<2000xi32, #tpu.memory_space<vmem>>
    %dma_start3A_356 = tpu.memref_slice %arg3[%add3A_344] : memref<800000xi32, #tpu.memory_space<hbm>> -> memref<2000xi32, #tpu.memory_space<hbm>>
    tpu.enqueue_dma source(%dma_start3A_356 : memref<2000xi32, #tpu.memory_space<hbm>>) target(%dma_start3A_355 : memref<2000xi32, #tpu.memory_space<vmem>>) target_semaphore(%dma_start3A_352 : memref<!tpu.dma_semaphore, #tpu.memory_space<semaphore_mem>>)
    %dma_start3A_357 = arith.constant 1 : i32
    %dma_start3A_358 = arith.constant 1 : i32
    %dma_start3A_359 = arith.constant 0 : i32
    %dma_start3A_360 = tpu.memref_slice %arg9[%dma_start3A_357, %dma_start3A_359] : memref<2x2000xf32, #tpu.memory_space<vmem>> -> memref<1x2000xf32, #tpu.memory_space<vmem>>
    %dma_start3A_361 = tpu.memref_squeeze %dma_start3A_360 : memref<1x2000xf32, #tpu.memory_space<vmem>> -> memref<2000xf32, #tpu.memory_space<vmem>>
    %dma_start3A_362 = tpu.memref_slice %arg4[%add3A_344] : memref<800000xf32, #tpu.memory_space<hbm>> -> memref<2000xf32, #tpu.memory_space<hbm>>
    %dma_start3A_363 = tpu.memref_slice %arg15[%dma_start3A_358] : memref<2x!tpu.dma_semaphore, #tpu.memory_space<semaphore_mem>> -> memref<1x!tpu.dma_semaphore, #tpu.memory_space<semaphore_mem>>
    %dma_start3A_364 = tpu.memref_squeeze %dma_start3A_363 : memref<1x!tpu.dma_semaphore, #tpu.memory_space<semaphore_mem>> -> memref<!tpu.dma_semaphore, #tpu.memory_space<semaphore_mem>>
    %dma_start3A_365 = arith.constant 0 : i32
    %dma_start3A_366 = tpu.memref_slice %arg9[%dma_start3A_357, %dma_start3A_365] : memref<2x2000xf32, #tpu.memory_space<vmem>> -> memref<1x2000xf32, #tpu.memory_space<vmem>>
    %dma_start3A_367 = tpu.memref_squeeze %dma_start3A_366 : memref<1x2000xf32, #tpu.memory_space<vmem>> -> memref<2000xf32, #tpu.memory_space<vmem>>
    %dma_start3A_368 = tpu.memref_slice %arg4[%add3A_344] : memref<800000xf32, #tpu.memory_space<hbm>> -> memref<2000xf32, #tpu.memory_space<hbm>>
    tpu.enqueue_dma source(%dma_start3A_368 : memref<2000xf32, #tpu.memory_space<hbm>>) target(%dma_start3A_367 : memref<2000xf32, #tpu.memory_space<vmem>>) target_semaphore(%dma_start3A_364 : memref<!tpu.dma_semaphore, #tpu.memory_space<semaphore_mem>>)
    %dma_start3A_369 = arith.constant 1 : i32
    %dma_start3A_370 = arith.constant 1 : i32
    %dma_start3A_371 = arith.constant 0 : i32
    %dma_start3A_372 = tpu.memref_slice %arg10[%dma_start3A_369, %dma_start3A_371] : memref<2x2000xi32, #tpu.memory_space<vmem>> -> memref<1x2000xi32, #tpu.memory_space<vmem>>
    %dma_start3A_373 = tpu.memref_squeeze %dma_start3A_372 : memref<1x2000xi32, #tpu.memory_space<vmem>> -> memref<2000xi32, #tpu.memory_space<vmem>>
    %dma_start3A_374 = tpu.memref_slice %arg2[%add3A_344] : memref<800000xi32, #tpu.memory_space<hbm>> -> memref<2000xi32, #tpu.memory_space<hbm>>
    %dma_start3A_375 = tpu.memref_slice %arg15[%dma_start3A_370] : memref<2x!tpu.dma_semaphore, #tpu.memory_space<semaphore_mem>> -> memref<1x!tpu.dma_semaphore, #tpu.memory_space<semaphore_mem>>
    %dma_start3A_376 = tpu.memref_squeeze %dma_start3A_375 : memref<1x!tpu.dma_semaphore, #tpu.memory_space<semaphore_mem>> -> memref<!tpu.dma_semaphore, #tpu.memory_space<semaphore_mem>>
    %dma_start3A_377 = arith.constant 0 : i32
    %dma_start3A_378 = tpu.memref_slice %arg10[%dma_start3A_369, %dma_start3A_377] : memref<2x2000xi32, #tpu.memory_space<vmem>> -> memref<1x2000xi32, #tpu.memory_space<vmem>>
    %dma_start3A_379 = tpu.memref_squeeze %dma_start3A_378 : memref<1x2000xi32, #tpu.memory_space<vmem>> -> memref<2000xi32, #tpu.memory_space<vmem>>
    %dma_start3A_380 = tpu.memref_slice %arg2[%add3A_344] : memref<800000xi32, #tpu.memory_space<hbm>> -> memref<2000xi32, #tpu.memory_space<hbm>>
    tpu.enqueue_dma source(%dma_start3A_380 : memref<2000xi32, #tpu.memory_space<hbm>>) target(%dma_start3A_379 : memref<2000xi32, #tpu.memory_space<vmem>>) target_semaphore(%dma_start3A_376 : memref<!tpu.dma_semaphore, #tpu.memory_space<semaphore_mem>>)
    %scan3A_381 = arith.constant 0 : i32
    %scan3A_382 = arith.constant 0 : i32
    %scan3A_383 = arith.constant 625 : i32
    %scan3A_384 = arith.addi %scan3A_382, %scan3A_383 : i32
    %scan3A_385 = arith.constant 1 : i32
    scf.for %scan3A_544 = %scan3A_382 to %scan3A_384 step %scan3A_385  : i32 {
      %and3A_545 = arith.constant 3 : i32
      %and3A_546 = arith.andi %scan3A_544, %and3A_545 : i32
      %div3A = arith.constant 25 : i32
      %div3A_547 = arith.divsi %scan3A_544, %div3A : i32
      %rem3A = arith.constant 25 : i32
      %rem3A_548 = arith.remsi %scan3A_544, %rem3A : i32
      %mul3A_549 = arith.constant 80 : i32
      %mul3A_550 = arith.muli %rem3A_548, %mul3A_549 : i32
      %rem3A_551 = arith.constant 2 : i32
      %rem3A_552 = arith.remsi %div3A_547, %rem3A_551 : i32
      %dma_wait3A_553 = arith.constant 0 : i32
      %dma_wait3A_554 = arith.constant 0 : i32
      %dma_wait3A_555 = tpu.memref_slice %arg13[%and3A_546, %dma_wait3A_553, %dma_wait3A_554] : memref<4x80x32xf32, #tpu.memory_space<vmem>> -> memref<1x40x32xf32, #tpu.memory_space<vmem>>
      %dma_wait3A_556 = tpu.memref_squeeze %dma_wait3A_555 : memref<1x40x32xf32, #tpu.memory_space<vmem>> -> memref<40x32xf32, #tpu.memory_space<vmem>>
      %dma_wait3A_557 = arith.constant 0 : i32
      %dma_wait3A_558 = tpu.memref_slice %arg11[%and3A_546, %dma_wait3A_557] : memref<4x80xi32, #tpu.memory_space<vmem>> -> memref<1x40xi32, #tpu.memory_space<vmem>>
      %dma_wait3A_559 = tpu.memref_squeeze %dma_wait3A_558 : memref<1x40xi32, #tpu.memory_space<vmem>> -> memref<40xi32, #tpu.memory_space<vmem>>
      %dma_wait3A_560 = arith.constant 0 : i32
      %dma_wait3A_561 = arith.constant 0 : i32
      %dma_wait3A_562 = tpu.memref_slice %arg5[%dma_wait3A_560, %dma_wait3A_561] : memref<100000x32xf32, #tpu.memory_space<hbm>> -> memref<100000x32xf32, #tpu.memory_space<hbm>>
      %dma_wait3A_563 = tpu.memref_slice %arg16[%and3A_546] : memref<4x!tpu.dma_semaphore, #tpu.memory_space<semaphore_mem>> -> memref<1x!tpu.dma_semaphore, #tpu.memory_space<semaphore_mem>>
      %dma_wait3A_564 = tpu.memref_squeeze %dma_wait3A_563 : memref<1x!tpu.dma_semaphore, #tpu.memory_space<semaphore_mem>> -> memref<!tpu.dma_semaphore, #tpu.memory_space<semaphore_mem>>
      tpu.wait_indirect_dma semaphore(%dma_wait3A_564 : memref<!tpu.dma_semaphore, #tpu.memory_space<semaphore_mem>>) src(%dma_wait3A_562 : memref<100000x32xf32, #tpu.memory_space<hbm>>) dst(%dma_wait3A_556 : memref<40x32xf32, #tpu.memory_space<vmem>>)
      %dma_wait3A_565 = arith.constant 40 : i32
      %dma_wait3A_566 = arith.constant 0 : i32
      %dma_wait3A_567 = tpu.memref_slice %arg13[%and3A_546, %dma_wait3A_565, %dma_wait3A_566] : memref<4x80x32xf32, #tpu.memory_space<vmem>> -> memref<1x40x32xf32, #tpu.memory_space<vmem>>
      %dma_wait3A_568 = tpu.memref_squeeze %dma_wait3A_567 : memref<1x40x32xf32, #tpu.memory_space<vmem>> -> memref<40x32xf32, #tpu.memory_space<vmem>>
      %dma_wait3A_569 = arith.constant 40 : i32
      %dma_wait3A_570 = tpu.memref_slice %arg11[%and3A_546, %dma_wait3A_569] : memref<4x80xi32, #tpu.memory_space<vmem>> -> memref<1x40xi32, #tpu.memory_space<vmem>>
      %dma_wait3A_571 = tpu.memref_squeeze %dma_wait3A_570 : memref<1x40xi32, #tpu.memory_space<vmem>> -> memref<40xi32, #tpu.memory_space<vmem>>
      %dma_wait3A_572 = arith.constant 0 : i32
      %dma_wait3A_573 = arith.constant 0 : i32
      %dma_wait3A_574 = tpu.memref_slice %arg5[%dma_wait3A_572, %dma_wait3A_573] : memref<100000x32xf32, #tpu.memory_space<hbm>> -> memref<100000x32xf32, #tpu.memory_space<hbm>>
      %dma_wait3A_575 = tpu.memref_slice %arg17[%and3A_546] : memref<4x!tpu.dma_semaphore, #tpu.memory_space<semaphore_mem>> -> memref<1x!tpu.dma_semaphore, #tpu.memory_space<semaphore_mem>>
      %dma_wait3A_576 = tpu.memref_squeeze %dma_wait3A_575 : memref<1x!tpu.dma_semaphore, #tpu.memory_space<semaphore_mem>> -> memref<!tpu.dma_semaphore, #tpu.memory_space<semaphore_mem>>
      tpu.wait_indirect_dma semaphore(%dma_wait3A_576 : memref<!tpu.dma_semaphore, #tpu.memory_space<semaphore_mem>>) src(%dma_wait3A_574 : memref<100000x32xf32, #tpu.memory_space<hbm>>) dst(%dma_wait3A_568 : memref<40x32xf32, #tpu.memory_space<vmem>>)
      %lt3A_577 = arith.constant 624 : i32
      %lt3A_578 = arith.cmpi slt, %scan3A_544, %lt3A_577 : i32
      %convert_element_type3A_579 = arith.extui %lt3A_578 : i1 to i32
      %cond3A_580 = arith.constant 0 : i32
      %cond3A_581 = arith.cmpi ne, %convert_element_type3A_579, %cond3A_580 : i32
      scf.if %cond3A_581 {
        %add3A_613 = arith.constant 1 : i32
        %add3A_614 = arith.addi %scan3A_544, %add3A_613 : i32
        %and3A_615 = arith.constant 3 : i32
        %and3A_616 = arith.andi %add3A_614, %and3A_615 : i32
        %div3A_617 = arith.constant 25 : i32
        %div3A_618 = arith.divsi %add3A_614, %div3A_617 : i32
        %rem3A_619 = arith.constant 2 : i32
        %rem3A_620 = arith.remsi %div3A_618, %rem3A_619 : i32
        %ge3A = arith.constant 3 : i32
        %ge3A_621 = arith.cmpi sge, %scan3A_544, %ge3A : i32
        %convert_element_type3A_622 = arith.extui %ge3A_621 : i1 to i32
        %cond3A_623 = arith.constant 0 : i32
        %cond3A_624 = arith.cmpi ne, %convert_element_type3A_622, %cond3A_623 : i32
        scf.if %cond3A_624 {
          %dma_wait3A_780 = arith.constant 0 : i32
          %dma_wait3A_781 = arith.constant 0 : i32
          %dma_wait3A_782 = tpu.memref_slice %arg13[%and3A_616, %dma_wait3A_780, %dma_wait3A_781] : memref<4x80x32xf32, #tpu.memory_space<vmem>> -> memref<1x80x32xf32, #tpu.memory_space<vmem>>
          %dma_wait3A_783 = tpu.memref_squeeze %dma_wait3A_782 : memref<1x80x32xf32, #tpu.memory_space<vmem>> -> memref<80x32xf32, #tpu.memory_space<vmem>>
          %dma_wait3A_784 = arith.constant 0 : i32
          %dma_wait3A_785 = tpu.memref_slice %arg12[%and3A_616, %dma_wait3A_784] : memref<4x80xi32, #tpu.memory_space<vmem>> -> memref<1x80xi32, #tpu.memory_space<vmem>>
          %dma_wait3A_786 = tpu.memref_squeeze %dma_wait3A_785 : memref<1x80xi32, #tpu.memory_space<vmem>> -> memref<80xi32, #tpu.memory_space<vmem>>
          %dma_wait3A_787 = arith.constant 0 : i32
          %dma_wait3A_788 = arith.constant 0 : i32
          %dma_wait3A_789 = tpu.memref_slice %arg7[%dma_wait3A_787, %dma_wait3A_788] : memref<50000x32xf32, #tpu.memory_space<vmem_shared>> -> memref<50000x32xf32, #tpu.memory_space<vmem_shared>>
          %dma_wait3A_790 = tpu.memref_slice %arg18[%and3A_616] : memref<4x!tpu.dma_semaphore, #tpu.memory_space<semaphore_mem>> -> memref<1x!tpu.dma_semaphore, #tpu.memory_space<semaphore_mem>>
          %dma_wait3A_791 = tpu.memref_squeeze %dma_wait3A_790 : memref<1x!tpu.dma_semaphore, #tpu.memory_space<semaphore_mem>> -> memref<!tpu.dma_semaphore, #tpu.memory_space<semaphore_mem>>
          tpu.wait_indirect_dma semaphore(%dma_wait3A_791 : memref<!tpu.dma_semaphore, #tpu.memory_space<semaphore_mem>>) src(%dma_wait3A_783 : memref<80x32xf32, #tpu.memory_space<vmem>>) dst(%dma_wait3A_789 : memref<50000x32xf32, #tpu.memory_space<vmem_shared>>)
        } else {
        }
        %rem3A_625 = arith.constant 25 : i32
        %rem3A_626 = arith.remsi %add3A_614, %rem3A_625 : i32
        %eq3A_627 = arith.constant 0 : i32
        %eq3A_628 = arith.cmpi eq, %rem3A_626, %eq3A_627 : i32
        %convert_element_type3A_629 = arith.extui %eq3A_628 : i1 to i32
        %cond3A_630 = arith.constant 0 : i32
        %cond3A_631 = arith.cmpi ne, %convert_element_type3A_629, %cond3A_630 : i32
        scf.if %cond3A_631 {
          %dma_wait3A_780 = arith.constant 0 : i32
          %dma_wait3A_781 = tpu.memref_slice %arg8[%rem3A_620, %dma_wait3A_780] : memref<2x2000xi32, #tpu.memory_space<vmem>> -> memref<1x2000xi32, #tpu.memory_space<vmem>>
          %dma_wait3A_782 = tpu.memref_squeeze %dma_wait3A_781 : memref<1x2000xi32, #tpu.memory_space<vmem>> -> memref<2000xi32, #tpu.memory_space<vmem>>
          %dma_wait3A_783 = arith.constant 0 : i32
          %dma_wait3A_784 = tpu.memref_slice %arg3[%dma_wait3A_783] : memref<800000xi32, #tpu.memory_space<hbm>> -> memref<2000xi32, #tpu.memory_space<hbm>>
          %dma_wait3A_785 = tpu.memref_slice %arg15[%rem3A_620] : memref<2x!tpu.dma_semaphore, #tpu.memory_space<semaphore_mem>> -> memref<1x!tpu.dma_semaphore, #tpu.memory_space<semaphore_mem>>
          %dma_wait3A_786 = tpu.memref_squeeze %dma_wait3A_785 : memref<1x!tpu.dma_semaphore, #tpu.memory_space<semaphore_mem>> -> memref<!tpu.dma_semaphore, #tpu.memory_space<semaphore_mem>>
          %dma_wait3A_787 = arith.constant 0 : i32
          %dma_wait3A_788 = tpu.memref_slice %arg8[%rem3A_620, %dma_wait3A_787] : memref<2x2000xi32, #tpu.memory_space<vmem>> -> memref<1x2000xi32, #tpu.memory_space<vmem>>
          %dma_wait3A_789 = tpu.memref_squeeze %dma_wait3A_788 : memref<1x2000xi32, #tpu.memory_space<vmem>> -> memref<2000xi32, #tpu.memory_space<vmem>>
          %dma_wait3A_790 = arith.constant 0 : i32
          %dma_wait3A_791 = tpu.memref_slice %arg3[%dma_wait3A_790] : memref<800000xi32, #tpu.memory_space<hbm>> -> memref<2000xi32, #tpu.memory_space<hbm>>
          tpu.wait_dma2 semaphore(%dma_wait3A_786 : memref<!tpu.dma_semaphore, #tpu.memory_space<semaphore_mem>>) src(%dma_wait3A_791 : memref<2000xi32, #tpu.memory_space<hbm>>) dst(%dma_wait3A_789 : memref<2000xi32, #tpu.memory_space<vmem>>)
          %dma_wait3A_792 = arith.constant 0 : i32
          %dma_wait3A_793 = tpu.memref_slice %arg9[%rem3A_620, %dma_wait3A_792] : memref<2x2000xf32, #tpu.memory_space<vmem>> -> memref<1x2000xf32, #tpu.memory_space<vmem>>
          %dma_wait3A_794 = tpu.memref_squeeze %dma_wait3A_793 : memref<1x2000xf32, #tpu.memory_space<vmem>> -> memref<2000xf32, #tpu.memory_space<vmem>>
          %dma_wait3A_795 = arith.constant 0 : i32
          %dma_wait3A_796 = tpu.memref_slice %arg4[%dma_wait3A_795] : memref<800000xf32, #tpu.memory_space<hbm>> -> memref<2000xf32, #tpu.memory_space<hbm>>
          %dma_wait3A_797 = tpu.memref_slice %arg15[%rem3A_620] : memref<2x!tpu.dma_semaphore, #tpu.memory_space<semaphore_mem>> -> memref<1x!tpu.dma_semaphore, #tpu.memory_space<semaphore_mem>>
          %dma_wait3A_798 = tpu.memref_squeeze %dma_wait3A_797 : memref<1x!tpu.dma_semaphore, #tpu.memory_space<semaphore_mem>> -> memref<!tpu.dma_semaphore, #tpu.memory_space<semaphore_mem>>
          %dma_wait3A_799 = arith.constant 0 : i32
          %dma_wait3A_800 = tpu.memref_slice %arg9[%rem3A_620, %dma_wait3A_799] : memref<2x2000xf32, #tpu.memory_space<vmem>> -> memref<1x2000xf32, #tpu.memory_space<vmem>>
          %dma_wait3A_801 = tpu.memref_squeeze %dma_wait3A_800 : memref<1x2000xf32, #tpu.memory_space<vmem>> -> memref<2000xf32, #tpu.memory_space<vmem>>
          %dma_wait3A_802 = arith.constant 0 : i32
          %dma_wait3A_803 = tpu.memref_slice %arg4[%dma_wait3A_802] : memref<800000xf32, #tpu.memory_space<hbm>> -> memref<2000xf32, #tpu.memory_space<hbm>>
          tpu.wait_dma2 semaphore(%dma_wait3A_798 : memref<!tpu.dma_semaphore, #tpu.memory_space<semaphore_mem>>) src(%dma_wait3A_803 : memref<2000xf32, #tpu.memory_space<hbm>>) dst(%dma_wait3A_801 : memref<2000xf32, #tpu.memory_space<vmem>>)
          %dma_wait3A_804 = arith.constant 0 : i32
          %dma_wait3A_805 = tpu.memref_slice %arg10[%rem3A_620, %dma_wait3A_804] : memref<2x2000xi32, #tpu.memory_space<vmem>> -> memref<1x2000xi32, #tpu.memory_space<vmem>>
          %dma_wait3A_806 = tpu.memref_squeeze %dma_wait3A_805 : memref<1x2000xi32, #tpu.memory_space<vmem>> -> memref<2000xi32, #tpu.memory_space<vmem>>
          %dma_wait3A_807 = arith.constant 0 : i32
          %dma_wait3A_808 = tpu.memref_slice %arg2[%dma_wait3A_807] : memref<800000xi32, #tpu.memory_space<hbm>> -> memref<2000xi32, #tpu.memory_space<hbm>>
          %dma_wait3A_809 = tpu.memref_slice %arg15[%rem3A_620] : memref<2x!tpu.dma_semaphore, #tpu.memory_space<semaphore_mem>> -> memref<1x!tpu.dma_semaphore, #tpu.memory_space<semaphore_mem>>
          %dma_wait3A_810 = tpu.memref_squeeze %dma_wait3A_809 : memref<1x!tpu.dma_semaphore, #tpu.memory_space<semaphore_mem>> -> memref<!tpu.dma_semaphore, #tpu.memory_space<semaphore_mem>>
          %dma_wait3A_811 = arith.constant 0 : i32
          %dma_wait3A_812 = tpu.memref_slice %arg10[%rem3A_620, %dma_wait3A_811] : memref<2x2000xi32, #tpu.memory_space<vmem>> -> memref<1x2000xi32, #tpu.memory_space<vmem>>
          %dma_wait3A_813 = tpu.memref_squeeze %dma_wait3A_812 : memref<1x2000xi32, #tpu.memory_space<vmem>> -> memref<2000xi32, #tpu.memory_space<vmem>>
          %dma_wait3A_814 = arith.constant 0 : i32
          %dma_wait3A_815 = tpu.memref_slice %arg2[%dma_wait3A_814] : memref<800000xi32, #tpu.memory_space<hbm>> -> memref<2000xi32, #tpu.memory_space<hbm>>
          tpu.wait_dma2 semaphore(%dma_wait3A_810 : memref<!tpu.dma_semaphore, #tpu.memory_space<semaphore_mem>>) src(%dma_wait3A_815 : memref<2000xi32, #tpu.memory_space<hbm>>) dst(%dma_wait3A_813 : memref<2000xi32, #tpu.memory_space<vmem>>)
        } else {
        }
        %rem3A_632 = arith.constant 25 : i32
        %rem3A_633 = arith.remsi %add3A_614, %rem3A_632 : i32
        %mul3A_634 = arith.constant 80 : i32
        %mul3A_635 = arith.muli %rem3A_633, %mul3A_634 : i32
        %add3A_636 = arith.constant 0 : i32
        %add3A_637 = arith.addi %mul3A_635, %add3A_636 : i32
        %get3A_638 = arith.index_cast %rem3A_620 : i32 to index
        %get3A_639 = arith.index_cast %add3A_637 : i32 to index
        %get3A_640 = tpu.vector_load %arg8[%get3A_638, %get3A_639] {strides = array<i32>} : memref<2x2000xi32, #tpu.memory_space<vmem>>, vector<1x16xi32>,
        %get3A_641 = vector.shape_cast %get3A_640 : vector<1x16xi32> to vector<16xi32>
        %add3A_642 = vector.broadcast %mul3A_114 : i32 to vector<16xi32>
        %add3A_643 = arith.addi %get3A_641, %add3A_642 : vector<16xi32>
        %swap3A_644 = arith.index_cast %and3A_616 : i32 to index
        %swap3A_645 = arith.constant 0 : index
        %swap3A_646 = tpu.vector_load %arg11[%swap3A_644, %swap3A_645] {strides = array<i32>} : memref<4x80xi32, #tpu.memory_space<vmem>>, vector<1x16xi32>,
        %swap3A_647 = vector.shape_cast %swap3A_646 : vector<1x16xi32> to vector<16xi32>
        %swap3A_648 = vector.shape_cast %add3A_643 : vector<16xi32> to vector<1x16xi32>
        tpu.vector_store %arg11[%swap3A_644, %swap3A_645], %swap3A_648 {strides = array<i32>} : memref<4x80xi32, #tpu.memory_space<vmem>>, vector<1x16xi32>,
        %add3A_649 = arith.constant 0 : i32
        %add3A_650 = arith.addi %mul3A_635, %add3A_649 : i32
        %get3A_651 = arith.index_cast %rem3A_620 : i32 to index
        %get3A_652 = arith.index_cast %add3A_650 : i32 to index
        %get3A_653 = tpu.vector_load %arg10[%get3A_651, %get3A_652] {strides = array<i32>} : memref<2x2000xi32, #tpu.memory_space<vmem>>, vector<1x16xi32>,
        %get3A_654 = vector.shape_cast %get3A_653 : vector<1x16xi32> to vector<16xi32>
        %swap3A_655 = arith.index_cast %and3A_616 : i32 to index
        %swap3A_656 = arith.constant 0 : index
        %swap3A_657 = tpu.vector_load %arg12[%swap3A_655, %swap3A_656] {strides = array<i32>} : memref<4x80xi32, #tpu.memory_space<vmem>>, vector<1x16xi32>,
        %swap3A_658 = vector.shape_cast %swap3A_657 : vector<1x16xi32> to vector<16xi32>
        %swap3A_659 = vector.shape_cast %get3A_654 : vector<16xi32> to vector<1x16xi32>
        tpu.vector_store %arg12[%swap3A_655, %swap3A_656], %swap3A_659 {strides = array<i32>} : memref<4x80xi32, #tpu.memory_space<vmem>>, vector<1x16xi32>,
        %add3A_660 = arith.constant 16 : i32
        %add3A_661 = arith.addi %mul3A_635, %add3A_660 : i32
        %get3A_662 = arith.index_cast %rem3A_620 : i32 to index
        %get3A_663 = arith.index_cast %add3A_661 : i32 to index
        %get3A_664 = tpu.vector_load %arg8[%get3A_662, %get3A_663] {strides = array<i32>} : memref<2x2000xi32, #tpu.memory_space<vmem>>, vector<1x16xi32>,
        %get3A_665 = vector.shape_cast %get3A_664 : vector<1x16xi32> to vector<16xi32>
        %add3A_666 = vector.broadcast %mul3A_114 : i32 to vector<16xi32>
        %add3A_667 = arith.addi %get3A_665, %add3A_666 : vector<16xi32>
        %swap3A_668 = arith.index_cast %and3A_616 : i32 to index
        %swap3A_669 = arith.constant 16 : index
        %swap3A_670 = tpu.vector_load %arg11[%swap3A_668, %swap3A_669] {strides = array<i32>} : memref<4x80xi32, #tpu.memory_space<vmem>>, vector<1x16xi32>,
        %swap3A_671 = vector.shape_cast %swap3A_670 : vector<1x16xi32> to vector<16xi32>
        %swap3A_672 = vector.shape_cast %add3A_667 : vector<16xi32> to vector<1x16xi32>
        tpu.vector_store %arg11[%swap3A_668, %swap3A_669], %swap3A_672 {strides = array<i32>} : memref<4x80xi32, #tpu.memory_space<vmem>>, vector<1x16xi32>,
        %add3A_673 = arith.constant 16 : i32
        %add3A_674 = arith.addi %mul3A_635, %add3A_673 : i32
        %get3A_675 = arith.index_cast %rem3A_620 : i32 to index
        %get3A_676 = arith.index_cast %add3A_674 : i32 to index
        %get3A_677 = tpu.vector_load %arg10[%get3A_675, %get3A_676] {strides = array<i32>} : memref<2x2000xi32, #tpu.memory_space<vmem>>, vector<1x16xi32>,
        %get3A_678 = vector.shape_cast %get3A_677 : vector<1x16xi32> to vector<16xi32>
        %swap3A_679 = arith.index_cast %and3A_616 : i32 to index
        %swap3A_680 = arith.constant 16 : index
        %swap3A_681 = tpu.vector_load %arg12[%swap3A_679, %swap3A_680] {strides = array<i32>} : memref<4x80xi32, #tpu.memory_space<vmem>>, vector<1x16xi32>,
        %swap3A_682 = vector.shape_cast %swap3A_681 : vector<1x16xi32> to vector<16xi32>
        %swap3A_683 = vector.shape_cast %get3A_678 : vector<16xi32> to vector<1x16xi32>
        tpu.vector_store %arg12[%swap3A_679, %swap3A_680], %swap3A_683 {strides = array<i32>} : memref<4x80xi32, #tpu.memory_space<vmem>>, vector<1x16xi32>,
        %add3A_684 = arith.constant 32 : i32
        %add3A_685 = arith.addi %mul3A_635, %add3A_684 : i32
        %get3A_686 = arith.index_cast %rem3A_620 : i32 to index
        %get3A_687 = arith.index_cast %add3A_685 : i32 to index
        %get3A_688 = tpu.vector_load %arg8[%get3A_686, %get3A_687] {strides = array<i32>} : memref<2x2000xi32, #tpu.memory_space<vmem>>, vector<1x16xi32>,
        %get3A_689 = vector.shape_cast %get3A_688 : vector<1x16xi32> to vector<16xi32>
        %add3A_690 = vector.broadcast %mul3A_114 : i32 to vector<16xi32>
        %add3A_691 = arith.addi %get3A_689, %add3A_690 : vector<16xi32>
        %swap3A_692 = arith.index_cast %and3A_616 : i32 to index
        %swap3A_693 = arith.constant 32 : index
        %swap3A_694 = tpu.vector_load %arg11[%swap3A_692, %swap3A_693] {strides = array<i32>} : memref<4x80xi32, #tpu.memory_space<vmem>>, vector<1x16xi32>,
        %swap3A_695 = vector.shape_cast %swap3A_694 : vector<1x16xi32> to vector<16xi32>
        %swap3A_696 = vector.shape_cast %add3A_691 : vector<16xi32> to vector<1x16xi32>
        tpu.vector_store %arg11[%swap3A_692, %swap3A_693], %swap3A_696 {strides = array<i32>} : memref<4x80xi32, #tpu.memory_space<vmem>>, vector<1x16xi32>,
        %add3A_697 = arith.constant 32 : i32
        %add3A_698 = arith.addi %mul3A_635, %add3A_697 : i32
        %get3A_699 = arith.index_cast %rem3A_620 : i32 to index
        %get3A_700 = arith.index_cast %add3A_698 : i32 to index
        %get3A_701 = tpu.vector_load %arg10[%get3A_699, %get3A_700] {strides = array<i32>} : memref<2x2000xi32, #tpu.memory_space<vmem>>, vector<1x16xi32>,
        %get3A_702 = vector.shape_cast %get3A_701 : vector<1x16xi32> to vector<16xi32>
        %swap3A_703 = arith.index_cast %and3A_616 : i32 to index
        %swap3A_704 = arith.constant 32 : index
        %swap3A_705 = tpu.vector_load %arg12[%swap3A_703, %swap3A_704] {strides = array<i32>} : memref<4x80xi32, #tpu.memory_space<vmem>>, vector<1x16xi32>,
        %swap3A_706 = vector.shape_cast %swap3A_705 : vector<1x16xi32> to vector<16xi32>
        %swap3A_707 = vector.shape_cast %get3A_702 : vector<16xi32> to vector<1x16xi32>
        tpu.vector_store %arg12[%swap3A_703, %swap3A_704], %swap3A_707 {strides = array<i32>} : memref<4x80xi32, #tpu.memory_space<vmem>>, vector<1x16xi32>,
        %add3A_708 = arith.constant 48 : i32
        %add3A_709 = arith.addi %mul3A_635, %add3A_708 : i32
        %get3A_710 = arith.index_cast %rem3A_620 : i32 to index
        %get3A_711 = arith.index_cast %add3A_709 : i32 to index
        %get3A_712 = tpu.vector_load %arg8[%get3A_710, %get3A_711] {strides = array<i32>} : memref<2x2000xi32, #tpu.memory_space<vmem>>, vector<1x16xi32>,
        %get3A_713 = vector.shape_cast %get3A_712 : vector<1x16xi32> to vector<16xi32>
        %add3A_714 = vector.broadcast %mul3A_114 : i32 to vector<16xi32>
        %add3A_715 = arith.addi %get3A_713, %add3A_714 : vector<16xi32>
        %swap3A_716 = arith.index_cast %and3A_616 : i32 to index
        %swap3A_717 = arith.constant 48 : index
        %swap3A_718 = tpu.vector_load %arg11[%swap3A_716, %swap3A_717] {strides = array<i32>} : memref<4x80xi32, #tpu.memory_space<vmem>>, vector<1x16xi32>,
        %swap3A_719 = vector.shape_cast %swap3A_718 : vector<1x16xi32> to vector<16xi32>
        %swap3A_720 = vector.shape_cast %add3A_715 : vector<16xi32> to vector<1x16xi32>
        tpu.vector_store %arg11[%swap3A_716, %swap3A_717], %swap3A_720 {strides = array<i32>} : memref<4x80xi32, #tpu.memory_space<vmem>>, vector<1x16xi32>,
        %add3A_721 = arith.constant 48 : i32
        %add3A_722 = arith.addi %mul3A_635, %add3A_721 : i32
        %get3A_723 = arith.index_cast %rem3A_620 : i32 to index
        %get3A_724 = arith.index_cast %add3A_722 : i32 to index
        %get3A_725 = tpu.vector_load %arg10[%get3A_723, %get3A_724] {strides = array<i32>} : memref<2x2000xi32, #tpu.memory_space<vmem>>, vector<1x16xi32>,
        %get3A_726 = vector.shape_cast %get3A_725 : vector<1x16xi32> to vector<16xi32>
        %swap3A_727 = arith.index_cast %and3A_616 : i32 to index
        %swap3A_728 = arith.constant 48 : index
        %swap3A_729 = tpu.vector_load %arg12[%swap3A_727, %swap3A_728] {strides = array<i32>} : memref<4x80xi32, #tpu.memory_space<vmem>>, vector<1x16xi32>,
        %swap3A_730 = vector.shape_cast %swap3A_729 : vector<1x16xi32> to vector<16xi32>
        %swap3A_731 = vector.shape_cast %get3A_726 : vector<16xi32> to vector<1x16xi32>
        tpu.vector_store %arg12[%swap3A_727, %swap3A_728], %swap3A_731 {strides = array<i32>} : memref<4x80xi32, #tpu.memory_space<vmem>>, vector<1x16xi32>,
        %add3A_732 = arith.constant 64 : i32
        %add3A_733 = arith.addi %mul3A_635, %add3A_732 : i32
        %get3A_734 = arith.index_cast %rem3A_620 : i32 to index
        %get3A_735 = arith.index_cast %add3A_733 : i32 to index
        %get3A_736 = tpu.vector_load %arg8[%get3A_734, %get3A_735] {strides = array<i32>} : memref<2x2000xi32, #tpu.memory_space<vmem>>, vector<1x16xi32>,
        %get3A_737 = vector.shape_cast %get3A_736 : vector<1x16xi32> to vector<16xi32>
        %add3A_738 = vector.broadcast %mul3A_114 : i32 to vector<16xi32>
        %add3A_739 = arith.addi %get3A_737, %add3A_738 : vector<16xi32>
        %swap3A_740 = arith.index_cast %and3A_616 : i32 to index
        %swap3A_741 = arith.constant 64 : index
        %swap3A_742 = tpu.vector_load %arg11[%swap3A_740, %swap3A_741] {strides = array<i32>} : memref<4x80xi32, #tpu.memory_space<vmem>>, vector<1x16xi32>,
        %swap3A_743 = vector.shape_cast %swap3A_742 : vector<1x16xi32> to vector<16xi32>
        %swap3A_744 = vector.shape_cast %add3A_739 : vector<16xi32> to vector<1x16xi32>
        tpu.vector_store %arg11[%swap3A_740, %swap3A_741], %swap3A_744 {strides = array<i32>} : memref<4x80xi32, #tpu.memory_space<vmem>>, vector<1x16xi32>,
        %add3A_745 = arith.constant 64 : i32
        %add3A_746 = arith.addi %mul3A_635, %add3A_745 : i32
        %get3A_747 = arith.index_cast %rem3A_620 : i32 to index
        %get3A_748 = arith.index_cast %add3A_746 : i32 to index
        %get3A_749 = tpu.vector_load %arg10[%get3A_747, %get3A_748] {strides = array<i32>} : memref<2x2000xi32, #tpu.memory_space<vmem>>, vector<1x16xi32>,
        %get3A_750 = vector.shape_cast %get3A_749 : vector<1x16xi32> to vector<16xi32>
        %swap3A_751 = arith.index_cast %and3A_616 : i32 to index
        %swap3A_752 = arith.constant 64 : index
        %swap3A_753 = tpu.vector_load %arg12[%swap3A_751, %swap3A_752] {strides = array<i32>} : memref<4x80xi32, #tpu.memory_space<vmem>>, vector<1x16xi32>,
        %swap3A_754 = vector.shape_cast %swap3A_753 : vector<1x16xi32> to vector<16xi32>
        %swap3A_755 = vector.shape_cast %get3A_750 : vector<16xi32> to vector<1x16xi32>
        tpu.vector_store %arg12[%swap3A_751, %swap3A_752], %swap3A_755 {strides = array<i32>} : memref<4x80xi32, #tpu.memory_space<vmem>>, vector<1x16xi32>,
        %dma_start3A_756 = arith.constant 0 : i32
        %dma_start3A_757 = arith.constant 0 : i32
        %dma_start3A_758 = tpu.memref_slice %arg13[%and3A_616, %dma_start3A_756, %dma_start3A_757] : memref<4x80x32xf32, #tpu.memory_space<vmem>> -> memref<1x40x32xf32, #tpu.memory_space<vmem>>
        %dma_start3A_759 = tpu.memref_squeeze %dma_start3A_758 : memref<1x40x32xf32, #tpu.memory_space<vmem>> -> memref<40x32xf32, #tpu.memory_space<vmem>>
        %dma_start3A_760 = arith.constant 0 : i32
        %dma_start3A_761 = tpu.memref_slice %arg11[%and3A_616, %dma_start3A_760] : memref<4x80xi32, #tpu.memory_space<vmem>> -> memref<1x40xi32, #tpu.memory_space<vmem>>
        %dma_start3A_762 = tpu.memref_squeeze %dma_start3A_761 : memref<1x40xi32, #tpu.memory_space<vmem>> -> memref<40xi32, #tpu.memory_space<vmem>>
        %dma_start3A_763 = arith.constant 0 : i32
        %dma_start3A_764 = arith.constant 0 : i32
        %dma_start3A_765 = tpu.memref_slice %arg5[%dma_start3A_763, %dma_start3A_764] : memref<100000x32xf32, #tpu.memory_space<hbm>> -> memref<100000x32xf32, #tpu.memory_space<hbm>>
        %dma_start3A_766 = tpu.memref_slice %arg16[%and3A_616] : memref<4x!tpu.dma_semaphore, #tpu.memory_space<semaphore_mem>> -> memref<1x!tpu.dma_semaphore, #tpu.memory_space<semaphore_mem>>
        %dma_start3A_767 = tpu.memref_squeeze %dma_start3A_766 : memref<1x!tpu.dma_semaphore, #tpu.memory_space<semaphore_mem>> -> memref<!tpu.dma_semaphore, #tpu.memory_space<semaphore_mem>>
        tpu.enqueue_indirect_dma source(%dma_start3A_765 : memref<100000x32xf32, #tpu.memory_space<hbm>>) target(%dma_start3A_759 : memref<40x32xf32, #tpu.memory_space<vmem>>) offsets(%dma_start3A_762 : memref<40xi32, #tpu.memory_space<vmem>>) semaphore(%dma_start3A_767 : memref<!tpu.dma_semaphore, #tpu.memory_space<semaphore_mem>>)
        %dma_start3A_768 = arith.constant 40 : i32
        %dma_start3A_769 = arith.constant 0 : i32
        %dma_start3A_770 = tpu.memref_slice %arg13[%and3A_616, %dma_start3A_768, %dma_start3A_769] : memref<4x80x32xf32, #tpu.memory_space<vmem>> -> memref<1x40x32xf32, #tpu.memory_space<vmem>>
        %dma_start3A_771 = tpu.memref_squeeze %dma_start3A_770 : memref<1x40x32xf32, #tpu.memory_space<vmem>> -> memref<40x32xf32, #tpu.memory_space<vmem>>
        %dma_start3A_772 = arith.constant 40 : i32
        %dma_start3A_773 = tpu.memref_slice %arg11[%and3A_616, %dma_start3A_772] : memref<4x80xi32, #tpu.memory_space<vmem>> -> memref<1x40xi32, #tpu.memory_space<vmem>>
        %dma_start3A_774 = tpu.memref_squeeze %dma_start3A_773 : memref<1x40xi32, #tpu.memory_space<vmem>> -> memref<40xi32, #tpu.memory_space<vmem>>
        %dma_start3A_775 = arith.constant 0 : i32
        %dma_start3A_776 = arith.constant 0 : i32
        %dma_start3A_777 = tpu.memref_slice %arg5[%dma_start3A_775, %dma_start3A_776] : memref<100000x32xf32, #tpu.memory_space<hbm>> -> memref<100000x32xf32, #tpu.memory_space<hbm>>
        %dma_start3A_778 = tpu.memref_slice %arg17[%and3A_616] : memref<4x!tpu.dma_semaphore, #tpu.memory_space<semaphore_mem>> -> memref<1x!tpu.dma_semaphore, #tpu.memory_space<semaphore_mem>>
        %dma_start3A_779 = tpu.memref_squeeze %dma_start3A_778 : memref<1x!tpu.dma_semaphore, #tpu.memory_space<semaphore_mem>> -> memref<!tpu.dma_semaphore, #tpu.memory_space<semaphore_mem>>
        tpu.enqueue_indirect_dma source(%dma_start3A_777 : memref<100000x32xf32, #tpu.memory_space<hbm>>) target(%dma_start3A_771 : memref<40x32xf32, #tpu.memory_space<vmem>>) offsets(%dma_start3A_774 : memref<40xi32, #tpu.memory_space<vmem>>) semaphore(%dma_start3A_779 : memref<!tpu.dma_semaphore, #tpu.memory_space<semaphore_mem>>)
      } else {
      }
      %scan3A_582 = arith.constant 0 : i32
      %scan3A_583 = arith.constant 0 : i32
      %scan3A_584 = arith.constant 5 : i32
      %scan3A_585 = arith.addi %scan3A_583, %scan3A_584 : i32
      %scan3A_586 = arith.constant 1 : i32
      scf.for %scan3A_613 = %scan3A_583 to %scan3A_585 step %scan3A_586  : i32 {
        %mul3A_614 = arith.constant 16 : i32
        %mul3A_615 = arith.muli %scan3A_613, %mul3A_614 : i32
        %add3A_616 = arith.addi %mul3A_550, %mul3A_615 : i32
        %get3A_617 = arith.index_cast %rem3A_552 : i32 to index
        %get3A_618 = arith.index_cast %add3A_616 : i32 to index
        %get3A_619 = tpu.vector_load %arg9[%get3A_617, %get3A_618] {strides = array<i32>} : memref<2x2000xf32, #tpu.memory_space<vmem>>, vector<1x16xf32>,
        %get3A_620 = vector.shape_cast %get3A_619 : vector<1x16xf32> to vector<16xf32>
        %broadcast_in_dim3A_621 = arith.constant 0 : i32
        %broadcast_in_dim3A_622 = vector.broadcast %broadcast_in_dim3A_621 : i32 to vector<16x1xi32>
        %gather3A = vector.shape_cast %broadcast_in_dim3A_622 : vector<16x1xi32> to vector<16xi32>
        %gather3A_623 = tpu.dynamic_gather %get3A_620[%gather3A] in [0] : vector<16xf32>, vector<16xi32> -> vector<16xf32>
        %mul3A_624 = arith.constant 16 : i32
        %mul3A_625 = arith.muli %scan3A_613, %mul3A_624 : i32
        %add3A_626 = arith.constant 0 : i32
        %add3A_627 = arith.addi %mul3A_625, %add3A_626 : i32
        %get3A_628 = arith.index_cast %and3A_546 : i32 to index
        %get3A_629 = arith.index_cast %add3A_627 : i32 to index
        %get3A_630 = arith.constant 0 : index
        %get3A_631 = tpu.vector_load %arg13[%get3A_628, %get3A_629, %get3A_630] {strides = array<i32>} : memref<4x80x32xf32, #tpu.memory_space<vmem>>, vector<1x1x16xf32>,
        %get3A_632 = vector.shape_cast %get3A_631 : vector<1x1x16xf32> to vector<16xf32>
        %mul3A_633 = arith.mulf %get3A_632, %gather3A_623 : vector<16xf32>
        %swap3A_634 = arith.index_cast %and3A_546 : i32 to index
        %swap3A_635 = arith.index_cast %add3A_627 : i32 to index
        %swap3A_636 = arith.constant 0 : index
        %swap3A_637 = tpu.vector_load %arg13[%swap3A_634, %swap3A_635, %swap3A_636] {strides = array<i32>} : memref<4x80x32xf32, #tpu.memory_space<vmem>>, vector<1x1x16xf32>,
        %swap3A_638 = vector.shape_cast %swap3A_637 : vector<1x1x16xf32> to vector<16xf32>
        %swap3A_639 = vector.shape_cast %mul3A_633 : vector<16xf32> to vector<1x1x16xf32>
        tpu.vector_store %arg13[%swap3A_634, %swap3A_635, %swap3A_636], %swap3A_639 {strides = array<i32>} : memref<4x80x32xf32, #tpu.memory_space<vmem>>, vector<1x1x16xf32>,
        %get3A_640 = arith.index_cast %and3A_546 : i32 to index
        %get3A_641 = arith.index_cast %add3A_627 : i32 to index
        %get3A_642 = arith.constant 16 : index
        %get3A_643 = tpu.vector_load %arg13[%get3A_640, %get3A_641, %get3A_642] {strides = array<i32>} : memref<4x80x32xf32, #tpu.memory_space<vmem>>, vector<1x1x16xf32>,
        %get3A_644 = vector.shape_cast %get3A_643 : vector<1x1x16xf32> to vector<16xf32>
        %mul3A_645 = arith.mulf %get3A_644, %gather3A_623 : vector<16xf32>
        %swap3A_646 = arith.index_cast %and3A_546 : i32 to index
        %swap3A_647 = arith.index_cast %add3A_627 : i32 to index
        %swap3A_648 = arith.constant 16 : index
        %swap3A_649 = tpu.vector_load %arg13[%swap3A_646, %swap3A_647, %swap3A_648] {strides = array<i32>} : memref<4x80x32xf32, #tpu.memory_space<vmem>>, vector<1x1x16xf32>,
        %swap3A_650 = vector.shape_cast %swap3A_649 : vector<1x1x16xf32> to vector<16xf32>
        %swap3A_651 = vector.shape_cast %mul3A_645 : vector<16xf32> to vector<1x1x16xf32>
        tpu.vector_store %arg13[%swap3A_646, %swap3A_647, %swap3A_648], %swap3A_651 {strides = array<i32>} : memref<4x80x32xf32, #tpu.memory_space<vmem>>, vector<1x1x16xf32>,
        %broadcast_in_dim3A_652 = arith.constant 1 : i32
        %broadcast_in_dim3A_653 = vector.broadcast %broadcast_in_dim3A_652 : i32 to vector<16x1xi32>
        %gather3A_654 = vector.shape_cast %broadcast_in_dim3A_653 : vector<16x1xi32> to vector<16xi32>
        %gather3A_655 = tpu.dynamic_gather %get3A_620[%gather3A_654] in [0] : vector<16xf32>, vector<16xi32> -> vector<16xf32>
        %mul3A_656 = arith.constant 16 : i32
        %mul3A_657 = arith.muli %scan3A_613, %mul3A_656 : i32
        %add3A_658 = arith.constant 1 : i32
        %add3A_659 = arith.addi %mul3A_657, %add3A_658 : i32
        %get3A_660 = arith.index_cast %and3A_546 : i32 to index
        %get3A_661 = arith.index_cast %add3A_659 : i32 to index
        %get3A_662 = arith.constant 0 : index
        %get3A_663 = tpu.vector_load %arg13[%get3A_660, %get3A_661, %get3A_662] {strides = array<i32>} : memref<4x80x32xf32, #tpu.memory_space<vmem>>, vector<1x1x16xf32>,
        %get3A_664 = vector.shape_cast %get3A_663 : vector<1x1x16xf32> to vector<16xf32>
        %mul3A_665 = arith.mulf %get3A_664, %gather3A_655 : vector<16xf32>
        %swap3A_666 = arith.index_cast %and3A_546 : i32 to index
        %swap3A_667 = arith.index_cast %add3A_659 : i32 to index
        %swap3A_668 = arith.constant 0 : index
        %swap3A_669 = tpu.vector_load %arg13[%swap3A_666, %swap3A_667, %swap3A_668] {strides = array<i32>} : memref<4x80x32xf32, #tpu.memory_space<vmem>>, vector<1x1x16xf32>,
        %swap3A_670 = vector.shape_cast %swap3A_669 : vector<1x1x16xf32> to vector<16xf32>
        %swap3A_671 = vector.shape_cast %mul3A_665 : vector<16xf32> to vector<1x1x16xf32>
        tpu.vector_store %arg13[%swap3A_666, %swap3A_667, %swap3A_668], %swap3A_671 {strides = array<i32>} : memref<4x80x32xf32, #tpu.memory_space<vmem>>, vector<1x1x16xf32>,
        %get3A_672 = arith.index_cast %and3A_546 : i32 to index
        %get3A_673 = arith.index_cast %add3A_659 : i32 to index
        %get3A_674 = arith.constant 16 : index
        %get3A_675 = tpu.vector_load %arg13[%get3A_672, %get3A_673, %get3A_674] {strides = array<i32>} : memref<4x80x32xf32, #tpu.memory_space<vmem>>, vector<1x1x16xf32>,
        %get3A_676 = vector.shape_cast %get3A_675 : vector<1x1x16xf32> to vector<16xf32>
        %mul3A_677 = arith.mulf %get3A_676, %gather3A_655 : vector<16xf32>
        %swap3A_678 = arith.index_cast %and3A_546 : i32 to index
        %swap3A_679 = arith.index_cast %add3A_659 : i32 to index
        %swap3A_680 = arith.constant 16 : index
        %swap3A_681 = tpu.vector_load %arg13[%swap3A_678, %swap3A_679, %swap3A_680] {strides = array<i32>} : memref<4x80x32xf32, #tpu.memory_space<vmem>>, vector<1x1x16xf32>,
        %swap3A_682 = vector.shape_cast %swap3A_681 : vector<1x1x16xf32> to vector<16xf32>
        %swap3A_683 = vector.shape_cast %mul3A_677 : vector<16xf32> to vector<1x1x16xf32>
        tpu.vector_store %arg13[%swap3A_678, %swap3A_679, %swap3A_680], %swap3A_683 {strides = array<i32>} : memref<4x80x32xf32, #tpu.memory_space<vmem>>, vector<1x1x16xf32>,
        %broadcast_in_dim3A_684 = arith.constant 2 : i32
        %broadcast_in_dim3A_685 = vector.broadcast %broadcast_in_dim3A_684 : i32 to vector<16x1xi32>
        %gather3A_686 = vector.shape_cast %broadcast_in_dim3A_685 : vector<16x1xi32> to vector<16xi32>
        %gather3A_687 = tpu.dynamic_gather %get3A_620[%gather3A_686] in [0] : vector<16xf32>, vector<16xi32> -> vector<16xf32>
        %mul3A_688 = arith.constant 16 : i32
        %mul3A_689 = arith.muli %scan3A_613, %mul3A_688 : i32
        %add3A_690 = arith.constant 2 : i32
        %add3A_691 = arith.addi %mul3A_689, %add3A_690 : i32
        %get3A_692 = arith.index_cast %and3A_546 : i32 to index
        %get3A_693 = arith.index_cast %add3A_691 : i32 to index
        %get3A_694 = arith.constant 0 : index
        %get3A_695 = tpu.vector_load %arg13[%get3A_692, %get3A_693, %get3A_694] {strides = array<i32>} : memref<4x80x32xf32, #tpu.memory_space<vmem>>, vector<1x1x16xf32>,
        %get3A_696 = vector.shape_cast %get3A_695 : vector<1x1x16xf32> to vector<16xf32>
        %mul3A_697 = arith.mulf %get3A_696, %gather3A_687 : vector<16xf32>
        %swap3A_698 = arith.index_cast %and3A_546 : i32 to index
        %swap3A_699 = arith.index_cast %add3A_691 : i32 to index
        %swap3A_700 = arith.constant 0 : index
        %swap3A_701 = tpu.vector_load %arg13[%swap3A_698, %swap3A_699, %swap3A_700] {strides = array<i32>} : memref<4x80x32xf32, #tpu.memory_space<vmem>>, vector<1x1x16xf32>,
        %swap3A_702 = vector.shape_cast %swap3A_701 : vector<1x1x16xf32> to vector<16xf32>
        %swap3A_703 = vector.shape_cast %mul3A_697 : vector<16xf32> to vector<1x1x16xf32>
        tpu.vector_store %arg13[%swap3A_698, %swap3A_699, %swap3A_700], %swap3A_703 {strides = array<i32>} : memref<4x80x32xf32, #tpu.memory_space<vmem>>, vector<1x1x16xf32>,
        %get3A_704 = arith.index_cast %and3A_546 : i32 to index
        %get3A_705 = arith.index_cast %add3A_691 : i32 to index
        %get3A_706 = arith.constant 16 : index
        %get3A_707 = tpu.vector_load %arg13[%get3A_704, %get3A_705, %get3A_706] {strides = array<i32>} : memref<4x80x32xf32, #tpu.memory_space<vmem>>, vector<1x1x16xf32>,
        %get3A_708 = vector.shape_cast %get3A_707 : vector<1x1x16xf32> to vector<16xf32>
        %mul3A_709 = arith.mulf %get3A_708, %gather3A_687 : vector<16xf32>
        %swap3A_710 = arith.index_cast %and3A_546 : i32 to index
        %swap3A_711 = arith.index_cast %add3A_691 : i32 to index
        %swap3A_712 = arith.constant 16 : index
        %swap3A_713 = tpu.vector_load %arg13[%swap3A_710, %swap3A_711, %swap3A_712] {strides = array<i32>} : memref<4x80x32xf32, #tpu.memory_space<vmem>>, vector<1x1x16xf32>,
        %swap3A_714 = vector.shape_cast %swap3A_713 : vector<1x1x16xf32> to vector<16xf32>
        %swap3A_715 = vector.shape_cast %mul3A_709 : vector<16xf32> to vector<1x1x16xf32>
        tpu.vector_store %arg13[%swap3A_710, %swap3A_711, %swap3A_712], %swap3A_715 {strides = array<i32>} : memref<4x80x32xf32, #tpu.memory_space<vmem>>, vector<1x1x16xf32>,
        %broadcast_in_dim3A_716 = arith.constant 3 : i32
        %broadcast_in_dim3A_717 = vector.broadcast %broadcast_in_dim3A_716 : i32 to vector<16x1xi32>
        %gather3A_718 = vector.shape_cast %broadcast_in_dim3A_717 : vector<16x1xi32> to vector<16xi32>
        %gather3A_719 = tpu.dynamic_gather %get3A_620[%gather3A_718] in [0] : vector<16xf32>, vector<16xi32> -> vector<16xf32>
        %mul3A_720 = arith.constant 16 : i32
        %mul3A_721 = arith.muli %scan3A_613, %mul3A_720 : i32
        %add3A_722 = arith.constant 3 : i32
        %add3A_723 = arith.addi %mul3A_721, %add3A_722 : i32
        %get3A_724 = arith.index_cast %and3A_546 : i32 to index
        %get3A_725 = arith.index_cast %add3A_723 : i32 to index
        %get3A_726 = arith.constant 0 : index
        %get3A_727 = tpu.vector_load %arg13[%get3A_724, %get3A_725, %get3A_726] {strides = array<i32>} : memref<4x80x32xf32, #tpu.memory_space<vmem>>, vector<1x1x16xf32>,
        %get3A_728 = vector.shape_cast %get3A_727 : vector<1x1x16xf32> to vector<16xf32>
        %mul3A_729 = arith.mulf %get3A_728, %gather3A_719 : vector<16xf32>
        %swap3A_730 = arith.index_cast %and3A_546 : i32 to index
        %swap3A_731 = arith.index_cast %add3A_723 : i32 to index
        %swap3A_732 = arith.constant 0 : index
        %swap3A_733 = tpu.vector_load %arg13[%swap3A_730, %swap3A_731, %swap3A_732] {strides = array<i32>} : memref<4x80x32xf32, #tpu.memory_space<vmem>>, vector<1x1x16xf32>,
        %swap3A_734 = vector.shape_cast %swap3A_733 : vector<1x1x16xf32> to vector<16xf32>
        %swap3A_735 = vector.shape_cast %mul3A_729 : vector<16xf32> to vector<1x1x16xf32>
        tpu.vector_store %arg13[%swap3A_730, %swap3A_731, %swap3A_732], %swap3A_735 {strides = array<i32>} : memref<4x80x32xf32, #tpu.memory_space<vmem>>, vector<1x1x16xf32>,
        %get3A_736 = arith.index_cast %and3A_546 : i32 to index
        %get3A_737 = arith.index_cast %add3A_723 : i32 to index
        %get3A_738 = arith.constant 16 : index
        %get3A_739 = tpu.vector_load %arg13[%get3A_736, %get3A_737, %get3A_738] {strides = array<i32>} : memref<4x80x32xf32, #tpu.memory_space<vmem>>, vector<1x1x16xf32>,
        %get3A_740 = vector.shape_cast %get3A_739 : vector<1x1x16xf32> to vector<16xf32>
        %mul3A_741 = arith.mulf %get3A_740, %gather3A_719 : vector<16xf32>
        %swap3A_742 = arith.index_cast %and3A_546 : i32 to index
        %swap3A_743 = arith.index_cast %add3A_723 : i32 to index
        %swap3A_744 = arith.constant 16 : index
        %swap3A_745 = tpu.vector_load %arg13[%swap3A_742, %swap3A_743, %swap3A_744] {strides = array<i32>} : memref<4x80x32xf32, #tpu.memory_space<vmem>>, vector<1x1x16xf32>,
        %swap3A_746 = vector.shape_cast %swap3A_745 : vector<1x1x16xf32> to vector<16xf32>
        %swap3A_747 = vector.shape_cast %mul3A_741 : vector<16xf32> to vector<1x1x16xf32>
        tpu.vector_store %arg13[%swap3A_742, %swap3A_743, %swap3A_744], %swap3A_747 {strides = array<i32>} : memref<4x80x32xf32, #tpu.memory_space<vmem>>, vector<1x1x16xf32>,
        %broadcast_in_dim3A_748 = arith.constant 4 : i32
        %broadcast_in_dim3A_749 = vector.broadcast %broadcast_in_dim3A_748 : i32 to vector<16x1xi32>
        %gather3A_750 = vector.shape_cast %broadcast_in_dim3A_749 : vector<16x1xi32> to vector<16xi32>
        %gather3A_751 = tpu.dynamic_gather %get3A_620[%gather3A_750] in [0] : vector<16xf32>, vector<16xi32> -> vector<16xf32>
        %mul3A_752 = arith.constant 16 : i32
        %mul3A_753 = arith.muli %scan3A_613, %mul3A_752 : i32
        %add3A_754 = arith.constant 4 : i32
        %add3A_755 = arith.addi %mul3A_753, %add3A_754 : i32
        %get3A_756 = arith.index_cast %and3A_546 : i32 to index
        %get3A_757 = arith.index_cast %add3A_755 : i32 to index
        %get3A_758 = arith.constant 0 : index
        %get3A_759 = tpu.vector_load %arg13[%get3A_756, %get3A_757, %get3A_758] {strides = array<i32>} : memref<4x80x32xf32, #tpu.memory_space<vmem>>, vector<1x1x16xf32>,
        %get3A_760 = vector.shape_cast %get3A_759 : vector<1x1x16xf32> to vector<16xf32>
        %mul3A_761 = arith.mulf %get3A_760, %gather3A_751 : vector<16xf32>
        %swap3A_762 = arith.index_cast %and3A_546 : i32 to index
        %swap3A_763 = arith.index_cast %add3A_755 : i32 to index
        %swap3A_764 = arith.constant 0 : index
        %swap3A_765 = tpu.vector_load %arg13[%swap3A_762, %swap3A_763, %swap3A_764] {strides = array<i32>} : memref<4x80x32xf32, #tpu.memory_space<vmem>>, vector<1x1x16xf32>,
        %swap3A_766 = vector.shape_cast %swap3A_765 : vector<1x1x16xf32> to vector<16xf32>
        %swap3A_767 = vector.shape_cast %mul3A_761 : vector<16xf32> to vector<1x1x16xf32>
        tpu.vector_store %arg13[%swap3A_762, %swap3A_763, %swap3A_764], %swap3A_767 {strides = array<i32>} : memref<4x80x32xf32, #tpu.memory_space<vmem>>, vector<1x1x16xf32>,
        %get3A_768 = arith.index_cast %and3A_546 : i32 to index
        %get3A_769 = arith.index_cast %add3A_755 : i32 to index
        %get3A_770 = arith.constant 16 : index
        %get3A_771 = tpu.vector_load %arg13[%get3A_768, %get3A_769, %get3A_770] {strides = array<i32>} : memref<4x80x32xf32, #tpu.memory_space<vmem>>, vector<1x1x16xf32>,
        %get3A_772 = vector.shape_cast %get3A_771 : vector<1x1x16xf32> to vector<16xf32>
        %mul3A_773 = arith.mulf %get3A_772, %gather3A_751 : vector<16xf32>
        %swap3A_774 = arith.index_cast %and3A_546 : i32 to index
        %swap3A_775 = arith.index_cast %add3A_755 : i32 to index
        %swap3A_776 = arith.constant 16 : index
        %swap3A_777 = tpu.vector_load %arg13[%swap3A_774, %swap3A_775, %swap3A_776] {strides = array<i32>} : memref<4x80x32xf32, #tpu.memory_space<vmem>>, vector<1x1x16xf32>,
        %swap3A_778 = vector.shape_cast %swap3A_777 : vector<1x1x16xf32> to vector<16xf32>
        %swap3A_779 = vector.shape_cast %mul3A_773 : vector<16xf32> to vector<1x1x16xf32>
        tpu.vector_store %arg13[%swap3A_774, %swap3A_775, %swap3A_776], %swap3A_779 {strides = array<i32>} : memref<4x80x32xf32, #tpu.memory_space<vmem>>, vector<1x1x16xf32>,
        %broadcast_in_dim3A_780 = arith.constant 5 : i32
        %broadcast_in_dim3A_781 = vector.broadcast %broadcast_in_dim3A_780 : i32 to vector<16x1xi32>
        %gather3A_782 = vector.shape_cast %broadcast_in_dim3A_781 : vector<16x1xi32> to vector<16xi32>
        %gather3A_783 = tpu.dynamic_gather %get3A_620[%gather3A_782] in [0] : vector<16xf32>, vector<16xi32> -> vector<16xf32>
        %mul3A_784 = arith.constant 16 : i32
        %mul3A_785 = arith.muli %scan3A_613, %mul3A_784 : i32
        %add3A_786 = arith.constant 5 : i32
        %add3A_787 = arith.addi %mul3A_785, %add3A_786 : i32
        %get3A_788 = arith.index_cast %and3A_546 : i32 to index
        %get3A_789 = arith.index_cast %add3A_787 : i32 to index
        %get3A_790 = arith.constant 0 : index
        %get3A_791 = tpu.vector_load %arg13[%get3A_788, %get3A_789, %get3A_790] {strides = array<i32>} : memref<4x80x32xf32, #tpu.memory_space<vmem>>, vector<1x1x16xf32>,
        %get3A_792 = vector.shape_cast %get3A_791 : vector<1x1x16xf32> to vector<16xf32>
        %mul3A_793 = arith.mulf %get3A_792, %gather3A_783 : vector<16xf32>
        %swap3A_794 = arith.index_cast %and3A_546 : i32 to index
        %swap3A_795 = arith.index_cast %add3A_787 : i32 to index
        %swap3A_796 = arith.constant 0 : index
        %swap3A_797 = tpu.vector_load %arg13[%swap3A_794, %swap3A_795, %swap3A_796] {strides = array<i32>} : memref<4x80x32xf32, #tpu.memory_space<vmem>>, vector<1x1x16xf32>,
        %swap3A_798 = vector.shape_cast %swap3A_797 : vector<1x1x16xf32> to vector<16xf32>
        %swap3A_799 = vector.shape_cast %mul3A_793 : vector<16xf32> to vector<1x1x16xf32>
        tpu.vector_store %arg13[%swap3A_794, %swap3A_795, %swap3A_796], %swap3A_799 {strides = array<i32>} : memref<4x80x32xf32, #tpu.memory_space<vmem>>, vector<1x1x16xf32>,
        %get3A_800 = arith.index_cast %and3A_546 : i32 to index
        %get3A_801 = arith.index_cast %add3A_787 : i32 to index
        %get3A_802 = arith.constant 16 : index
        %get3A_803 = tpu.vector_load %arg13[%get3A_800, %get3A_801, %get3A_802] {strides = array<i32>} : memref<4x80x32xf32, #tpu.memory_space<vmem>>, vector<1x1x16xf32>,
        %get3A_804 = vector.shape_cast %get3A_803 : vector<1x1x16xf32> to vector<16xf32>
        %mul3A_805 = arith.mulf %get3A_804, %gather3A_783 : vector<16xf32>
        %swap3A_806 = arith.index_cast %and3A_546 : i32 to index
        %swap3A_807 = arith.index_cast %add3A_787 : i32 to index
        %swap3A_808 = arith.constant 16 : index
        %swap3A_809 = tpu.vector_load %arg13[%swap3A_806, %swap3A_807, %swap3A_808] {strides = array<i32>} : memref<4x80x32xf32, #tpu.memory_space<vmem>>, vector<1x1x16xf32>,
        %swap3A_810 = vector.shape_cast %swap3A_809 : vector<1x1x16xf32> to vector<16xf32>
        %swap3A_811 = vector.shape_cast %mul3A_805 : vector<16xf32> to vector<1x1x16xf32>
        tpu.vector_store %arg13[%swap3A_806, %swap3A_807, %swap3A_808], %swap3A_811 {strides = array<i32>} : memref<4x80x32xf32, #tpu.memory_space<vmem>>, vector<1x1x16xf32>,
        %broadcast_in_dim3A_812 = arith.constant 6 : i32
        %broadcast_in_dim3A_813 = vector.broadcast %broadcast_in_dim3A_812 : i32 to vector<16x1xi32>
        %gather3A_814 = vector.shape_cast %broadcast_in_dim3A_813 : vector<16x1xi32> to vector<16xi32>
        %gather3A_815 = tpu.dynamic_gather %get3A_620[%gather3A_814] in [0] : vector<16xf32>, vector<16xi32> -> vector<16xf32>
        %mul3A_816 = arith.constant 16 : i32
        %mul3A_817 = arith.muli %scan3A_613, %mul3A_816 : i32
        %add3A_818 = arith.constant 6 : i32
        %add3A_819 = arith.addi %mul3A_817, %add3A_818 : i32
        %get3A_820 = arith.index_cast %and3A_546 : i32 to index
        %get3A_821 = arith.index_cast %add3A_819 : i32 to index
        %get3A_822 = arith.constant 0 : index
        %get3A_823 = tpu.vector_load %arg13[%get3A_820, %get3A_821, %get3A_822] {strides = array<i32>} : memref<4x80x32xf32, #tpu.memory_space<vmem>>, vector<1x1x16xf32>,
        %get3A_824 = vector.shape_cast %get3A_823 : vector<1x1x16xf32> to vector<16xf32>
        %mul3A_825 = arith.mulf %get3A_824, %gather3A_815 : vector<16xf32>
        %swap3A_826 = arith.index_cast %and3A_546 : i32 to index
        %swap3A_827 = arith.index_cast %add3A_819 : i32 to index
        %swap3A_828 = arith.constant 0 : index
        %swap3A_829 = tpu.vector_load %arg13[%swap3A_826, %swap3A_827, %swap3A_828] {strides = array<i32>} : memref<4x80x32xf32, #tpu.memory_space<vmem>>, vector<1x1x16xf32>,
        %swap3A_830 = vector.shape_cast %swap3A_829 : vector<1x1x16xf32> to vector<16xf32>
        %swap3A_831 = vector.shape_cast %mul3A_825 : vector<16xf32> to vector<1x1x16xf32>
        tpu.vector_store %arg13[%swap3A_826, %swap3A_827, %swap3A_828], %swap3A_831 {strides = array<i32>} : memref<4x80x32xf32, #tpu.memory_space<vmem>>, vector<1x1x16xf32>,
        %get3A_832 = arith.index_cast %and3A_546 : i32 to index
        %get3A_833 = arith.index_cast %add3A_819 : i32 to index
        %get3A_834 = arith.constant 16 : index
        %get3A_835 = tpu.vector_load %arg13[%get3A_832, %get3A_833, %get3A_834] {strides = array<i32>} : memref<4x80x32xf32, #tpu.memory_space<vmem>>, vector<1x1x16xf32>,
        %get3A_836 = vector.shape_cast %get3A_835 : vector<1x1x16xf32> to vector<16xf32>
        %mul3A_837 = arith.mulf %get3A_836, %gather3A_815 : vector<16xf32>
        %swap3A_838 = arith.index_cast %and3A_546 : i32 to index
        %swap3A_839 = arith.index_cast %add3A_819 : i32 to index
        %swap3A_840 = arith.constant 16 : index
        %swap3A_841 = tpu.vector_load %arg13[%swap3A_838, %swap3A_839, %swap3A_840] {strides = array<i32>} : memref<4x80x32xf32, #tpu.memory_space<vmem>>, vector<1x1x16xf32>,
        %swap3A_842 = vector.shape_cast %swap3A_841 : vector<1x1x16xf32> to vector<16xf32>
        %swap3A_843 = vector.shape_cast %mul3A_837 : vector<16xf32> to vector<1x1x16xf32>
        tpu.vector_store %arg13[%swap3A_838, %swap3A_839, %swap3A_840], %swap3A_843 {strides = array<i32>} : memref<4x80x32xf32, #tpu.memory_space<vmem>>, vector<1x1x16xf32>,
        %broadcast_in_dim3A_844 = arith.constant 7 : i32
        %broadcast_in_dim3A_845 = vector.broadcast %broadcast_in_dim3A_844 : i32 to vector<16x1xi32>
        %gather3A_846 = vector.shape_cast %broadcast_in_dim3A_845 : vector<16x1xi32> to vector<16xi32>
        %gather3A_847 = tpu.dynamic_gather %get3A_620[%gather3A_846] in [0] : vector<16xf32>, vector<16xi32> -> vector<16xf32>
        %mul3A_848 = arith.constant 16 : i32
        %mul3A_849 = arith.muli %scan3A_613, %mul3A_848 : i32
        %add3A_850 = arith.constant 7 : i32
        %add3A_851 = arith.addi %mul3A_849, %add3A_850 : i32
        %get3A_852 = arith.index_cast %and3A_546 : i32 to index
        %get3A_853 = arith.index_cast %add3A_851 : i32 to index
        %get3A_854 = arith.constant 0 : index
        %get3A_855 = tpu.vector_load %arg13[%get3A_852, %get3A_853, %get3A_854] {strides = array<i32>} : memref<4x80x32xf32, #tpu.memory_space<vmem>>, vector<1x1x16xf32>,
        %get3A_856 = vector.shape_cast %get3A_855 : vector<1x1x16xf32> to vector<16xf32>
        %mul3A_857 = arith.mulf %get3A_856, %gather3A_847 : vector<16xf32>
        %swap3A_858 = arith.index_cast %and3A_546 : i32 to index
        %swap3A_859 = arith.index_cast %add3A_851 : i32 to index
        %swap3A_860 = arith.constant 0 : index
        %swap3A_861 = tpu.vector_load %arg13[%swap3A_858, %swap3A_859, %swap3A_860] {strides = array<i32>} : memref<4x80x32xf32, #tpu.memory_space<vmem>>, vector<1x1x16xf32>,
        %swap3A_862 = vector.shape_cast %swap3A_861 : vector<1x1x16xf32> to vector<16xf32>
        %swap3A_863 = vector.shape_cast %mul3A_857 : vector<16xf32> to vector<1x1x16xf32>
        tpu.vector_store %arg13[%swap3A_858, %swap3A_859, %swap3A_860], %swap3A_863 {strides = array<i32>} : memref<4x80x32xf32, #tpu.memory_space<vmem>>, vector<1x1x16xf32>,
        %get3A_864 = arith.index_cast %and3A_546 : i32 to index
        %get3A_865 = arith.index_cast %add3A_851 : i32 to index
        %get3A_866 = arith.constant 16 : index
        %get3A_867 = tpu.vector_load %arg13[%get3A_864, %get3A_865, %get3A_866] {strides = array<i32>} : memref<4x80x32xf32, #tpu.memory_space<vmem>>, vector<1x1x16xf32>,
        %get3A_868 = vector.shape_cast %get3A_867 : vector<1x1x16xf32> to vector<16xf32>
        %mul3A_869 = arith.mulf %get3A_868, %gather3A_847 : vector<16xf32>
        %swap3A_870 = arith.index_cast %and3A_546 : i32 to index
        %swap3A_871 = arith.index_cast %add3A_851 : i32 to index
        %swap3A_872 = arith.constant 16 : index
        %swap3A_873 = tpu.vector_load %arg13[%swap3A_870, %swap3A_871, %swap3A_872] {strides = array<i32>} : memref<4x80x32xf32, #tpu.memory_space<vmem>>, vector<1x1x16xf32>,
        %swap3A_874 = vector.shape_cast %swap3A_873 : vector<1x1x16xf32> to vector<16xf32>
        %swap3A_875 = vector.shape_cast %mul3A_869 : vector<16xf32> to vector<1x1x16xf32>
        tpu.vector_store %arg13[%swap3A_870, %swap3A_871, %swap3A_872], %swap3A_875 {strides = array<i32>} : memref<4x80x32xf32, #tpu.memory_space<vmem>>, vector<1x1x16xf32>,
        %broadcast_in_dim3A_876 = arith.constant 8 : i32
        %broadcast_in_dim3A_877 = vector.broadcast %broadcast_in_dim3A_876 : i32 to vector<16x1xi32>
        %gather3A_878 = vector.shape_cast %broadcast_in_dim3A_877 : vector<16x1xi32> to vector<16xi32>
        %gather3A_879 = tpu.dynamic_gather %get3A_620[%gather3A_878] in [0] : vector<16xf32>, vector<16xi32> -> vector<16xf32>
        %mul3A_880 = arith.constant 16 : i32
        %mul3A_881 = arith.muli %scan3A_613, %mul3A_880 : i32
        %add3A_882 = arith.constant 8 : i32
        %add3A_883 = arith.addi %mul3A_881, %add3A_882 : i32
        %get3A_884 = arith.index_cast %and3A_546 : i32 to index
        %get3A_885 = arith.index_cast %add3A_883 : i32 to index
        %get3A_886 = arith.constant 0 : index
        %get3A_887 = tpu.vector_load %arg13[%get3A_884, %get3A_885, %get3A_886] {strides = array<i32>} : memref<4x80x32xf32, #tpu.memory_space<vmem>>, vector<1x1x16xf32>,
        %get3A_888 = vector.shape_cast %get3A_887 : vector<1x1x16xf32> to vector<16xf32>
        %mul3A_889 = arith.mulf %get3A_888, %gather3A_879 : vector<16xf32>
        %swap3A_890 = arith.index_cast %and3A_546 : i32 to index
        %swap3A_891 = arith.index_cast %add3A_883 : i32 to index
        %swap3A_892 = arith.constant 0 : index
        %swap3A_893 = tpu.vector_load %arg13[%swap3A_890, %swap3A_891, %swap3A_892] {strides = array<i32>} : memref<4x80x32xf32, #tpu.memory_space<vmem>>, vector<1x1x16xf32>,
        %swap3A_894 = vector.shape_cast %swap3A_893 : vector<1x1x16xf32> to vector<16xf32>
        %swap3A_895 = vector.shape_cast %mul3A_889 : vector<16xf32> to vector<1x1x16xf32>
        tpu.vector_store %arg13[%swap3A_890, %swap3A_891, %swap3A_892], %swap3A_895 {strides = array<i32>} : memref<4x80x32xf32, #tpu.memory_space<vmem>>, vector<1x1x16xf32>,
        %get3A_896 = arith.index_cast %and3A_546 : i32 to index
        %get3A_897 = arith.index_cast %add3A_883 : i32 to index
        %get3A_898 = arith.constant 16 : index
        %get3A_899 = tpu.vector_load %arg13[%get3A_896, %get3A_897, %get3A_898] {strides = array<i32>} : memref<4x80x32xf32, #tpu.memory_space<vmem>>, vector<1x1x16xf32>,
        %get3A_900 = vector.shape_cast %get3A_899 : vector<1x1x16xf32> to vector<16xf32>
        %mul3A_901 = arith.mulf %get3A_900, %gather3A_879 : vector<16xf32>
        %swap3A_902 = arith.index_cast %and3A_546 : i32 to index
        %swap3A_903 = arith.index_cast %add3A_883 : i32 to index
        %swap3A_904 = arith.constant 16 : index
        %swap3A_905 = tpu.vector_load %arg13[%swap3A_902, %swap3A_903, %swap3A_904] {strides = array<i32>} : memref<4x80x32xf32, #tpu.memory_space<vmem>>, vector<1x1x16xf32>,
        %swap3A_906 = vector.shape_cast %swap3A_905 : vector<1x1x16xf32> to vector<16xf32>
        %swap3A_907 = vector.shape_cast %mul3A_901 : vector<16xf32> to vector<1x1x16xf32>
        tpu.vector_store %arg13[%swap3A_902, %swap3A_903, %swap3A_904], %swap3A_907 {strides = array<i32>} : memref<4x80x32xf32, #tpu.memory_space<vmem>>, vector<1x1x16xf32>,
        %broadcast_in_dim3A_908 = arith.constant 9 : i32
        %broadcast_in_dim3A_909 = vector.broadcast %broadcast_in_dim3A_908 : i32 to vector<16x1xi32>
        %gather3A_910 = vector.shape_cast %broadcast_in_dim3A_909 : vector<16x1xi32> to vector<16xi32>
        %gather3A_911 = tpu.dynamic_gather %get3A_620[%gather3A_910] in [0] : vector<16xf32>, vector<16xi32> -> vector<16xf32>
        %mul3A_912 = arith.constant 16 : i32
        %mul3A_913 = arith.muli %scan3A_613, %mul3A_912 : i32
        %add3A_914 = arith.constant 9 : i32
        %add3A_915 = arith.addi %mul3A_913, %add3A_914 : i32
        %get3A_916 = arith.index_cast %and3A_546 : i32 to index
        %get3A_917 = arith.index_cast %add3A_915 : i32 to index
        %get3A_918 = arith.constant 0 : index
        %get3A_919 = tpu.vector_load %arg13[%get3A_916, %get3A_917, %get3A_918] {strides = array<i32>} : memref<4x80x32xf32, #tpu.memory_space<vmem>>, vector<1x1x16xf32>,
        %get3A_920 = vector.shape_cast %get3A_919 : vector<1x1x16xf32> to vector<16xf32>
        %mul3A_921 = arith.mulf %get3A_920, %gather3A_911 : vector<16xf32>
        %swap3A_922 = arith.index_cast %and3A_546 : i32 to index
        %swap3A_923 = arith.index_cast %add3A_915 : i32 to index
        %swap3A_924 = arith.constant 0 : index
        %swap3A_925 = tpu.vector_load %arg13[%swap3A_922, %swap3A_923, %swap3A_924] {strides = array<i32>} : memref<4x80x32xf32, #tpu.memory_space<vmem>>, vector<1x1x16xf32>,
        %swap3A_926 = vector.shape_cast %swap3A_925 : vector<1x1x16xf32> to vector<16xf32>
        %swap3A_927 = vector.shape_cast %mul3A_921 : vector<16xf32> to vector<1x1x16xf32>
        tpu.vector_store %arg13[%swap3A_922, %swap3A_923, %swap3A_924], %swap3A_927 {strides = array<i32>} : memref<4x80x32xf32, #tpu.memory_space<vmem>>, vector<1x1x16xf32>,
        %get3A_928 = arith.index_cast %and3A_546 : i32 to index
        %get3A_929 = arith.index_cast %add3A_915 : i32 to index
        %get3A_930 = arith.constant 16 : index
        %get3A_931 = tpu.vector_load %arg13[%get3A_928, %get3A_929, %get3A_930] {strides = array<i32>} : memref<4x80x32xf32, #tpu.memory_space<vmem>>, vector<1x1x16xf32>,
        %get3A_932 = vector.shape_cast %get3A_931 : vector<1x1x16xf32> to vector<16xf32>
        %mul3A_933 = arith.mulf %get3A_932, %gather3A_911 : vector<16xf32>
        %swap3A_934 = arith.index_cast %and3A_546 : i32 to index
        %swap3A_935 = arith.index_cast %add3A_915 : i32 to index
        %swap3A_936 = arith.constant 16 : index
        %swap3A_937 = tpu.vector_load %arg13[%swap3A_934, %swap3A_935, %swap3A_936] {strides = array<i32>} : memref<4x80x32xf32, #tpu.memory_space<vmem>>, vector<1x1x16xf32>,
        %swap3A_938 = vector.shape_cast %swap3A_937 : vector<1x1x16xf32> to vector<16xf32>
        %swap3A_939 = vector.shape_cast %mul3A_933 : vector<16xf32> to vector<1x1x16xf32>
        tpu.vector_store %arg13[%swap3A_934, %swap3A_935, %swap3A_936], %swap3A_939 {strides = array<i32>} : memref<4x80x32xf32, #tpu.memory_space<vmem>>, vector<1x1x16xf32>,
        %broadcast_in_dim3A_940 = arith.constant 10 : i32
        %broadcast_in_dim3A_941 = vector.broadcast %broadcast_in_dim3A_940 : i32 to vector<16x1xi32>
        %gather3A_942 = vector.shape_cast %broadcast_in_dim3A_941 : vector<16x1xi32> to vector<16xi32>
        %gather3A_943 = tpu.dynamic_gather %get3A_620[%gather3A_942] in [0] : vector<16xf32>, vector<16xi32> -> vector<16xf32>
        %mul3A_944 = arith.constant 16 : i32
        %mul3A_945 = arith.muli %scan3A_613, %mul3A_944 : i32
        %add3A_946 = arith.constant 10 : i32
        %add3A_947 = arith.addi %mul3A_945, %add3A_946 : i32
        %get3A_948 = arith.index_cast %and3A_546 : i32 to index
        %get3A_949 = arith.index_cast %add3A_947 : i32 to index
        %get3A_950 = arith.constant 0 : index
        %get3A_951 = tpu.vector_load %arg13[%get3A_948, %get3A_949, %get3A_950] {strides = array<i32>} : memref<4x80x32xf32, #tpu.memory_space<vmem>>, vector<1x1x16xf32>,
        %get3A_952 = vector.shape_cast %get3A_951 : vector<1x1x16xf32> to vector<16xf32>
        %mul3A_953 = arith.mulf %get3A_952, %gather3A_943 : vector<16xf32>
        %swap3A_954 = arith.index_cast %and3A_546 : i32 to index
        %swap3A_955 = arith.index_cast %add3A_947 : i32 to index
        %swap3A_956 = arith.constant 0 : index
        %swap3A_957 = tpu.vector_load %arg13[%swap3A_954, %swap3A_955, %swap3A_956] {strides = array<i32>} : memref<4x80x32xf32, #tpu.memory_space<vmem>>, vector<1x1x16xf32>,
        %swap3A_958 = vector.shape_cast %swap3A_957 : vector<1x1x16xf32> to vector<16xf32>
        %swap3A_959 = vector.shape_cast %mul3A_953 : vector<16xf32> to vector<1x1x16xf32>
        tpu.vector_store %arg13[%swap3A_954, %swap3A_955, %swap3A_956], %swap3A_959 {strides = array<i32>} : memref<4x80x32xf32, #tpu.memory_space<vmem>>, vector<1x1x16xf32>,
        %get3A_960 = arith.index_cast %and3A_546 : i32 to index
        %get3A_961 = arith.index_cast %add3A_947 : i32 to index
        %get3A_962 = arith.constant 16 : index
        %get3A_963 = tpu.vector_load %arg13[%get3A_960, %get3A_961, %get3A_962] {strides = array<i32>} : memref<4x80x32xf32, #tpu.memory_space<vmem>>, vector<1x1x16xf32>,
        %get3A_964 = vector.shape_cast %get3A_963 : vector<1x1x16xf32> to vector<16xf32>
        %mul3A_965 = arith.mulf %get3A_964, %gather3A_943 : vector<16xf32>
        %swap3A_966 = arith.index_cast %and3A_546 : i32 to index
        %swap3A_967 = arith.index_cast %add3A_947 : i32 to index
        %swap3A_968 = arith.constant 16 : index
        %swap3A_969 = tpu.vector_load %arg13[%swap3A_966, %swap3A_967, %swap3A_968] {strides = array<i32>} : memref<4x80x32xf32, #tpu.memory_space<vmem>>, vector<1x1x16xf32>,
        %swap3A_970 = vector.shape_cast %swap3A_969 : vector<1x1x16xf32> to vector<16xf32>
        %swap3A_971 = vector.shape_cast %mul3A_965 : vector<16xf32> to vector<1x1x16xf32>
        tpu.vector_store %arg13[%swap3A_966, %swap3A_967, %swap3A_968], %swap3A_971 {strides = array<i32>} : memref<4x80x32xf32, #tpu.memory_space<vmem>>, vector<1x1x16xf32>,
        %broadcast_in_dim3A_972 = arith.constant 11 : i32
        %broadcast_in_dim3A_973 = vector.broadcast %broadcast_in_dim3A_972 : i32 to vector<16x1xi32>
        %gather3A_974 = vector.shape_cast %broadcast_in_dim3A_973 : vector<16x1xi32> to vector<16xi32>
        %gather3A_975 = tpu.dynamic_gather %get3A_620[%gather3A_974] in [0] : vector<16xf32>, vector<16xi32> -> vector<16xf32>
        %mul3A_976 = arith.constant 16 : i32
        %mul3A_977 = arith.muli %scan3A_613, %mul3A_976 : i32
        %add3A_978 = arith.constant 11 : i32
        %add3A_979 = arith.addi %mul3A_977, %add3A_978 : i32
        %get3A_980 = arith.index_cast %and3A_546 : i32 to index
        %get3A_981 = arith.index_cast %add3A_979 : i32 to index
        %get3A_982 = arith.constant 0 : index
        %get3A_983 = tpu.vector_load %arg13[%get3A_980, %get3A_981, %get3A_982] {strides = array<i32>} : memref<4x80x32xf32, #tpu.memory_space<vmem>>, vector<1x1x16xf32>,
        %get3A_984 = vector.shape_cast %get3A_983 : vector<1x1x16xf32> to vector<16xf32>
        %mul3A_985 = arith.mulf %get3A_984, %gather3A_975 : vector<16xf32>
        %swap3A_986 = arith.index_cast %and3A_546 : i32 to index
        %swap3A_987 = arith.index_cast %add3A_979 : i32 to index
        %swap3A_988 = arith.constant 0 : index
        %swap3A_989 = tpu.vector_load %arg13[%swap3A_986, %swap3A_987, %swap3A_988] {strides = array<i32>} : memref<4x80x32xf32, #tpu.memory_space<vmem>>, vector<1x1x16xf32>,
        %swap3A_990 = vector.shape_cast %swap3A_989 : vector<1x1x16xf32> to vector<16xf32>
        %swap3A_991 = vector.shape_cast %mul3A_985 : vector<16xf32> to vector<1x1x16xf32>
        tpu.vector_store %arg13[%swap3A_986, %swap3A_987, %swap3A_988], %swap3A_991 {strides = array<i32>} : memref<4x80x32xf32, #tpu.memory_space<vmem>>, vector<1x1x16xf32>,
        %get3A_992 = arith.index_cast %and3A_546 : i32 to index
        %get3A_993 = arith.index_cast %add3A_979 : i32 to index
        %get3A_994 = arith.constant 16 : index
        %get3A_995 = tpu.vector_load %arg13[%get3A_992, %get3A_993, %get3A_994] {strides = array<i32>} : memref<4x80x32xf32, #tpu.memory_space<vmem>>, vector<1x1x16xf32>,
        %get3A_996 = vector.shape_cast %get3A_995 : vector<1x1x16xf32> to vector<16xf32>
        %mul3A_997 = arith.mulf %get3A_996, %gather3A_975 : vector<16xf32>
        %swap3A_998 = arith.index_cast %and3A_546 : i32 to index
        %swap3A_999 = arith.index_cast %add3A_979 : i32 to index
        %swap3A_1000 = arith.constant 16 : index
        %swap3A_1001 = tpu.vector_load %arg13[%swap3A_998, %swap3A_999, %swap3A_1000] {strides = array<i32>} : memref<4x80x32xf32, #tpu.memory_space<vmem>>, vector<1x1x16xf32>,
        %swap3A_1002 = vector.shape_cast %swap3A_1001 : vector<1x1x16xf32> to vector<16xf32>
        %swap3A_1003 = vector.shape_cast %mul3A_997 : vector<16xf32> to vector<1x1x16xf32>
        tpu.vector_store %arg13[%swap3A_998, %swap3A_999, %swap3A_1000], %swap3A_1003 {strides = array<i32>} : memref<4x80x32xf32, #tpu.memory_space<vmem>>, vector<1x1x16xf32>,
        %broadcast_in_dim3A_1004 = arith.constant 12 : i32
        %broadcast_in_dim3A_1005 = vector.broadcast %broadcast_in_dim3A_1004 : i32 to vector<16x1xi32>
        %gather3A_1006 = vector.shape_cast %broadcast_in_dim3A_1005 : vector<16x1xi32> to vector<16xi32>
        %gather3A_1007 = tpu.dynamic_gather %get3A_620[%gather3A_1006] in [0] : vector<16xf32>, vector<16xi32> -> vector<16xf32>
        %mul3A_1008 = arith.constant 16 : i32
        %mul3A_1009 = arith.muli %scan3A_613, %mul3A_1008 : i32
        %add3A_1010 = arith.constant 12 : i32
        %add3A_1011 = arith.addi %mul3A_1009, %add3A_1010 : i32
        %get3A_1012 = arith.index_cast %and3A_546 : i32 to index
        %get3A_1013 = arith.index_cast %add3A_1011 : i32 to index
        %get3A_1014 = arith.constant 0 : index
        %get3A_1015 = tpu.vector_load %arg13[%get3A_1012, %get3A_1013, %get3A_1014] {strides = array<i32>} : memref<4x80x32xf32, #tpu.memory_space<vmem>>, vector<1x1x16xf32>,
        %get3A_1016 = vector.shape_cast %get3A_1015 : vector<1x1x16xf32> to vector<16xf32>
        %mul3A_1017 = arith.mulf %get3A_1016, %gather3A_1007 : vector<16xf32>
        %swap3A_1018 = arith.index_cast %and3A_546 : i32 to index
        %swap3A_1019 = arith.index_cast %add3A_1011 : i32 to index
        %swap3A_1020 = arith.constant 0 : index
        %swap3A_1021 = tpu.vector_load %arg13[%swap3A_1018, %swap3A_1019, %swap3A_1020] {strides = array<i32>} : memref<4x80x32xf32, #tpu.memory_space<vmem>>, vector<1x1x16xf32>,
        %swap3A_1022 = vector.shape_cast %swap3A_1021 : vector<1x1x16xf32> to vector<16xf32>
        %swap3A_1023 = vector.shape_cast %mul3A_1017 : vector<16xf32> to vector<1x1x16xf32>
        tpu.vector_store %arg13[%swap3A_1018, %swap3A_1019, %swap3A_1020], %swap3A_1023 {strides = array<i32>} : memref<4x80x32xf32, #tpu.memory_space<vmem>>, vector<1x1x16xf32>,
        %get3A_1024 = arith.index_cast %and3A_546 : i32 to index
        %get3A_1025 = arith.index_cast %add3A_1011 : i32 to index
        %get3A_1026 = arith.constant 16 : index
        %get3A_1027 = tpu.vector_load %arg13[%get3A_1024, %get3A_1025, %get3A_1026] {strides = array<i32>} : memref<4x80x32xf32, #tpu.memory_space<vmem>>, vector<1x1x16xf32>,
        %get3A_1028 = vector.shape_cast %get3A_1027 : vector<1x1x16xf32> to vector<16xf32>
        %mul3A_1029 = arith.mulf %get3A_1028, %gather3A_1007 : vector<16xf32>
        %swap3A_1030 = arith.index_cast %and3A_546 : i32 to index
        %swap3A_1031 = arith.index_cast %add3A_1011 : i32 to index
        %swap3A_1032 = arith.constant 16 : index
        %swap3A_1033 = tpu.vector_load %arg13[%swap3A_1030, %swap3A_1031, %swap3A_1032] {strides = array<i32>} : memref<4x80x32xf32, #tpu.memory_space<vmem>>, vector<1x1x16xf32>,
        %swap3A_1034 = vector.shape_cast %swap3A_1033 : vector<1x1x16xf32> to vector<16xf32>
        %swap3A_1035 = vector.shape_cast %mul3A_1029 : vector<16xf32> to vector<1x1x16xf32>
        tpu.vector_store %arg13[%swap3A_1030, %swap3A_1031, %swap3A_1032], %swap3A_1035 {strides = array<i32>} : memref<4x80x32xf32, #tpu.memory_space<vmem>>, vector<1x1x16xf32>,
        %broadcast_in_dim3A_1036 = arith.constant 13 : i32
        %broadcast_in_dim3A_1037 = vector.broadcast %broadcast_in_dim3A_1036 : i32 to vector<16x1xi32>
        %gather3A_1038 = vector.shape_cast %broadcast_in_dim3A_1037 : vector<16x1xi32> to vector<16xi32>
        %gather3A_1039 = tpu.dynamic_gather %get3A_620[%gather3A_1038] in [0] : vector<16xf32>, vector<16xi32> -> vector<16xf32>
        %mul3A_1040 = arith.constant 16 : i32
        %mul3A_1041 = arith.muli %scan3A_613, %mul3A_1040 : i32
        %add3A_1042 = arith.constant 13 : i32
        %add3A_1043 = arith.addi %mul3A_1041, %add3A_1042 : i32
        %get3A_1044 = arith.index_cast %and3A_546 : i32 to index
        %get3A_1045 = arith.index_cast %add3A_1043 : i32 to index
        %get3A_1046 = arith.constant 0 : index
        %get3A_1047 = tpu.vector_load %arg13[%get3A_1044, %get3A_1045, %get3A_1046] {strides = array<i32>} : memref<4x80x32xf32, #tpu.memory_space<vmem>>, vector<1x1x16xf32>,
        %get3A_1048 = vector.shape_cast %get3A_1047 : vector<1x1x16xf32> to vector<16xf32>
        %mul3A_1049 = arith.mulf %get3A_1048, %gather3A_1039 : vector<16xf32>
        %swap3A_1050 = arith.index_cast %and3A_546 : i32 to index
        %swap3A_1051 = arith.index_cast %add3A_1043 : i32 to index
        %swap3A_1052 = arith.constant 0 : index
        %swap3A_1053 = tpu.vector_load %arg13[%swap3A_1050, %swap3A_1051, %swap3A_1052] {strides = array<i32>} : memref<4x80x32xf32, #tpu.memory_space<vmem>>, vector<1x1x16xf32>,
        %swap3A_1054 = vector.shape_cast %swap3A_1053 : vector<1x1x16xf32> to vector<16xf32>
        %swap3A_1055 = vector.shape_cast %mul3A_1049 : vector<16xf32> to vector<1x1x16xf32>
        tpu.vector_store %arg13[%swap3A_1050, %swap3A_1051, %swap3A_1052], %swap3A_1055 {strides = array<i32>} : memref<4x80x32xf32, #tpu.memory_space<vmem>>, vector<1x1x16xf32>,
        %get3A_1056 = arith.index_cast %and3A_546 : i32 to index
        %get3A_1057 = arith.index_cast %add3A_1043 : i32 to index
        %get3A_1058 = arith.constant 16 : index
        %get3A_1059 = tpu.vector_load %arg13[%get3A_1056, %get3A_1057, %get3A_1058] {strides = array<i32>} : memref<4x80x32xf32, #tpu.memory_space<vmem>>, vector<1x1x16xf32>,
        %get3A_1060 = vector.shape_cast %get3A_1059 : vector<1x1x16xf32> to vector<16xf32>
        %mul3A_1061 = arith.mulf %get3A_1060, %gather3A_1039 : vector<16xf32>
        %swap3A_1062 = arith.index_cast %and3A_546 : i32 to index
        %swap3A_1063 = arith.index_cast %add3A_1043 : i32 to index
        %swap3A_1064 = arith.constant 16 : index
        %swap3A_1065 = tpu.vector_load %arg13[%swap3A_1062, %swap3A_1063, %swap3A_1064] {strides = array<i32>} : memref<4x80x32xf32, #tpu.memory_space<vmem>>, vector<1x1x16xf32>,
        %swap3A_1066 = vector.shape_cast %swap3A_1065 : vector<1x1x16xf32> to vector<16xf32>
        %swap3A_1067 = vector.shape_cast %mul3A_1061 : vector<16xf32> to vector<1x1x16xf32>
        tpu.vector_store %arg13[%swap3A_1062, %swap3A_1063, %swap3A_1064], %swap3A_1067 {strides = array<i32>} : memref<4x80x32xf32, #tpu.memory_space<vmem>>, vector<1x1x16xf32>,
        %broadcast_in_dim3A_1068 = arith.constant 14 : i32
        %broadcast_in_dim3A_1069 = vector.broadcast %broadcast_in_dim3A_1068 : i32 to vector<16x1xi32>
        %gather3A_1070 = vector.shape_cast %broadcast_in_dim3A_1069 : vector<16x1xi32> to vector<16xi32>
        %gather3A_1071 = tpu.dynamic_gather %get3A_620[%gather3A_1070] in [0] : vector<16xf32>, vector<16xi32> -> vector<16xf32>
        %mul3A_1072 = arith.constant 16 : i32
        %mul3A_1073 = arith.muli %scan3A_613, %mul3A_1072 : i32
        %add3A_1074 = arith.constant 14 : i32
        %add3A_1075 = arith.addi %mul3A_1073, %add3A_1074 : i32
        %get3A_1076 = arith.index_cast %and3A_546 : i32 to index
        %get3A_1077 = arith.index_cast %add3A_1075 : i32 to index
        %get3A_1078 = arith.constant 0 : index
        %get3A_1079 = tpu.vector_load %arg13[%get3A_1076, %get3A_1077, %get3A_1078] {strides = array<i32>} : memref<4x80x32xf32, #tpu.memory_space<vmem>>, vector<1x1x16xf32>,
        %get3A_1080 = vector.shape_cast %get3A_1079 : vector<1x1x16xf32> to vector<16xf32>
        %mul3A_1081 = arith.mulf %get3A_1080, %gather3A_1071 : vector<16xf32>
        %swap3A_1082 = arith.index_cast %and3A_546 : i32 to index
        %swap3A_1083 = arith.index_cast %add3A_1075 : i32 to index
        %swap3A_1084 = arith.constant 0 : index
        %swap3A_1085 = tpu.vector_load %arg13[%swap3A_1082, %swap3A_1083, %swap3A_1084] {strides = array<i32>} : memref<4x80x32xf32, #tpu.memory_space<vmem>>, vector<1x1x16xf32>,
        %swap3A_1086 = vector.shape_cast %swap3A_1085 : vector<1x1x16xf32> to vector<16xf32>
        %swap3A_1087 = vector.shape_cast %mul3A_1081 : vector<16xf32> to vector<1x1x16xf32>
        tpu.vector_store %arg13[%swap3A_1082, %swap3A_1083, %swap3A_1084], %swap3A_1087 {strides = array<i32>} : memref<4x80x32xf32, #tpu.memory_space<vmem>>, vector<1x1x16xf32>,
        %get3A_1088 = arith.index_cast %and3A_546 : i32 to index
        %get3A_1089 = arith.index_cast %add3A_1075 : i32 to index
        %get3A_1090 = arith.constant 16 : index
        %get3A_1091 = tpu.vector_load %arg13[%get3A_1088, %get3A_1089, %get3A_1090] {strides = array<i32>} : memref<4x80x32xf32, #tpu.memory_space<vmem>>, vector<1x1x16xf32>,
        %get3A_1092 = vector.shape_cast %get3A_1091 : vector<1x1x16xf32> to vector<16xf32>
        %mul3A_1093 = arith.mulf %get3A_1092, %gather3A_1071 : vector<16xf32>
        %swap3A_1094 = arith.index_cast %and3A_546 : i32 to index
        %swap3A_1095 = arith.index_cast %add3A_1075 : i32 to index
        %swap3A_1096 = arith.constant 16 : index
        %swap3A_1097 = tpu.vector_load %arg13[%swap3A_1094, %swap3A_1095, %swap3A_1096] {strides = array<i32>} : memref<4x80x32xf32, #tpu.memory_space<vmem>>, vector<1x1x16xf32>,
        %swap3A_1098 = vector.shape_cast %swap3A_1097 : vector<1x1x16xf32> to vector<16xf32>
        %swap3A_1099 = vector.shape_cast %mul3A_1093 : vector<16xf32> to vector<1x1x16xf32>
        tpu.vector_store %arg13[%swap3A_1094, %swap3A_1095, %swap3A_1096], %swap3A_1099 {strides = array<i32>} : memref<4x80x32xf32, #tpu.memory_space<vmem>>, vector<1x1x16xf32>,
        %broadcast_in_dim3A_1100 = arith.constant 15 : i32
        %broadcast_in_dim3A_1101 = vector.broadcast %broadcast_in_dim3A_1100 : i32 to vector<16x1xi32>
        %gather3A_1102 = vector.shape_cast %broadcast_in_dim3A_1101 : vector<16x1xi32> to vector<16xi32>
        %gather3A_1103 = tpu.dynamic_gather %get3A_620[%gather3A_1102] in [0] : vector<16xf32>, vector<16xi32> -> vector<16xf32>
        %mul3A_1104 = arith.constant 16 : i32
        %mul3A_1105 = arith.muli %scan3A_613, %mul3A_1104 : i32
        %add3A_1106 = arith.constant 15 : i32
        %add3A_1107 = arith.addi %mul3A_1105, %add3A_1106 : i32
        %get3A_1108 = arith.index_cast %and3A_546 : i32 to index
        %get3A_1109 = arith.index_cast %add3A_1107 : i32 to index
        %get3A_1110 = arith.constant 0 : index
        %get3A_1111 = tpu.vector_load %arg13[%get3A_1108, %get3A_1109, %get3A_1110] {strides = array<i32>} : memref<4x80x32xf32, #tpu.memory_space<vmem>>, vector<1x1x16xf32>,
        %get3A_1112 = vector.shape_cast %get3A_1111 : vector<1x1x16xf32> to vector<16xf32>
        %mul3A_1113 = arith.mulf %get3A_1112, %gather3A_1103 : vector<16xf32>
        %swap3A_1114 = arith.index_cast %and3A_546 : i32 to index
        %swap3A_1115 = arith.index_cast %add3A_1107 : i32 to index
        %swap3A_1116 = arith.constant 0 : index
        %swap3A_1117 = tpu.vector_load %arg13[%swap3A_1114, %swap3A_1115, %swap3A_1116] {strides = array<i32>} : memref<4x80x32xf32, #tpu.memory_space<vmem>>, vector<1x1x16xf32>,
        %swap3A_1118 = vector.shape_cast %swap3A_1117 : vector<1x1x16xf32> to vector<16xf32>
        %swap3A_1119 = vector.shape_cast %mul3A_1113 : vector<16xf32> to vector<1x1x16xf32>
        tpu.vector_store %arg13[%swap3A_1114, %swap3A_1115, %swap3A_1116], %swap3A_1119 {strides = array<i32>} : memref<4x80x32xf32, #tpu.memory_space<vmem>>, vector<1x1x16xf32>,
        %get3A_1120 = arith.index_cast %and3A_546 : i32 to index
        %get3A_1121 = arith.index_cast %add3A_1107 : i32 to index
        %get3A_1122 = arith.constant 16 : index
        %get3A_1123 = tpu.vector_load %arg13[%get3A_1120, %get3A_1121, %get3A_1122] {strides = array<i32>} : memref<4x80x32xf32, #tpu.memory_space<vmem>>, vector<1x1x16xf32>,
        %get3A_1124 = vector.shape_cast %get3A_1123 : vector<1x1x16xf32> to vector<16xf32>
        %mul3A_1125 = arith.mulf %get3A_1124, %gather3A_1103 : vector<16xf32>
        %swap3A_1126 = arith.index_cast %and3A_546 : i32 to index
        %swap3A_1127 = arith.index_cast %add3A_1107 : i32 to index
        %swap3A_1128 = arith.constant 16 : index
        %swap3A_1129 = tpu.vector_load %arg13[%swap3A_1126, %swap3A_1127, %swap3A_1128] {strides = array<i32>} : memref<4x80x32xf32, #tpu.memory_space<vmem>>, vector<1x1x16xf32>,
        %swap3A_1130 = vector.shape_cast %swap3A_1129 : vector<1x1x16xf32> to vector<16xf32>
        %swap3A_1131 = vector.shape_cast %mul3A_1125 : vector<16xf32> to vector<1x1x16xf32>
        tpu.vector_store %arg13[%swap3A_1126, %swap3A_1127, %swap3A_1128], %swap3A_1131 {strides = array<i32>} : memref<4x80x32xf32, #tpu.memory_space<vmem>>, vector<1x1x16xf32>,
      }
      %scan3A_587 = arith.constant 5 : i32
      %add3A_588 = arith.constant 1 : i32
      %add3A_589 = arith.addi %scan3A_544, %add3A_588 : i32
      %rem3A_590 = arith.constant 25 : i32
      %rem3A_591 = arith.remsi %add3A_589, %rem3A_590 : i32
      %eq3A = arith.constant 0 : i32
      %eq3A_592 = arith.cmpi eq, %rem3A_591, %eq3A : i32
      %add3A_593 = arith.constant 2 : i32
      %add3A_594 = arith.addi %div3A_547, %add3A_593 : i32
      %lt3A_595 = arith.constant 25 : i32
      %lt3A_596 = arith.cmpi slt, %add3A_594, %lt3A_595 : i32
      %and3A_597 = arith.andi %eq3A_592, %lt3A_596 : i1
      %convert_element_type3A_598 = arith.extui %and3A_597 : i1 to i32
      %cond3A_599 = arith.constant 0 : i32
      %cond3A_600 = arith.cmpi ne, %convert_element_type3A_598, %cond3A_599 : i32
      scf.if %cond3A_600 {
        %add3A_613 = arith.constant 2 : i32
        %add3A_614 = arith.addi %div3A_547, %add3A_613 : i32
        %mul3A_615 = arith.constant 2000 : i32
        %mul3A_616 = arith.muli %add3A_614, %mul3A_615 : i32
        %add3A_617 = arith.addi %mul3A_116, %mul3A_616 : i32
        %dma_start3A_618 = arith.constant 0 : i32
        %dma_start3A_619 = tpu.memref_slice %arg8[%rem3A_552, %dma_start3A_618] : memref<2x2000xi32, #tpu.memory_space<vmem>> -> memref<1x2000xi32, #tpu.memory_space<vmem>>
        %dma_start3A_620 = tpu.memref_squeeze %dma_start3A_619 : memref<1x2000xi32, #tpu.memory_space<vmem>> -> memref<2000xi32, #tpu.memory_space<vmem>>
        %dma_start3A_621 = tpu.memref_slice %arg3[%add3A_617] : memref<800000xi32, #tpu.memory_space<hbm>> -> memref<2000xi32, #tpu.memory_space<hbm>>
        %dma_start3A_622 = tpu.memref_slice %arg15[%rem3A_552] : memref<2x!tpu.dma_semaphore, #tpu.memory_space<semaphore_mem>> -> memref<1x!tpu.dma_semaphore, #tpu.memory_space<semaphore_mem>>
        %dma_start3A_623 = tpu.memref_squeeze %dma_start3A_622 : memref<1x!tpu.dma_semaphore, #tpu.memory_space<semaphore_mem>> -> memref<!tpu.dma_semaphore, #tpu.memory_space<semaphore_mem>>
        %dma_start3A_624 = arith.constant 0 : i32
        %dma_start3A_625 = tpu.memref_slice %arg8[%rem3A_552, %dma_start3A_624] : memref<2x2000xi32, #tpu.memory_space<vmem>> -> memref<1x2000xi32, #tpu.memory_space<vmem>>
        %dma_start3A_626 = tpu.memref_squeeze %dma_start3A_625 : memref<1x2000xi32, #tpu.memory_space<vmem>> -> memref<2000xi32, #tpu.memory_space<vmem>>
        %dma_start3A_627 = tpu.memref_slice %arg3[%add3A_617] : memref<800000xi32, #tpu.memory_space<hbm>> -> memref<2000xi32, #tpu.memory_space<hbm>>
        tpu.enqueue_dma source(%dma_start3A_627 : memref<2000xi32, #tpu.memory_space<hbm>>) target(%dma_start3A_626 : memref<2000xi32, #tpu.memory_space<vmem>>) target_semaphore(%dma_start3A_623 : memref<!tpu.dma_semaphore, #tpu.memory_space<semaphore_mem>>)
        %dma_start3A_628 = arith.constant 0 : i32
        %dma_start3A_629 = tpu.memref_slice %arg9[%rem3A_552, %dma_start3A_628] : memref<2x2000xf32, #tpu.memory_space<vmem>> -> memref<1x2000xf32, #tpu.memory_space<vmem>>
        %dma_start3A_630 = tpu.memref_squeeze %dma_start3A_629 : memref<1x2000xf32, #tpu.memory_space<vmem>> -> memref<2000xf32, #tpu.memory_space<vmem>>
        %dma_start3A_631 = tpu.memref_slice %arg4[%add3A_617] : memref<800000xf32, #tpu.memory_space<hbm>> -> memref<2000xf32, #tpu.memory_space<hbm>>
        %dma_start3A_632 = tpu.memref_slice %arg15[%rem3A_552] : memref<2x!tpu.dma_semaphore, #tpu.memory_space<semaphore_mem>> -> memref<1x!tpu.dma_semaphore, #tpu.memory_space<semaphore_mem>>
        %dma_start3A_633 = tpu.memref_squeeze %dma_start3A_632 : memref<1x!tpu.dma_semaphore, #tpu.memory_space<semaphore_mem>> -> memref<!tpu.dma_semaphore, #tpu.memory_space<semaphore_mem>>
        %dma_start3A_634 = arith.constant 0 : i32
        %dma_start3A_635 = tpu.memref_slice %arg9[%rem3A_552, %dma_start3A_634] : memref<2x2000xf32, #tpu.memory_space<vmem>> -> memref<1x2000xf32, #tpu.memory_space<vmem>>
        %dma_start3A_636 = tpu.memref_squeeze %dma_start3A_635 : memref<1x2000xf32, #tpu.memory_space<vmem>> -> memref<2000xf32, #tpu.memory_space<vmem>>
        %dma_start3A_637 = tpu.memref_slice %arg4[%add3A_617] : memref<800000xf32, #tpu.memory_space<hbm>> -> memref<2000xf32, #tpu.memory_space<hbm>>
        tpu.enqueue_dma source(%dma_start3A_637 : memref<2000xf32, #tpu.memory_space<hbm>>) target(%dma_start3A_636 : memref<2000xf32, #tpu.memory_space<vmem>>) target_semaphore(%dma_start3A_633 : memref<!tpu.dma_semaphore, #tpu.memory_space<semaphore_mem>>)
        %dma_start3A_638 = arith.constant 0 : i32
        %dma_start3A_639 = tpu.memref_slice %arg10[%rem3A_552, %dma_start3A_638] : memref<2x2000xi32, #tpu.memory_space<vmem>> -> memref<1x2000xi32, #tpu.memory_space<vmem>>
        %dma_start3A_640 = tpu.memref_squeeze %dma_start3A_639 : memref<1x2000xi32, #tpu.memory_space<vmem>> -> memref<2000xi32, #tpu.memory_space<vmem>>
        %dma_start3A_641 = tpu.memref_slice %arg2[%add3A_617] : memref<800000xi32, #tpu.memory_space<hbm>> -> memref<2000xi32, #tpu.memory_space<hbm>>
        %dma_start3A_642 = tpu.memref_slice %arg15[%rem3A_552] : memref<2x!tpu.dma_semaphore, #tpu.memory_space<semaphore_mem>> -> memref<1x!tpu.dma_semaphore, #tpu.memory_space<semaphore_mem>>
        %dma_start3A_643 = tpu.memref_squeeze %dma_start3A_642 : memref<1x!tpu.dma_semaphore, #tpu.memory_space<semaphore_mem>> -> memref<!tpu.dma_semaphore, #tpu.memory_space<semaphore_mem>>
        %dma_start3A_644 = arith.constant 0 : i32
        %dma_start3A_645 = tpu.memref_slice %arg10[%rem3A_552, %dma_start3A_644] : memref<2x2000xi32, #tpu.memory_space<vmem>> -> memref<1x2000xi32, #tpu.memory_space<vmem>>
        %dma_start3A_646 = tpu.memref_squeeze %dma_start3A_645 : memref<1x2000xi32, #tpu.memory_space<vmem>> -> memref<2000xi32, #tpu.memory_space<vmem>>
        %dma_start3A_647 = tpu.memref_slice %arg2[%add3A_617] : memref<800000xi32, #tpu.memory_space<hbm>> -> memref<2000xi32, #tpu.memory_space<hbm>>
        tpu.enqueue_dma source(%dma_start3A_647 : memref<2000xi32, #tpu.memory_space<hbm>>) target(%dma_start3A_646 : memref<2000xi32, #tpu.memory_space<vmem>>) target_semaphore(%dma_start3A_643 : memref<!tpu.dma_semaphore, #tpu.memory_space<semaphore_mem>>)
      } else {
      }
      %dma_start3A_601 = arith.constant 0 : i32
      %dma_start3A_602 = arith.constant 0 : i32
      %dma_start3A_603 = tpu.memref_slice %arg13[%and3A_546, %dma_start3A_601, %dma_start3A_602] : memref<4x80x32xf32, #tpu.memory_space<vmem>> -> memref<1x80x32xf32, #tpu.memory_space<vmem>>
      %dma_start3A_604 = tpu.memref_squeeze %dma_start3A_603 : memref<1x80x32xf32, #tpu.memory_space<vmem>> -> memref<80x32xf32, #tpu.memory_space<vmem>>
      %dma_start3A_605 = arith.constant 0 : i32
      %dma_start3A_606 = tpu.memref_slice %arg12[%and3A_546, %dma_start3A_605] : memref<4x80xi32, #tpu.memory_space<vmem>> -> memref<1x80xi32, #tpu.memory_space<vmem>>
      %dma_start3A_607 = tpu.memref_squeeze %dma_start3A_606 : memref<1x80xi32, #tpu.memory_space<vmem>> -> memref<80xi32, #tpu.memory_space<vmem>>
      %dma_start3A_608 = arith.constant 0 : i32
      %dma_start3A_609 = arith.constant 0 : i32
      %dma_start3A_610 = tpu.memref_slice %arg7[%dma_start3A_608, %dma_start3A_609] : memref<50000x32xf32, #tpu.memory_space<vmem_shared>> -> memref<50000x32xf32, #tpu.memory_space<vmem_shared>>
      %dma_start3A_611 = tpu.memref_slice %arg18[%and3A_546] : memref<4x!tpu.dma_semaphore, #tpu.memory_space<semaphore_mem>> -> memref<1x!tpu.dma_semaphore, #tpu.memory_space<semaphore_mem>>
      %dma_start3A_612 = tpu.memref_squeeze %dma_start3A_611 : memref<1x!tpu.dma_semaphore, #tpu.memory_space<semaphore_mem>> -> memref<!tpu.dma_semaphore, #tpu.memory_space<semaphore_mem>>
      tpu.enqueue_indirect_dma source(%dma_start3A_604 : memref<80x32xf32, #tpu.memory_space<vmem>>) target(%dma_start3A_610 : memref<50000x32xf32, #tpu.memory_space<vmem_shared>>) offsets(%dma_start3A_607 : memref<80xi32, #tpu.memory_space<vmem>>) semaphore(%dma_start3A_612 : memref<!tpu.dma_semaphore, #tpu.memory_space<semaphore_mem>>) {add = true}
    }
    %scan3A_386 = arith.constant 625 : i32
    %and3A = arith.constant 624 : i32
    %and3A_387 = arith.constant 3 : i32
    %and3A_388 = arith.andi %and3A, %and3A_387 : i32
    %dma_wait3A_389 = arith.constant 0 : i32
    %dma_wait3A_390 = arith.constant 0 : i32
    %dma_wait3A_391 = tpu.memref_slice %arg13[%and3A_388, %dma_wait3A_389, %dma_wait3A_390] : memref<4x80x32xf32, #tpu.memory_space<vmem>> -> memref<1x80x32xf32, #tpu.memory_space<vmem>>
    %dma_wait3A_392 = tpu.memref_squeeze %dma_wait3A_391 : memref<1x80x32xf32, #tpu.memory_space<vmem>> -> memref<80x32xf32, #tpu.memory_space<vmem>>
    %dma_wait3A_393 = arith.constant 0 : i32
    %dma_wait3A_394 = tpu.memref_slice %arg12[%and3A_388, %dma_wait3A_393] : memref<4x80xi32, #tpu.memory_space<vmem>> -> memref<1x80xi32, #tpu.memory_space<vmem>>
    %dma_wait3A_395 = tpu.memref_squeeze %dma_wait3A_394 : memref<1x80xi32, #tpu.memory_space<vmem>> -> memref<80xi32, #tpu.memory_space<vmem>>
    %dma_wait3A_396 = arith.constant 0 : i32
    %dma_wait3A_397 = arith.constant 0 : i32
    %dma_wait3A_398 = tpu.memref_slice %arg7[%dma_wait3A_396, %dma_wait3A_397] : memref<50000x32xf32, #tpu.memory_space<vmem_shared>> -> memref<50000x32xf32, #tpu.memory_space<vmem_shared>>
    %dma_wait3A_399 = tpu.memref_slice %arg18[%and3A_388] : memref<4x!tpu.dma_semaphore, #tpu.memory_space<semaphore_mem>> -> memref<1x!tpu.dma_semaphore, #tpu.memory_space<semaphore_mem>>
    %dma_wait3A_400 = tpu.memref_squeeze %dma_wait3A_399 : memref<1x!tpu.dma_semaphore, #tpu.memory_space<semaphore_mem>> -> memref<!tpu.dma_semaphore, #tpu.memory_space<semaphore_mem>>
    tpu.wait_indirect_dma semaphore(%dma_wait3A_400 : memref<!tpu.dma_semaphore, #tpu.memory_space<semaphore_mem>>) src(%dma_wait3A_392 : memref<80x32xf32, #tpu.memory_space<vmem>>) dst(%dma_wait3A_398 : memref<50000x32xf32, #tpu.memory_space<vmem_shared>>)
    %and3A_401 = arith.constant 623 : i32
    %and3A_402 = arith.constant 3 : i32
    %and3A_403 = arith.andi %and3A_401, %and3A_402 : i32
    %dma_wait3A_404 = arith.constant 0 : i32
    %dma_wait3A_405 = arith.constant 0 : i32
    %dma_wait3A_406 = tpu.memref_slice %arg13[%and3A_403, %dma_wait3A_404, %dma_wait3A_405] : memref<4x80x32xf32, #tpu.memory_space<vmem>> -> memref<1x80x32xf32, #tpu.memory_space<vmem>>
    %dma_wait3A_407 = tpu.memref_squeeze %dma_wait3A_406 : memref<1x80x32xf32, #tpu.memory_space<vmem>> -> memref<80x32xf32, #tpu.memory_space<vmem>>
    %dma_wait3A_408 = arith.constant 0 : i32
    %dma_wait3A_409 = tpu.memref_slice %arg12[%and3A_403, %dma_wait3A_408] : memref<4x80xi32, #tpu.memory_space<vmem>> -> memref<1x80xi32, #tpu.memory_space<vmem>>
    %dma_wait3A_410 = tpu.memref_squeeze %dma_wait3A_409 : memref<1x80xi32, #tpu.memory_space<vmem>> -> memref<80xi32, #tpu.memory_space<vmem>>
    %dma_wait3A_411 = arith.constant 0 : i32
    %dma_wait3A_412 = arith.constant 0 : i32
    %dma_wait3A_413 = tpu.memref_slice %arg7[%dma_wait3A_411, %dma_wait3A_412] : memref<50000x32xf32, #tpu.memory_space<vmem_shared>> -> memref<50000x32xf32, #tpu.memory_space<vmem_shared>>
    %dma_wait3A_414 = tpu.memref_slice %arg18[%and3A_403] : memref<4x!tpu.dma_semaphore, #tpu.memory_space<semaphore_mem>> -> memref<1x!tpu.dma_semaphore, #tpu.memory_space<semaphore_mem>>
    %dma_wait3A_415 = tpu.memref_squeeze %dma_wait3A_414 : memref<1x!tpu.dma_semaphore, #tpu.memory_space<semaphore_mem>> -> memref<!tpu.dma_semaphore, #tpu.memory_space<semaphore_mem>>
    tpu.wait_indirect_dma semaphore(%dma_wait3A_415 : memref<!tpu.dma_semaphore, #tpu.memory_space<semaphore_mem>>) src(%dma_wait3A_407 : memref<80x32xf32, #tpu.memory_space<vmem>>) dst(%dma_wait3A_413 : memref<50000x32xf32, #tpu.memory_space<vmem_shared>>)
    %and3A_416 = arith.constant 622 : i32
    %and3A_417 = arith.constant 3 : i32
    %and3A_418 = arith.andi %and3A_416, %and3A_417 : i32
    %dma_wait3A_419 = arith.constant 0 : i32
    %dma_wait3A_420 = arith.constant 0 : i32
    %dma_wait3A_421 = tpu.memref_slice %arg13[%and3A_418, %dma_wait3A_419, %dma_wait3A_420] : memref<4x80x32xf32, #tpu.memory_space<vmem>> -> memref<1x80x32xf32, #tpu.memory_space<vmem>>
    %dma_wait3A_422 = tpu.memref_squeeze %dma_wait3A_421 : memref<1x80x32xf32, #tpu.memory_space<vmem>> -> memref<80x32xf32, #tpu.memory_space<vmem>>
    %dma_wait3A_423 = arith.constant 0 : i32
    %dma_wait3A_424 = tpu.memref_slice %arg12[%and3A_418, %dma_wait3A_423] : memref<4x80xi32, #tpu.memory_space<vmem>> -> memref<1x80xi32, #tpu.memory_space<vmem>>
    %dma_wait3A_425 = tpu.memref_squeeze %dma_wait3A_424 : memref<1x80xi32, #tpu.memory_space<vmem>> -> memref<80xi32, #tpu.memory_space<vmem>>
    %dma_wait3A_426 = arith.constant 0 : i32
    %dma_wait3A_427 = arith.constant 0 : i32
    %dma_wait3A_428 = tpu.memref_slice %arg7[%dma_wait3A_426, %dma_wait3A_427] : memref<50000x32xf32, #tpu.memory_space<vmem_shared>> -> memref<50000x32xf32, #tpu.memory_space<vmem_shared>>
    %dma_wait3A_429 = tpu.memref_slice %arg18[%and3A_418] : memref<4x!tpu.dma_semaphore, #tpu.memory_space<semaphore_mem>> -> memref<1x!tpu.dma_semaphore, #tpu.memory_space<semaphore_mem>>
    %dma_wait3A_430 = tpu.memref_squeeze %dma_wait3A_429 : memref<1x!tpu.dma_semaphore, #tpu.memory_space<semaphore_mem>> -> memref<!tpu.dma_semaphore, #tpu.memory_space<semaphore_mem>>
    tpu.wait_indirect_dma semaphore(%dma_wait3A_430 : memref<!tpu.dma_semaphore, #tpu.memory_space<semaphore_mem>>) src(%dma_wait3A_422 : memref<80x32xf32, #tpu.memory_space<vmem>>) dst(%dma_wait3A_428 : memref<50000x32xf32, #tpu.memory_space<vmem_shared>>)
    %barrier3A_431 = arith.constant 0 : index
    tpu.barrier barrier_id(%barrier3A_431)
    %add3A_432 = arith.constant 0 : i32
    %add3A_433 = arith.addi %arg1, %add3A_432 : i32
    %lt3A_434 = arith.constant 250 : i32
    %lt3A_435 = arith.cmpi slt, %add3A_433, %lt3A_434 : i32
    %convert_element_type3A_436 = arith.extui %lt3A_435 : i1 to i32
    %cond3A_437 = arith.constant 0 : i32
    %cond3A_438 = arith.cmpi ne, %convert_element_type3A_436, %cond3A_437 : i32
    scf.if %cond3A_438 {
      %mul3A_544 = arith.constant 200 : i32
      %mul3A_545 = arith.muli %add3A_433, %mul3A_544 : i32
      %mul3A_546 = arith.constant 200 : i32
      %mul3A_547 = arith.muli %add3A_433, %mul3A_546 : i32
      %add3A_548 = arith.addi %mul3A_114, %mul3A_547 : i32
      "tpu.region"() ({
        %run_scoped3A = tpu.sem_alloc : memref<!tpu.dma_semaphore, #tpu.memory_space<semaphore_mem>>
        %dma_start3A_549 = arith.constant 0 : i32
        %dma_start3A_550 = tpu.memref_slice %arg6[%add3A_548, %dma_start3A_549] : memref<100000x32xf32, #tpu.memory_space<hbm>> -> memref<200x32xf32, #tpu.memory_space<hbm>>
        %dma_start3A_551 = arith.constant 0 : i32
        %dma_start3A_552 = tpu.memref_slice %arg7[%mul3A_545, %dma_start3A_551] : memref<50000x32xf32, #tpu.memory_space<vmem_shared>> -> memref<200x32xf32, #tpu.memory_space<vmem_shared>>
        tpu.enqueue_dma source(%dma_start3A_552 : memref<200x32xf32, #tpu.memory_space<vmem_shared>>) target(%dma_start3A_550 : memref<200x32xf32, #tpu.memory_space<hbm>>) target_semaphore(%run_scoped3A : memref<!tpu.dma_semaphore, #tpu.memory_space<semaphore_mem>>)
        %dma_wait3A_553 = arith.constant 0 : i32
        %dma_wait3A_554 = tpu.memref_slice %arg6[%add3A_548, %dma_wait3A_553] : memref<100000x32xf32, #tpu.memory_space<hbm>> -> memref<200x32xf32, #tpu.memory_space<hbm>>
        %dma_wait3A_555 = arith.constant 0 : i32
        %dma_wait3A_556 = tpu.memref_slice %arg7[%mul3A_545, %dma_wait3A_555] : memref<50000x32xf32, #tpu.memory_space<vmem_shared>> -> memref<200x32xf32, #tpu.memory_space<vmem_shared>>
        tpu.wait_dma2 semaphore(%run_scoped3A : memref<!tpu.dma_semaphore, #tpu.memory_space<semaphore_mem>>) src(%dma_wait3A_556 : memref<200x32xf32, #tpu.memory_space<vmem_shared>>) dst(%dma_wait3A_554 : memref<200x32xf32, #tpu.memory_space<hbm>>)
        tpu.yield
      }) : () -> ()
    } else {
    }
    %add3A_439 = arith.constant 16 : i32
    %add3A_440 = arith.addi %arg1, %add3A_439 : i32
    %lt3A_441 = arith.constant 250 : i32
    %lt3A_442 = arith.cmpi slt, %add3A_440, %lt3A_441 : i32
    %convert_element_type3A_443 = arith.extui %lt3A_442 : i1 to i32
    %cond3A_444 = arith.constant 0 : i32
    %cond3A_445 = arith.cmpi ne, %convert_element_type3A_443, %cond3A_444 : i32
    scf.if %cond3A_445 {
      %mul3A_544 = arith.constant 200 : i32
      %mul3A_545 = arith.muli %add3A_440, %mul3A_544 : i32
      %mul3A_546 = arith.constant 200 : i32
      %mul3A_547 = arith.muli %add3A_440, %mul3A_546 : i32
      %add3A_548 = arith.addi %mul3A_114, %mul3A_547 : i32
      "tpu.region"() ({
        %run_scoped3A = tpu.sem_alloc : memref<!tpu.dma_semaphore, #tpu.memory_space<semaphore_mem>>
        %dma_start3A_549 = arith.constant 0 : i32
        %dma_start3A_550 = tpu.memref_slice %arg6[%add3A_548, %dma_start3A_549] : memref<100000x32xf32, #tpu.memory_space<hbm>> -> memref<200x32xf32, #tpu.memory_space<hbm>>
        %dma_start3A_551 = arith.constant 0 : i32
        %dma_start3A_552 = tpu.memref_slice %arg7[%mul3A_545, %dma_start3A_551] : memref<50000x32xf32, #tpu.memory_space<vmem_shared>> -> memref<200x32xf32, #tpu.memory_space<vmem_shared>>
        tpu.enqueue_dma source(%dma_start3A_552 : memref<200x32xf32, #tpu.memory_space<vmem_shared>>) target(%dma_start3A_550 : memref<200x32xf32, #tpu.memory_space<hbm>>) target_semaphore(%run_scoped3A : memref<!tpu.dma_semaphore, #tpu.memory_space<semaphore_mem>>)
        %dma_wait3A_553 = arith.constant 0 : i32
        %dma_wait3A_554 = tpu.memref_slice %arg6[%add3A_548, %dma_wait3A_553] : memref<100000x32xf32, #tpu.memory_space<hbm>> -> memref<200x32xf32, #tpu.memory_space<hbm>>
        %dma_wait3A_555 = arith.constant 0 : i32
        %dma_wait3A_556 = tpu.memref_slice %arg7[%mul3A_545, %dma_wait3A_555] : memref<50000x32xf32, #tpu.memory_space<vmem_shared>> -> memref<200x32xf32, #tpu.memory_space<vmem_shared>>
        tpu.wait_dma2 semaphore(%run_scoped3A : memref<!tpu.dma_semaphore, #tpu.memory_space<semaphore_mem>>) src(%dma_wait3A_556 : memref<200x32xf32, #tpu.memory_space<vmem_shared>>) dst(%dma_wait3A_554 : memref<200x32xf32, #tpu.memory_space<hbm>>)
        tpu.yield
      }) : () -> ()
    } else {
    }
    %add3A_446 = arith.constant 32 : i32
    %add3A_447 = arith.addi %arg1, %add3A_446 : i32
    %lt3A_448 = arith.constant 250 : i32
    %lt3A_449 = arith.cmpi slt, %add3A_447, %lt3A_448 : i32
    %convert_element_type3A_450 = arith.extui %lt3A_449 : i1 to i32
    %cond3A_451 = arith.constant 0 : i32
    %cond3A_452 = arith.cmpi ne, %convert_element_type3A_450, %cond3A_451 : i32
    scf.if %cond3A_452 {
      %mul3A_544 = arith.constant 200 : i32
      %mul3A_545 = arith.muli %add3A_447, %mul3A_544 : i32
      %mul3A_546 = arith.constant 200 : i32
      %mul3A_547 = arith.muli %add3A_447, %mul3A_546 : i32
      %add3A_548 = arith.addi %mul3A_114, %mul3A_547 : i32
      "tpu.region"() ({
        %run_scoped3A = tpu.sem_alloc : memref<!tpu.dma_semaphore, #tpu.memory_space<semaphore_mem>>
        %dma_start3A_549 = arith.constant 0 : i32
        %dma_start3A_550 = tpu.memref_slice %arg6[%add3A_548, %dma_start3A_549] : memref<100000x32xf32, #tpu.memory_space<hbm>> -> memref<200x32xf32, #tpu.memory_space<hbm>>
        %dma_start3A_551 = arith.constant 0 : i32
        %dma_start3A_552 = tpu.memref_slice %arg7[%mul3A_545, %dma_start3A_551] : memref<50000x32xf32, #tpu.memory_space<vmem_shared>> -> memref<200x32xf32, #tpu.memory_space<vmem_shared>>
        tpu.enqueue_dma source(%dma_start3A_552 : memref<200x32xf32, #tpu.memory_space<vmem_shared>>) target(%dma_start3A_550 : memref<200x32xf32, #tpu.memory_space<hbm>>) target_semaphore(%run_scoped3A : memref<!tpu.dma_semaphore, #tpu.memory_space<semaphore_mem>>)
        %dma_wait3A_553 = arith.constant 0 : i32
        %dma_wait3A_554 = tpu.memref_slice %arg6[%add3A_548, %dma_wait3A_553] : memref<100000x32xf32, #tpu.memory_space<hbm>> -> memref<200x32xf32, #tpu.memory_space<hbm>>
        %dma_wait3A_555 = arith.constant 0 : i32
        %dma_wait3A_556 = tpu.memref_slice %arg7[%mul3A_545, %dma_wait3A_555] : memref<50000x32xf32, #tpu.memory_space<vmem_shared>> -> memref<200x32xf32, #tpu.memory_space<vmem_shared>>
        tpu.wait_dma2 semaphore(%run_scoped3A : memref<!tpu.dma_semaphore, #tpu.memory_space<semaphore_mem>>) src(%dma_wait3A_556 : memref<200x32xf32, #tpu.memory_space<vmem_shared>>) dst(%dma_wait3A_554 : memref<200x32xf32, #tpu.memory_space<hbm>>)
        tpu.yield
      }) : () -> ()
    } else {
    }
    %add3A_453 = arith.constant 48 : i32
    %add3A_454 = arith.addi %arg1, %add3A_453 : i32
    %lt3A_455 = arith.constant 250 : i32
    %lt3A_456 = arith.cmpi slt, %add3A_454, %lt3A_455 : i32
    %convert_element_type3A_457 = arith.extui %lt3A_456 : i1 to i32
    %cond3A_458 = arith.constant 0 : i32
    %cond3A_459 = arith.cmpi ne, %convert_element_type3A_457, %cond3A_458 : i32
    scf.if %cond3A_459 {
      %mul3A_544 = arith.constant 200 : i32
      %mul3A_545 = arith.muli %add3A_454, %mul3A_544 : i32
      %mul3A_546 = arith.constant 200 : i32
      %mul3A_547 = arith.muli %add3A_454, %mul3A_546 : i32
      %add3A_548 = arith.addi %mul3A_114, %mul3A_547 : i32
      "tpu.region"() ({
        %run_scoped3A = tpu.sem_alloc : memref<!tpu.dma_semaphore, #tpu.memory_space<semaphore_mem>>
        %dma_start3A_549 = arith.constant 0 : i32
        %dma_start3A_550 = tpu.memref_slice %arg6[%add3A_548, %dma_start3A_549] : memref<100000x32xf32, #tpu.memory_space<hbm>> -> memref<200x32xf32, #tpu.memory_space<hbm>>
        %dma_start3A_551 = arith.constant 0 : i32
        %dma_start3A_552 = tpu.memref_slice %arg7[%mul3A_545, %dma_start3A_551] : memref<50000x32xf32, #tpu.memory_space<vmem_shared>> -> memref<200x32xf32, #tpu.memory_space<vmem_shared>>
        tpu.enqueue_dma source(%dma_start3A_552 : memref<200x32xf32, #tpu.memory_space<vmem_shared>>) target(%dma_start3A_550 : memref<200x32xf32, #tpu.memory_space<hbm>>) target_semaphore(%run_scoped3A : memref<!tpu.dma_semaphore, #tpu.memory_space<semaphore_mem>>)
        %dma_wait3A_553 = arith.constant 0 : i32
        %dma_wait3A_554 = tpu.memref_slice %arg6[%add3A_548, %dma_wait3A_553] : memref<100000x32xf32, #tpu.memory_space<hbm>> -> memref<200x32xf32, #tpu.memory_space<hbm>>
        %dma_wait3A_555 = arith.constant 0 : i32
        %dma_wait3A_556 = tpu.memref_slice %arg7[%mul3A_545, %dma_wait3A_555] : memref<50000x32xf32, #tpu.memory_space<vmem_shared>> -> memref<200x32xf32, #tpu.memory_space<vmem_shared>>
        tpu.wait_dma2 semaphore(%run_scoped3A : memref<!tpu.dma_semaphore, #tpu.memory_space<semaphore_mem>>) src(%dma_wait3A_556 : memref<200x32xf32, #tpu.memory_space<vmem_shared>>) dst(%dma_wait3A_554 : memref<200x32xf32, #tpu.memory_space<hbm>>)
        tpu.yield
      }) : () -> ()
    } else {
    }
    %add3A_460 = arith.constant 64 : i32
    %add3A_461 = arith.addi %arg1, %add3A_460 : i32
    %lt3A_462 = arith.constant 250 : i32
    %lt3A_463 = arith.cmpi slt, %add3A_461, %lt3A_462 : i32
    %convert_element_type3A_464 = arith.extui %lt3A_463 : i1 to i32
    %cond3A_465 = arith.constant 0 : i32
    %cond3A_466 = arith.cmpi ne, %convert_element_type3A_464, %cond3A_465 : i32
    scf.if %cond3A_466 {
      %mul3A_544 = arith.constant 200 : i32
      %mul3A_545 = arith.muli %add3A_461, %mul3A_544 : i32
      %mul3A_546 = arith.constant 200 : i32
      %mul3A_547 = arith.muli %add3A_461, %mul3A_546 : i32
      %add3A_548 = arith.addi %mul3A_114, %mul3A_547 : i32
      "tpu.region"() ({
        %run_scoped3A = tpu.sem_alloc : memref<!tpu.dma_semaphore, #tpu.memory_space<semaphore_mem>>
        %dma_start3A_549 = arith.constant 0 : i32
        %dma_start3A_550 = tpu.memref_slice %arg6[%add3A_548, %dma_start3A_549] : memref<100000x32xf32, #tpu.memory_space<hbm>> -> memref<200x32xf32, #tpu.memory_space<hbm>>
        %dma_start3A_551 = arith.constant 0 : i32
        %dma_start3A_552 = tpu.memref_slice %arg7[%mul3A_545, %dma_start3A_551] : memref<50000x32xf32, #tpu.memory_space<vmem_shared>> -> memref<200x32xf32, #tpu.memory_space<vmem_shared>>
        tpu.enqueue_dma source(%dma_start3A_552 : memref<200x32xf32, #tpu.memory_space<vmem_shared>>) target(%dma_start3A_550 : memref<200x32xf32, #tpu.memory_space<hbm>>) target_semaphore(%run_scoped3A : memref<!tpu.dma_semaphore, #tpu.memory_space<semaphore_mem>>)
        %dma_wait3A_553 = arith.constant 0 : i32
        %dma_wait3A_554 = tpu.memref_slice %arg6[%add3A_548, %dma_wait3A_553] : memref<100000x32xf32, #tpu.memory_space<hbm>> -> memref<200x32xf32, #tpu.memory_space<hbm>>
        %dma_wait3A_555 = arith.constant 0 : i32
        %dma_wait3A_556 = tpu.memref_slice %arg7[%mul3A_545, %dma_wait3A_555] : memref<50000x32xf32, #tpu.memory_space<vmem_shared>> -> memref<200x32xf32, #tpu.memory_space<vmem_shared>>
        tpu.wait_dma2 semaphore(%run_scoped3A : memref<!tpu.dma_semaphore, #tpu.memory_space<semaphore_mem>>) src(%dma_wait3A_556 : memref<200x32xf32, #tpu.memory_space<vmem_shared>>) dst(%dma_wait3A_554 : memref<200x32xf32, #tpu.memory_space<hbm>>)
        tpu.yield
      }) : () -> ()
    } else {
    }
    %add3A_467 = arith.constant 80 : i32
    %add3A_468 = arith.addi %arg1, %add3A_467 : i32
    %lt3A_469 = arith.constant 250 : i32
    %lt3A_470 = arith.cmpi slt, %add3A_468, %lt3A_469 : i32
    %convert_element_type3A_471 = arith.extui %lt3A_470 : i1 to i32
    %cond3A_472 = arith.constant 0 : i32
    %cond3A_473 = arith.cmpi ne, %convert_element_type3A_471, %cond3A_472 : i32
    scf.if %cond3A_473 {
      %mul3A_544 = arith.constant 200 : i32
      %mul3A_545 = arith.muli %add3A_468, %mul3A_544 : i32
      %mul3A_546 = arith.constant 200 : i32
      %mul3A_547 = arith.muli %add3A_468, %mul3A_546 : i32
      %add3A_548 = arith.addi %mul3A_114, %mul3A_547 : i32
      "tpu.region"() ({
        %run_scoped3A = tpu.sem_alloc : memref<!tpu.dma_semaphore, #tpu.memory_space<semaphore_mem>>
        %dma_start3A_549 = arith.constant 0 : i32
        %dma_start3A_550 = tpu.memref_slice %arg6[%add3A_548, %dma_start3A_549] : memref<100000x32xf32, #tpu.memory_space<hbm>> -> memref<200x32xf32, #tpu.memory_space<hbm>>
        %dma_start3A_551 = arith.constant 0 : i32
        %dma_start3A_552 = tpu.memref_slice %arg7[%mul3A_545, %dma_start3A_551] : memref<50000x32xf32, #tpu.memory_space<vmem_shared>> -> memref<200x32xf32, #tpu.memory_space<vmem_shared>>
        tpu.enqueue_dma source(%dma_start3A_552 : memref<200x32xf32, #tpu.memory_space<vmem_shared>>) target(%dma_start3A_550 : memref<200x32xf32, #tpu.memory_space<hbm>>) target_semaphore(%run_scoped3A : memref<!tpu.dma_semaphore, #tpu.memory_space<semaphore_mem>>)
        %dma_wait3A_553 = arith.constant 0 : i32
        %dma_wait3A_554 = tpu.memref_slice %arg6[%add3A_548, %dma_wait3A_553] : memref<100000x32xf32, #tpu.memory_space<hbm>> -> memref<200x32xf32, #tpu.memory_space<hbm>>
        %dma_wait3A_555 = arith.constant 0 : i32
        %dma_wait3A_556 = tpu.memref_slice %arg7[%mul3A_545, %dma_wait3A_555] : memref<50000x32xf32, #tpu.memory_space<vmem_shared>> -> memref<200x32xf32, #tpu.memory_space<vmem_shared>>
        tpu.wait_dma2 semaphore(%run_scoped3A : memref<!tpu.dma_semaphore, #tpu.memory_space<semaphore_mem>>) src(%dma_wait3A_556 : memref<200x32xf32, #tpu.memory_space<vmem_shared>>) dst(%dma_wait3A_554 : memref<200x32xf32, #tpu.memory_space<hbm>>)
        tpu.yield
      }) : () -> ()
    } else {
    }
    %add3A_474 = arith.constant 96 : i32
    %add3A_475 = arith.addi %arg1, %add3A_474 : i32
    %lt3A_476 = arith.constant 250 : i32
    %lt3A_477 = arith.cmpi slt, %add3A_475, %lt3A_476 : i32
    %convert_element_type3A_478 = arith.extui %lt3A_477 : i1 to i32
    %cond3A_479 = arith.constant 0 : i32
    %cond3A_480 = arith.cmpi ne, %convert_element_type3A_478, %cond3A_479 : i32
    scf.if %cond3A_480 {
      %mul3A_544 = arith.constant 200 : i32
      %mul3A_545 = arith.muli %add3A_475, %mul3A_544 : i32
      %mul3A_546 = arith.constant 200 : i32
      %mul3A_547 = arith.muli %add3A_475, %mul3A_546 : i32
      %add3A_548 = arith.addi %mul3A_114, %mul3A_547 : i32
      "tpu.region"() ({
        %run_scoped3A = tpu.sem_alloc : memref<!tpu.dma_semaphore, #tpu.memory_space<semaphore_mem>>
        %dma_start3A_549 = arith.constant 0 : i32
        %dma_start3A_550 = tpu.memref_slice %arg6[%add3A_548, %dma_start3A_549] : memref<100000x32xf32, #tpu.memory_space<hbm>> -> memref<200x32xf32, #tpu.memory_space<hbm>>
        %dma_start3A_551 = arith.constant 0 : i32
        %dma_start3A_552 = tpu.memref_slice %arg7[%mul3A_545, %dma_start3A_551] : memref<50000x32xf32, #tpu.memory_space<vmem_shared>> -> memref<200x32xf32, #tpu.memory_space<vmem_shared>>
        tpu.enqueue_dma source(%dma_start3A_552 : memref<200x32xf32, #tpu.memory_space<vmem_shared>>) target(%dma_start3A_550 : memref<200x32xf32, #tpu.memory_space<hbm>>) target_semaphore(%run_scoped3A : memref<!tpu.dma_semaphore, #tpu.memory_space<semaphore_mem>>)
        %dma_wait3A_553 = arith.constant 0 : i32
        %dma_wait3A_554 = tpu.memref_slice %arg6[%add3A_548, %dma_wait3A_553] : memref<100000x32xf32, #tpu.memory_space<hbm>> -> memref<200x32xf32, #tpu.memory_space<hbm>>
        %dma_wait3A_555 = arith.constant 0 : i32
        %dma_wait3A_556 = tpu.memref_slice %arg7[%mul3A_545, %dma_wait3A_555] : memref<50000x32xf32, #tpu.memory_space<vmem_shared>> -> memref<200x32xf32, #tpu.memory_space<vmem_shared>>
        tpu.wait_dma2 semaphore(%run_scoped3A : memref<!tpu.dma_semaphore, #tpu.memory_space<semaphore_mem>>) src(%dma_wait3A_556 : memref<200x32xf32, #tpu.memory_space<vmem_shared>>) dst(%dma_wait3A_554 : memref<200x32xf32, #tpu.memory_space<hbm>>)
        tpu.yield
      }) : () -> ()
    } else {
    }
    %add3A_481 = arith.constant 112 : i32
    %add3A_482 = arith.addi %arg1, %add3A_481 : i32
    %lt3A_483 = arith.constant 250 : i32
    %lt3A_484 = arith.cmpi slt, %add3A_482, %lt3A_483 : i32
    %convert_element_type3A_485 = arith.extui %lt3A_484 : i1 to i32
    %cond3A_486 = arith.constant 0 : i32
    %cond3A_487 = arith.cmpi ne, %convert_element_type3A_485, %cond3A_486 : i32
    scf.if %cond3A_487 {
      %mul3A_544 = arith.constant 200 : i32
      %mul3A_545 = arith.muli %add3A_482, %mul3A_544 : i32
      %mul3A_546 = arith.constant 200 : i32
      %mul3A_547 = arith.muli %add3A_482, %mul3A_546 : i32
      %add3A_548 = arith.addi %mul3A_114, %mul3A_547 : i32
      "tpu.region"() ({
        %run_scoped3A = tpu.sem_alloc : memref<!tpu.dma_semaphore, #tpu.memory_space<semaphore_mem>>
        %dma_start3A_549 = arith.constant 0 : i32
        %dma_start3A_550 = tpu.memref_slice %arg6[%add3A_548, %dma_start3A_549] : memref<100000x32xf32, #tpu.memory_space<hbm>> -> memref<200x32xf32, #tpu.memory_space<hbm>>
        %dma_start3A_551 = arith.constant 0 : i32
        %dma_start3A_552 = tpu.memref_slice %arg7[%mul3A_545, %dma_start3A_551] : memref<50000x32xf32, #tpu.memory_space<vmem_shared>> -> memref<200x32xf32, #tpu.memory_space<vmem_shared>>
        tpu.enqueue_dma source(%dma_start3A_552 : memref<200x32xf32, #tpu.memory_space<vmem_shared>>) target(%dma_start3A_550 : memref<200x32xf32, #tpu.memory_space<hbm>>) target_semaphore(%run_scoped3A : memref<!tpu.dma_semaphore, #tpu.memory_space<semaphore_mem>>)
        %dma_wait3A_553 = arith.constant 0 : i32
        %dma_wait3A_554 = tpu.memref_slice %arg6[%add3A_548, %dma_wait3A_553] : memref<100000x32xf32, #tpu.memory_space<hbm>> -> memref<200x32xf32, #tpu.memory_space<hbm>>
        %dma_wait3A_555 = arith.constant 0 : i32
        %dma_wait3A_556 = tpu.memref_slice %arg7[%mul3A_545, %dma_wait3A_555] : memref<50000x32xf32, #tpu.memory_space<vmem_shared>> -> memref<200x32xf32, #tpu.memory_space<vmem_shared>>
        tpu.wait_dma2 semaphore(%run_scoped3A : memref<!tpu.dma_semaphore, #tpu.memory_space<semaphore_mem>>) src(%dma_wait3A_556 : memref<200x32xf32, #tpu.memory_space<vmem_shared>>) dst(%dma_wait3A_554 : memref<200x32xf32, #tpu.memory_space<hbm>>)
        tpu.yield
      }) : () -> ()
    } else {
    }
    %add3A_488 = arith.constant 128 : i32
    %add3A_489 = arith.addi %arg1, %add3A_488 : i32
    %lt3A_490 = arith.constant 250 : i32
    %lt3A_491 = arith.cmpi slt, %add3A_489, %lt3A_490 : i32
    %convert_element_type3A_492 = arith.extui %lt3A_491 : i1 to i32
    %cond3A_493 = arith.constant 0 : i32
    %cond3A_494 = arith.cmpi ne, %convert_element_type3A_492, %cond3A_493 : i32
    scf.if %cond3A_494 {
      %mul3A_544 = arith.constant 200 : i32
      %mul3A_545 = arith.muli %add3A_489, %mul3A_544 : i32
      %mul3A_546 = arith.constant 200 : i32
      %mul3A_547 = arith.muli %add3A_489, %mul3A_546 : i32
      %add3A_548 = arith.addi %mul3A_114, %mul3A_547 : i32
      "tpu.region"() ({
        %run_scoped3A = tpu.sem_alloc : memref<!tpu.dma_semaphore, #tpu.memory_space<semaphore_mem>>
        %dma_start3A_549 = arith.constant 0 : i32
        %dma_start3A_550 = tpu.memref_slice %arg6[%add3A_548, %dma_start3A_549] : memref<100000x32xf32, #tpu.memory_space<hbm>> -> memref<200x32xf32, #tpu.memory_space<hbm>>
        %dma_start3A_551 = arith.constant 0 : i32
        %dma_start3A_552 = tpu.memref_slice %arg7[%mul3A_545, %dma_start3A_551] : memref<50000x32xf32, #tpu.memory_space<vmem_shared>> -> memref<200x32xf32, #tpu.memory_space<vmem_shared>>
        tpu.enqueue_dma source(%dma_start3A_552 : memref<200x32xf32, #tpu.memory_space<vmem_shared>>) target(%dma_start3A_550 : memref<200x32xf32, #tpu.memory_space<hbm>>) target_semaphore(%run_scoped3A : memref<!tpu.dma_semaphore, #tpu.memory_space<semaphore_mem>>)
        %dma_wait3A_553 = arith.constant 0 : i32
        %dma_wait3A_554 = tpu.memref_slice %arg6[%add3A_548, %dma_wait3A_553] : memref<100000x32xf32, #tpu.memory_space<hbm>> -> memref<200x32xf32, #tpu.memory_space<hbm>>
        %dma_wait3A_555 = arith.constant 0 : i32
        %dma_wait3A_556 = tpu.memref_slice %arg7[%mul3A_545, %dma_wait3A_555] : memref<50000x32xf32, #tpu.memory_space<vmem_shared>> -> memref<200x32xf32, #tpu.memory_space<vmem_shared>>
        tpu.wait_dma2 semaphore(%run_scoped3A : memref<!tpu.dma_semaphore, #tpu.memory_space<semaphore_mem>>) src(%dma_wait3A_556 : memref<200x32xf32, #tpu.memory_space<vmem_shared>>) dst(%dma_wait3A_554 : memref<200x32xf32, #tpu.memory_space<hbm>>)
        tpu.yield
      }) : () -> ()
    } else {
    }
    %add3A_495 = arith.constant 144 : i32
    %add3A_496 = arith.addi %arg1, %add3A_495 : i32
    %lt3A_497 = arith.constant 250 : i32
    %lt3A_498 = arith.cmpi slt, %add3A_496, %lt3A_497 : i32
    %convert_element_type3A_499 = arith.extui %lt3A_498 : i1 to i32
    %cond3A_500 = arith.constant 0 : i32
    %cond3A_501 = arith.cmpi ne, %convert_element_type3A_499, %cond3A_500 : i32
    scf.if %cond3A_501 {
      %mul3A_544 = arith.constant 200 : i32
      %mul3A_545 = arith.muli %add3A_496, %mul3A_544 : i32
      %mul3A_546 = arith.constant 200 : i32
      %mul3A_547 = arith.muli %add3A_496, %mul3A_546 : i32
      %add3A_548 = arith.addi %mul3A_114, %mul3A_547 : i32
      "tpu.region"() ({
        %run_scoped3A = tpu.sem_alloc : memref<!tpu.dma_semaphore, #tpu.memory_space<semaphore_mem>>
        %dma_start3A_549 = arith.constant 0 : i32
        %dma_start3A_550 = tpu.memref_slice %arg6[%add3A_548, %dma_start3A_549] : memref<100000x32xf32, #tpu.memory_space<hbm>> -> memref<200x32xf32, #tpu.memory_space<hbm>>
        %dma_start3A_551 = arith.constant 0 : i32
        %dma_start3A_552 = tpu.memref_slice %arg7[%mul3A_545, %dma_start3A_551] : memref<50000x32xf32, #tpu.memory_space<vmem_shared>> -> memref<200x32xf32, #tpu.memory_space<vmem_shared>>
        tpu.enqueue_dma source(%dma_start3A_552 : memref<200x32xf32, #tpu.memory_space<vmem_shared>>) target(%dma_start3A_550 : memref<200x32xf32, #tpu.memory_space<hbm>>) target_semaphore(%run_scoped3A : memref<!tpu.dma_semaphore, #tpu.memory_space<semaphore_mem>>)
        %dma_wait3A_553 = arith.constant 0 : i32
        %dma_wait3A_554 = tpu.memref_slice %arg6[%add3A_548, %dma_wait3A_553] : memref<100000x32xf32, #tpu.memory_space<hbm>> -> memref<200x32xf32, #tpu.memory_space<hbm>>
        %dma_wait3A_555 = arith.constant 0 : i32
        %dma_wait3A_556 = tpu.memref_slice %arg7[%mul3A_545, %dma_wait3A_555] : memref<50000x32xf32, #tpu.memory_space<vmem_shared>> -> memref<200x32xf32, #tpu.memory_space<vmem_shared>>
        tpu.wait_dma2 semaphore(%run_scoped3A : memref<!tpu.dma_semaphore, #tpu.memory_space<semaphore_mem>>) src(%dma_wait3A_556 : memref<200x32xf32, #tpu.memory_space<vmem_shared>>) dst(%dma_wait3A_554 : memref<200x32xf32, #tpu.memory_space<hbm>>)
        tpu.yield
      }) : () -> ()
    } else {
    }
    %add3A_502 = arith.constant 160 : i32
    %add3A_503 = arith.addi %arg1, %add3A_502 : i32
    %lt3A_504 = arith.constant 250 : i32
    %lt3A_505 = arith.cmpi slt, %add3A_503, %lt3A_504 : i32
    %convert_element_type3A_506 = arith.extui %lt3A_505 : i1 to i32
    %cond3A_507 = arith.constant 0 : i32
    %cond3A_508 = arith.cmpi ne, %convert_element_type3A_506, %cond3A_507 : i32
    scf.if %cond3A_508 {
      %mul3A_544 = arith.constant 200 : i32
      %mul3A_545 = arith.muli %add3A_503, %mul3A_544 : i32
      %mul3A_546 = arith.constant 200 : i32
      %mul3A_547 = arith.muli %add3A_503, %mul3A_546 : i32
      %add3A_548 = arith.addi %mul3A_114, %mul3A_547 : i32
      "tpu.region"() ({
        %run_scoped3A = tpu.sem_alloc : memref<!tpu.dma_semaphore, #tpu.memory_space<semaphore_mem>>
        %dma_start3A_549 = arith.constant 0 : i32
        %dma_start3A_550 = tpu.memref_slice %arg6[%add3A_548, %dma_start3A_549] : memref<100000x32xf32, #tpu.memory_space<hbm>> -> memref<200x32xf32, #tpu.memory_space<hbm>>
        %dma_start3A_551 = arith.constant 0 : i32
        %dma_start3A_552 = tpu.memref_slice %arg7[%mul3A_545, %dma_start3A_551] : memref<50000x32xf32, #tpu.memory_space<vmem_shared>> -> memref<200x32xf32, #tpu.memory_space<vmem_shared>>
        tpu.enqueue_dma source(%dma_start3A_552 : memref<200x32xf32, #tpu.memory_space<vmem_shared>>) target(%dma_start3A_550 : memref<200x32xf32, #tpu.memory_space<hbm>>) target_semaphore(%run_scoped3A : memref<!tpu.dma_semaphore, #tpu.memory_space<semaphore_mem>>)
        %dma_wait3A_553 = arith.constant 0 : i32
        %dma_wait3A_554 = tpu.memref_slice %arg6[%add3A_548, %dma_wait3A_553] : memref<100000x32xf32, #tpu.memory_space<hbm>> -> memref<200x32xf32, #tpu.memory_space<hbm>>
        %dma_wait3A_555 = arith.constant 0 : i32
        %dma_wait3A_556 = tpu.memref_slice %arg7[%mul3A_545, %dma_wait3A_555] : memref<50000x32xf32, #tpu.memory_space<vmem_shared>> -> memref<200x32xf32, #tpu.memory_space<vmem_shared>>
        tpu.wait_dma2 semaphore(%run_scoped3A : memref<!tpu.dma_semaphore, #tpu.memory_space<semaphore_mem>>) src(%dma_wait3A_556 : memref<200x32xf32, #tpu.memory_space<vmem_shared>>) dst(%dma_wait3A_554 : memref<200x32xf32, #tpu.memory_space<hbm>>)
        tpu.yield
      }) : () -> ()
    } else {
    }
    %add3A_509 = arith.constant 176 : i32
    %add3A_510 = arith.addi %arg1, %add3A_509 : i32
    %lt3A_511 = arith.constant 250 : i32
    %lt3A_512 = arith.cmpi slt, %add3A_510, %lt3A_511 : i32
    %convert_element_type3A_513 = arith.extui %lt3A_512 : i1 to i32
    %cond3A_514 = arith.constant 0 : i32
    %cond3A_515 = arith.cmpi ne, %convert_element_type3A_513, %cond3A_514 : i32
    scf.if %cond3A_515 {
      %mul3A_544 = arith.constant 200 : i32
      %mul3A_545 = arith.muli %add3A_510, %mul3A_544 : i32
      %mul3A_546 = arith.constant 200 : i32
      %mul3A_547 = arith.muli %add3A_510, %mul3A_546 : i32
      %add3A_548 = arith.addi %mul3A_114, %mul3A_547 : i32
      "tpu.region"() ({
        %run_scoped3A = tpu.sem_alloc : memref<!tpu.dma_semaphore, #tpu.memory_space<semaphore_mem>>
        %dma_start3A_549 = arith.constant 0 : i32
        %dma_start3A_550 = tpu.memref_slice %arg6[%add3A_548, %dma_start3A_549] : memref<100000x32xf32, #tpu.memory_space<hbm>> -> memref<200x32xf32, #tpu.memory_space<hbm>>
        %dma_start3A_551 = arith.constant 0 : i32
        %dma_start3A_552 = tpu.memref_slice %arg7[%mul3A_545, %dma_start3A_551] : memref<50000x32xf32, #tpu.memory_space<vmem_shared>> -> memref<200x32xf32, #tpu.memory_space<vmem_shared>>
        tpu.enqueue_dma source(%dma_start3A_552 : memref<200x32xf32, #tpu.memory_space<vmem_shared>>) target(%dma_start3A_550 : memref<200x32xf32, #tpu.memory_space<hbm>>) target_semaphore(%run_scoped3A : memref<!tpu.dma_semaphore, #tpu.memory_space<semaphore_mem>>)
        %dma_wait3A_553 = arith.constant 0 : i32
        %dma_wait3A_554 = tpu.memref_slice %arg6[%add3A_548, %dma_wait3A_553] : memref<100000x32xf32, #tpu.memory_space<hbm>> -> memref<200x32xf32, #tpu.memory_space<hbm>>
        %dma_wait3A_555 = arith.constant 0 : i32
        %dma_wait3A_556 = tpu.memref_slice %arg7[%mul3A_545, %dma_wait3A_555] : memref<50000x32xf32, #tpu.memory_space<vmem_shared>> -> memref<200x32xf32, #tpu.memory_space<vmem_shared>>
        tpu.wait_dma2 semaphore(%run_scoped3A : memref<!tpu.dma_semaphore, #tpu.memory_space<semaphore_mem>>) src(%dma_wait3A_556 : memref<200x32xf32, #tpu.memory_space<vmem_shared>>) dst(%dma_wait3A_554 : memref<200x32xf32, #tpu.memory_space<hbm>>)
        tpu.yield
      }) : () -> ()
    } else {
    }
    %add3A_516 = arith.constant 192 : i32
    %add3A_517 = arith.addi %arg1, %add3A_516 : i32
    %lt3A_518 = arith.constant 250 : i32
    %lt3A_519 = arith.cmpi slt, %add3A_517, %lt3A_518 : i32
    %convert_element_type3A_520 = arith.extui %lt3A_519 : i1 to i32
    %cond3A_521 = arith.constant 0 : i32
    %cond3A_522 = arith.cmpi ne, %convert_element_type3A_520, %cond3A_521 : i32
    scf.if %cond3A_522 {
      %mul3A_544 = arith.constant 200 : i32
      %mul3A_545 = arith.muli %add3A_517, %mul3A_544 : i32
      %mul3A_546 = arith.constant 200 : i32
      %mul3A_547 = arith.muli %add3A_517, %mul3A_546 : i32
      %add3A_548 = arith.addi %mul3A_114, %mul3A_547 : i32
      "tpu.region"() ({
        %run_scoped3A = tpu.sem_alloc : memref<!tpu.dma_semaphore, #tpu.memory_space<semaphore_mem>>
        %dma_start3A_549 = arith.constant 0 : i32
        %dma_start3A_550 = tpu.memref_slice %arg6[%add3A_548, %dma_start3A_549] : memref<100000x32xf32, #tpu.memory_space<hbm>> -> memref<200x32xf32, #tpu.memory_space<hbm>>
        %dma_start3A_551 = arith.constant 0 : i32
        %dma_start3A_552 = tpu.memref_slice %arg7[%mul3A_545, %dma_start3A_551] : memref<50000x32xf32, #tpu.memory_space<vmem_shared>> -> memref<200x32xf32, #tpu.memory_space<vmem_shared>>
        tpu.enqueue_dma source(%dma_start3A_552 : memref<200x32xf32, #tpu.memory_space<vmem_shared>>) target(%dma_start3A_550 : memref<200x32xf32, #tpu.memory_space<hbm>>) target_semaphore(%run_scoped3A : memref<!tpu.dma_semaphore, #tpu.memory_space<semaphore_mem>>)
        %dma_wait3A_553 = arith.constant 0 : i32
        %dma_wait3A_554 = tpu.memref_slice %arg6[%add3A_548, %dma_wait3A_553] : memref<100000x32xf32, #tpu.memory_space<hbm>> -> memref<200x32xf32, #tpu.memory_space<hbm>>
        %dma_wait3A_555 = arith.constant 0 : i32
        %dma_wait3A_556 = tpu.memref_slice %arg7[%mul3A_545, %dma_wait3A_555] : memref<50000x32xf32, #tpu.memory_space<vmem_shared>> -> memref<200x32xf32, #tpu.memory_space<vmem_shared>>
        tpu.wait_dma2 semaphore(%run_scoped3A : memref<!tpu.dma_semaphore, #tpu.memory_space<semaphore_mem>>) src(%dma_wait3A_556 : memref<200x32xf32, #tpu.memory_space<vmem_shared>>) dst(%dma_wait3A_554 : memref<200x32xf32, #tpu.memory_space<hbm>>)
        tpu.yield
      }) : () -> ()
    } else {
    }
    %add3A_523 = arith.constant 208 : i32
    %add3A_524 = arith.addi %arg1, %add3A_523 : i32
    %lt3A_525 = arith.constant 250 : i32
    %lt3A_526 = arith.cmpi slt, %add3A_524, %lt3A_525 : i32
    %convert_element_type3A_527 = arith.extui %lt3A_526 : i1 to i32
    %cond3A_528 = arith.constant 0 : i32
    %cond3A_529 = arith.cmpi ne, %convert_element_type3A_527, %cond3A_528 : i32
    scf.if %cond3A_529 {
      %mul3A_544 = arith.constant 200 : i32
      %mul3A_545 = arith.muli %add3A_524, %mul3A_544 : i32
      %mul3A_546 = arith.constant 200 : i32
      %mul3A_547 = arith.muli %add3A_524, %mul3A_546 : i32
      %add3A_548 = arith.addi %mul3A_114, %mul3A_547 : i32
      "tpu.region"() ({
        %run_scoped3A = tpu.sem_alloc : memref<!tpu.dma_semaphore, #tpu.memory_space<semaphore_mem>>
        %dma_start3A_549 = arith.constant 0 : i32
        %dma_start3A_550 = tpu.memref_slice %arg6[%add3A_548, %dma_start3A_549] : memref<100000x32xf32, #tpu.memory_space<hbm>> -> memref<200x32xf32, #tpu.memory_space<hbm>>
        %dma_start3A_551 = arith.constant 0 : i32
        %dma_start3A_552 = tpu.memref_slice %arg7[%mul3A_545, %dma_start3A_551] : memref<50000x32xf32, #tpu.memory_space<vmem_shared>> -> memref<200x32xf32, #tpu.memory_space<vmem_shared>>
        tpu.enqueue_dma source(%dma_start3A_552 : memref<200x32xf32, #tpu.memory_space<vmem_shared>>) target(%dma_start3A_550 : memref<200x32xf32, #tpu.memory_space<hbm>>) target_semaphore(%run_scoped3A : memref<!tpu.dma_semaphore, #tpu.memory_space<semaphore_mem>>)
        %dma_wait3A_553 = arith.constant 0 : i32
        %dma_wait3A_554 = tpu.memref_slice %arg6[%add3A_548, %dma_wait3A_553] : memref<100000x32xf32, #tpu.memory_space<hbm>> -> memref<200x32xf32, #tpu.memory_space<hbm>>
        %dma_wait3A_555 = arith.constant 0 : i32
        %dma_wait3A_556 = tpu.memref_slice %arg7[%mul3A_545, %dma_wait3A_555] : memref<50000x32xf32, #tpu.memory_space<vmem_shared>> -> memref<200x32xf32, #tpu.memory_space<vmem_shared>>
        tpu.wait_dma2 semaphore(%run_scoped3A : memref<!tpu.dma_semaphore, #tpu.memory_space<semaphore_mem>>) src(%dma_wait3A_556 : memref<200x32xf32, #tpu.memory_space<vmem_shared>>) dst(%dma_wait3A_554 : memref<200x32xf32, #tpu.memory_space<hbm>>)
        tpu.yield
      }) : () -> ()
    } else {
    }
    %add3A_530 = arith.constant 224 : i32
    %add3A_531 = arith.addi %arg1, %add3A_530 : i32
    %lt3A_532 = arith.constant 250 : i32
    %lt3A_533 = arith.cmpi slt, %add3A_531, %lt3A_532 : i32
    %convert_element_type3A_534 = arith.extui %lt3A_533 : i1 to i32
    %cond3A_535 = arith.constant 0 : i32
    %cond3A_536 = arith.cmpi ne, %convert_element_type3A_534, %cond3A_535 : i32
    scf.if %cond3A_536 {
      %mul3A_544 = arith.constant 200 : i32
      %mul3A_545 = arith.muli %add3A_531, %mul3A_544 : i32
      %mul3A_546 = arith.constant 200 : i32
      %mul3A_547 = arith.muli %add3A_531, %mul3A_546 : i32
      %add3A_548 = arith.addi %mul3A_114, %mul3A_547 : i32
      "tpu.region"() ({
        %run_scoped3A = tpu.sem_alloc : memref<!tpu.dma_semaphore, #tpu.memory_space<semaphore_mem>>
        %dma_start3A_549 = arith.constant 0 : i32
        %dma_start3A_550 = tpu.memref_slice %arg6[%add3A_548, %dma_start3A_549] : memref<100000x32xf32, #tpu.memory_space<hbm>> -> memref<200x32xf32, #tpu.memory_space<hbm>>
        %dma_start3A_551 = arith.constant 0 : i32
        %dma_start3A_552 = tpu.memref_slice %arg7[%mul3A_545, %dma_start3A_551] : memref<50000x32xf32, #tpu.memory_space<vmem_shared>> -> memref<200x32xf32, #tpu.memory_space<vmem_shared>>
        tpu.enqueue_dma source(%dma_start3A_552 : memref<200x32xf32, #tpu.memory_space<vmem_shared>>) target(%dma_start3A_550 : memref<200x32xf32, #tpu.memory_space<hbm>>) target_semaphore(%run_scoped3A : memref<!tpu.dma_semaphore, #tpu.memory_space<semaphore_mem>>)
        %dma_wait3A_553 = arith.constant 0 : i32
        %dma_wait3A_554 = tpu.memref_slice %arg6[%add3A_548, %dma_wait3A_553] : memref<100000x32xf32, #tpu.memory_space<hbm>> -> memref<200x32xf32, #tpu.memory_space<hbm>>
        %dma_wait3A_555 = arith.constant 0 : i32
        %dma_wait3A_556 = tpu.memref_slice %arg7[%mul3A_545, %dma_wait3A_555] : memref<50000x32xf32, #tpu.memory_space<vmem_shared>> -> memref<200x32xf32, #tpu.memory_space<vmem_shared>>
        tpu.wait_dma2 semaphore(%run_scoped3A : memref<!tpu.dma_semaphore, #tpu.memory_space<semaphore_mem>>) src(%dma_wait3A_556 : memref<200x32xf32, #tpu.memory_space<vmem_shared>>) dst(%dma_wait3A_554 : memref<200x32xf32, #tpu.memory_space<hbm>>)
        tpu.yield
      }) : () -> ()
    } else {
    }
    %add3A_537 = arith.constant 240 : i32
    %add3A_538 = arith.addi %arg1, %add3A_537 : i32
    %lt3A_539 = arith.constant 250 : i32
    %lt3A_540 = arith.cmpi slt, %add3A_538, %lt3A_539 : i32
    %convert_element_type3A_541 = arith.extui %lt3A_540 : i1 to i32
    %cond3A_542 = arith.constant 0 : i32
    %cond3A_543 = arith.cmpi ne, %convert_element_type3A_541, %cond3A_542 : i32
    scf.if %cond3A_543 {
      %mul3A_544 = arith.constant 200 : i32
      %mul3A_545 = arith.muli %add3A_538, %mul3A_544 : i32
      %mul3A_546 = arith.constant 200 : i32
      %mul3A_547 = arith.muli %add3A_538, %mul3A_546 : i32
      %add3A_548 = arith.addi %mul3A_114, %mul3A_547 : i32
      "tpu.region"() ({
        %run_scoped3A = tpu.sem_alloc : memref<!tpu.dma_semaphore, #tpu.memory_space<semaphore_mem>>
        %dma_start3A_549 = arith.constant 0 : i32
        %dma_start3A_550 = tpu.memref_slice %arg6[%add3A_548, %dma_start3A_549] : memref<100000x32xf32, #tpu.memory_space<hbm>> -> memref<200x32xf32, #tpu.memory_space<hbm>>
        %dma_start3A_551 = arith.constant 0 : i32
        %dma_start3A_552 = tpu.memref_slice %arg7[%mul3A_545, %dma_start3A_551] : memref<50000x32xf32, #tpu.memory_space<vmem_shared>> -> memref<200x32xf32, #tpu.memory_space<vmem_shared>>
        tpu.enqueue_dma source(%dma_start3A_552 : memref<200x32xf32, #tpu.memory_space<vmem_shared>>) target(%dma_start3A_550 : memref<200x32xf32, #tpu.memory_space<hbm>>) target_semaphore(%run_scoped3A : memref<!tpu.dma_semaphore, #tpu.memory_space<semaphore_mem>>)
        %dma_wait3A_553 = arith.constant 0 : i32
        %dma_wait3A_554 = tpu.memref_slice %arg6[%add3A_548, %dma_wait3A_553] : memref<100000x32xf32, #tpu.memory_space<hbm>> -> memref<200x32xf32, #tpu.memory_space<hbm>>
        %dma_wait3A_555 = arith.constant 0 : i32
        %dma_wait3A_556 = tpu.memref_slice %arg7[%mul3A_545, %dma_wait3A_555] : memref<50000x32xf32, #tpu.memory_space<vmem_shared>> -> memref<200x32xf32, #tpu.memory_space<vmem_shared>>
        tpu.wait_dma2 semaphore(%run_scoped3A : memref<!tpu.dma_semaphore, #tpu.memory_space<semaphore_mem>>) src(%dma_wait3A_556 : memref<200x32xf32, #tpu.memory_space<vmem_shared>>) dst(%dma_wait3A_554 : memref<200x32xf32, #tpu.memory_space<hbm>>)
        tpu.yield
      }) : () -> ()
    } else {
    }
    return
  }
}

</mosaic_0001>

<sc_bundles>
// kernel: _spmm.3.cloned.1.call-start
scs
__scs_entry_jumppad:
0x0: {  	(pc) =	sbr.rel $0x88, $3  }
0x1: {  	(tag) =	ssettag $0x0;
	lr =	simm.s32 $0x1  }
0x2: {  	[smem:$0x3F9D] =	sst lr;
	_ =	strace $0xD0000000  }
0x3: {  	_ = 	snop  }
0x4: {  	_ = 	snop  }
0x5: {  	_ = 	snop  }
0x6: {  	_ = 	snop  }
0x7: {  	_ = 	snop  }
__scs_overlays_trampoline_lowered:
0x8: {  	[smem:$0x3FAC] =	sst s0  }
0x9: {  	[smem:$0x3FAD] =	sst s1  }
0xa: {  	[smem:$0x3FAE] =	sst s2  }
0xb: {  	[smem:$0x3FAF] =	sst s3  }
0xc: {  	[smem:$0x3FB0] =	sst s4  }
0xd: {  	[smem:$0x3FB1] =	sst s5  }
0xe: {  	[smem:$0x3FB2] =	sst s6  }
0xf: {  	[smem:$0x3FB3] =	sst s7  }
0x10: {  	[smem:$0x3FB4] =	sst s8  }
0x11: {  	[smem:$0x3FB5] =	sst s9;
	s0 =	simm.s32 @!p0 $0x0  }
0x12: {  	s1 =	sld [smem:$0x3F9B];
	s0 =	simm.s32 @p0 $0x1  }
0x13: {  	[smem:$0x3FB6] =	sst s0;
	s0 =	simm.s32 @!p1 $0x0  }
0x14: {  	s2 =	sld [smem:$0x3F9A];
	s0 =	simm.s32 @p1 $0x1  }
0x15: {  	[smem:$0x3FB7] =	sst s0;
	s0 =	simm.s32 @!p2 $0x0  }
0x16: {  	s3 =	sld [smem:$0x3FDB];
	s0 =	simm.s32 @p2 $0x1  }
0x17: {  	s4 =	simm.s32 $0x1BF5;
	[smem:$0x3FB9] =	sst s0  }
0x18: {  	s0 =	sld [smem:$0x3F9C];
	_ =	swait.ge [sflag:s4], $0x0  }
0x19: {  	s7 =	sld [smem:$0x3F9D]  }
0x1a: {  	s8 =	sadd.s32 $0xFFFFE003, lr  }
0x1b: {  	s9 =	sadd.s32 $0xFFFFFEF7, lr;
	s5 =	simm.s32 $0xFFFFFFFF;
	p2 =	slt.u32 s8, $0xFFFFF086  }
0x1c: {  	p1 =	slt.u32 s9, $0xF7A;
	s5 =	simm.s32 @!p2 $0x0  }
0x1d: {  	s5 =	simm.s32 @p1 $0x1;
	p0 =	seq.s32 s7, s2  }
0x1e: {  	s7 =	smul.u32 @!p0 $0xF7A, s2;
	p2 =	seq.s32 @!p0 s5, $0x0  }
0x1f: {  	s9 =	smul.u32 $0xF7A, s1;
	s8 =	simm.s32 @!p0 $0x1BF5;
	p2 =	por !p2, p0  }
0x20: {  	[sflag:s8] =	ssyncset.s32 @!p0 $0xFFFFF086;
	s6 =	sadd.s32 @!p0 s3, s7;
	s7 =	simm.s32 @!p0 $0x108  }
0x21: {  	s3 =	sadd.s32 s3, s9;
	s6 =	sadd.s32 @!p0 $0x88, s6;
	s7 =	simm.s32 @p2 $0x1082  }
0x22: {  	[simem:s7], [sflag:s8] =	dma.local @!p0 [hbm:s6], $0xF7A  }
0x23: {  	s9 =	sor.u32 $0xD0000000, s2;
	s6 =	simm.s32 $0x108;
	_ =	swait.ge @!p0 [sflag:s8], $0x0  }
0x24: {  	s3 =	sadd.s32 $0x88, s3;
	s6 =	simm.s32 @!p1 $0x1082;
	[sflag:s4] =	ssyncset.s32 $0xFFFFF086  }
0x25: {  	[simem:s6], [sflag:s4] =	dma.local [hbm:s3], $0xF7A  }
0x26: {  	[smem:$0x3F9D] =	sst s1;
	(tag) =	ssettag s2;
	_ =	strace s9  }
0x27: {  	s1 =	sld [smem:$0x3FAD]  }
0x28: {  	s2 =	sld [smem:$0x3FAE]  }
0x29: {  	s4 =	sld [smem:$0x3FB0]  }
0x2a: {  	p0 =	seq.s32 s5, $0x0;
	s5 =	sld [smem:$0x3FB1]  }
0x2b: {  	s6 =	sld [smem:$0x3FB2]  }
0x2c: {  	s7 =	sld [smem:$0x3FB3]  }
0x2d: {  	s3 =	simm.s32 $0x108;
	s8 =	sld [smem:$0x3FB4]  }
0x2e: {  	s3 =	simm.s32 @!p0 $0x1082;
	s9 =	sld [smem:$0x3FB5]  }
0x2f: {  	lr =	sadd.s32 s0, s3;
	s0 =	sld [smem:$0x3FAC]  }
0x30: {  	s3 =	sld [smem:$0x3FAF]  }
0x31: {  	[smem:$0x3FB8] =	sst s10  }
0x32: {  	s10 =	sld [smem:$0x3FB6];
	_ =	sdelay $0x3  }
0x33: {  	p0 =	seq.s32 s10, $0x1;
	s10 =	sld [smem:$0x3FB8];
	_ =	sdelay $0x3  }
0x34: {  	[smem:$0x3FB8] =	sst s10  }
0x35: {  	s10 =	sld [smem:$0x3FB7];
	_ =	sdelay $0x3  }
0x36: {  	p1 =	seq.s32 s10, $0x1;
	s10 =	sld [smem:$0x3FB8];
	_ =	sdelay $0x3  }
0x37: {  	[smem:$0x3FB8] =	sst s10  }
0x38: {  	s10 =	sld [smem:$0x3FB9]  }
0x39: {  	_ = 	snop;
	(pc) =	sbr.ind lr, $3  }
0x3a: {  	_ = 	snop  }
0x3b: {  	_ = 	snop  }
0x3c: {  	p2 =	seq.s32 s10, $0x1;
	s10 =	sld [smem:$0x3FB8]  }
0x3d: {  	_ =	shalt  }
0x3e: {  	_ =	shalt  }
0x3f: {  	_ =	shalt  }
0x40: {  	_ =	shalt  }
0x41: {  	_ =	shalt  }
0x42: {  	_ =	shalt  }
0x43: {  	_ =	shalt  }
0x44: {  	_ =	shalt  }
0x45: {  	_ =	shalt  }
0x46: {  	_ =	shalt  }
0x47: {  	_ =	shalt  }
0x48: {  	_ =	shalt  }
0x49: {  	_ =	shalt  }
0x4a: {  	_ =	shalt  }
0x4b: {  	_ =	shalt  }
0x4c: {  	_ =	shalt  }
0x4d: {  	_ =	shalt  }
0x4e: {  	_ =	shalt  }
0x4f: {  	_ =	shalt  }
0x50: {  	_ =	shalt  }
0x51: {  	_ =	shalt  }
0x52: {  	_ =	shalt  }
0x53: {  	_ =	shalt  }
0x54: {  	_ =	shalt  }
0x55: {  	_ =	shalt  }
0x56: {  	_ =	shalt  }
0x57: {  	_ =	shalt  }
0x58: {  	_ =	shalt  }
0x59: {  	_ =	shalt  }
0x5a: {  	_ =	shalt  }
0x5b: {  	_ =	shalt  }
0x5c: {  	_ =	shalt  }
0x5d: {  	_ =	shalt  }
0x5e: {  	_ =	shalt  }
0x5f: {  	_ =	shalt  }
0x60: {  	_ =	shalt  }
0x61: {  	_ =	shalt  }
0x62: {  	_ =	shalt  }
0x63: {  	_ =	shalt  }
0x64: {  	_ =	shalt  }
0x65: {  	_ =	shalt  }
0x66: {  	_ =	shalt  }
0x67: {  	_ =	shalt  }
0x68: {  	_ =	shalt  }
0x69: {  	_ =	shalt  }
0x6a: {  	_ =	shalt  }
0x6b: {  	_ =	shalt  }
0x6c: {  	_ =	shalt  }
0x6d: {  	_ =	shalt  }
0x6e: {  	_ =	shalt  }
0x6f: {  	_ =	shalt  }
0x70: {  	_ =	shalt  }
0x71: {  	_ =	shalt  }
0x72: {  	_ =	shalt  }
0x73: {  	_ =	shalt  }
0x74: {  	_ =	shalt  }
0x75: {  	_ =	shalt  }
0x76: {  	_ =	shalt  }
0x77: {  	_ =	shalt  }
0x78: {  	_ =	shalt  }
0x79: {  	_ =	shalt  }
0x7a: {  	_ =	shalt  }
0x7b: {  	_ =	shalt  }
0x7c: {  	_ =	shalt  }
0x7d: {  	_ =	shalt  }
0x7e: {  	_ =	shalt  }
0x7f: {  	_ =	shalt  }
0x80: {  	_ =	shalt  }
0x81: {  	_ =	shalt  }
0x82: {  	_ =	shalt  }
0x83: {  	_ =	shalt  }
0x84: {  	_ =	shalt  }
0x85: {  	_ =	shalt  }
0x86: {  	_ =	shalt  }
0x87: {  	_ =	shalt  }
.Lfunc_end0:
.L_simem_size_0:
called_computation_lowered:
.L_overlay_start_0:
0x88: {  	s2 =	sld [smem:$0x3FD9]  }
0x89: {  	s3 =	sld [smem:$0x3FFE];
	_ =	sdelay $0x1  }
0x8a: {  	s1 =	srdreg.scid  }
0x8b: {  	s0 =	sand.u32 $0x1, s1  }
0x8c: {  	s17 =	sshll.u32 s0, $0xA;
	s2 =	sadd.s32 s3, s2  }
0x8d: {  	s2 =	sadd.s32 s2, s17  }
0x8e: {  	[smem:$0x3FC4] =	sst s2  }
0x8f: {  	_ = 	snop  }
0x90: {  	s2 =	sld [smem:$0x3FC9]  }
0x91: {  	s18 =	sld [smem:$0x3FC8]  }
0x92: {  	s4 =	sld [smem:$0x3FC7]  }
0x93: {  	s5 =	sld [smem:$0x3FD0];
	(tm) =	ssettm $0x1  }
0x94: {  	s6 =	sld [smem:$0x3FFB];
	_ =	sdelay $0x3  }
0x95: {  	_ =	strace s6  }
0x96: {  	s6 =	sld [smem:$0x3FFC];
	_ =	sdelay $0x3  }
0x97: {  	_ =	strace s6  }
0x98: {  	s6 =	sld [smem:$0x3FFD];
	_ =	sdelay $0x3  }
0x99: {  	_ =	strace s6  }
0x9a: {  	_ =	strace $0x8FFFFFFF  }
0x9b: {  	s19 =	sld [smem:$0x3FDB];
	_ =	sdelay $0x1  }
0x9c: {  	s7 =	simm.s32 $_scs_section_size  }
0x9d: {  	s8 =	simm.s32 $_size__tile_overlayer_lowered;
	s9 =	simm.s32 $_tile_overlayer_lowered  }
0x9e: {  	s22 =	simm.s32 $0x1BFF;
	s21 =	sshll.u32 s9, $0x1;
	s6 =	sadd.s32 s7, s19  }
0x9f: {  	s10 =	simm.s32 $0x0;
	s20 =	sshll.u32 s8, $0x1;
	s8 =	sadd.s32 s21, s6  }
0xa0: {  	[timem:s10], [sflag:s22] =	dma.local [hbm:s8], s20  }
0xa1: {  	_ =	swait.ge [sflag:s22], s20  }
0xa2: {  	s7 =	ssub.s32 $0x0, s20;
	[sflag:s22] =	ssyncset.done $0x0  }
0xa3: {  	[sflag:s22] =	ssyncadd.s32 s7;
	_ =	sdelay $0x1  }
0xa4: {  	s23 =	simm.s32 $0x1B8B  }
0xa5: {  	_ =	swait.ge [sflag:s23], $0x1  }
0xa6: {  	[sflag:s23] =	ssyncset.done $0x0  }
0xa7: {  	s25 =	simm.s32 $0x1B8E;
	s24 =	sld [smem:$0x3FFE];
	[sflag:s23] =	ssyncadd.s32 $0xFFFFFFFF  }
0xa8: {  	s26 =	simm.s32 $execute0_lowered;
	[smem:$0x3FD2] =	sst s25  }
0xa9: {  	s8 =	sshll.u32 s26, $0x1;
	_ =	strace $0x80000046;
	[dreg:$0x1] =	wrdreg $0xFFFFFFFF  }
0xaa: {  	s28 =	simm.s32 $_size_execute0_lowered;
	s6 =	sadd.s32 s6, s8;
	[dreg:$0x0] =	wrdreg $0x0  }
0xab: {  	s8 =	sshll.u32 s28, $0x1;
	[dreg:$0x2] =	wrdreg s6  }
0xac: {  	[dreg:$0x3] =	wrdreg s8  }
0xad: {  	[dreg:$0x4] =	wrdreg $0xC0  }
0xae: {  	_ =	task [dreg:s10], $0x5FFFF  }
0xaf: {  	[dreg:$0x1] =	wrdreg $0xFFFFFFFF  }
0xb0: {  	[dreg:$0x0] =	wrdreg $0x60  }
0xb1: {  	[dreg:$0x2] =	wrdreg s2  }
0xb2: {  	[dreg:$0x3] =	wrdreg s18  }
0xb3: {  	[dreg:$0x4] =	wrdreg s4  }
0xb4: {  	[dreg:$0x5] =	wrdreg s5  }
0xb5: {  	[dreg:$0x6] =	wrdreg s24  }
0xb6: {  	[dreg:$0x7] =	wrdreg $0x0  }
0xb7: {  	[dreg:$0x8] =	wrdreg $0x9  }
0xb8: {  	_ =	task.clear_ibuf [dreg:s10], $0x9FFFF;
	_ =	strace $0x90000046  }
0xb9: {  	s29 =	simm.s32 $0x9;
	_ =	strace $0x80000048  }
0xba: {  	_ =	swait.ge [sflag:s29], $0x1  }
0xbb: {  	[sflag:s29] =	ssyncadd.s32 $0xFFFFFFFF  }
0xbc: {  	_ =	strace $0x90000048  }
0xbd: {  	_ =	sfence  }
0xbe: {  	s30 =	sld [smem:$0x0];
	_ =	sdelay $0x2  }
0xbf: {  	s31 =	sshll.u32 s1, $0xD;
	s1 =	sshrl.u32 s1, $0x2  }
0xc0: {  	s3 =	sand.u32 $0x4000, s31;
	s1 =	sadd.s32 s1, s30  }
0xc1: {  	s0 =	sor.u32 s3, s0;
	s1 =	sshll.u32 s1, $0x11  }
0xc2: {  	s0 =	sor.u32 s1, s0  }
0xc3: {  	s0 =	sadd.s32 $0x8F2B, s0  }
0xc4: {  	[sflag:s0] =	ssyncadd.remote.s32 $0x1  }
0xc5: {  	_ =	sfence.sel $0xFFFF  }
0xc6: {  	[dreg:$0x0] =	wrdreg $0xFFFFFFFF;
	(pc) =	sbr.abs _section_cstart, $3  }
0xc7: {  	[dreg:$0x1] =	wrdreg $0xFFFFFFFF  }
0xc8: {  	_ =	task.clear_ibuf [dreg:s10], $0x2FFFF;
	_ =	strace $0x9FFFFFFF  }
0xc9: {  	(tm) =	ssettm $0x7FFFFFFF  }
tec
execute0_lowered:
.L_overlay_start_1:
0x0: {  	(tag) =	ssettag $0x1  }
0x1: {  	s2 =	rddreg [dreg:$0x4];
	s26 =	stileid.u32  }
0x2: {  	s0 =	srdreg.scid;
	s4 =	sor.u32 $0x10, s26;
	s15 =	smul.u32 $0xC8, s26  }
0x3: {  	s3 =	sand.u32 $0x1, s0;
	s14 =	sor.u32 $0x20, s26;
	s0 =	smul.u32 $0x6400, s4  }
0x4: {  	s11 =	sadd.s32 $0x400, s2;
	s2 =	smul.u32 $0x6400, s14  }
0x5: {  	s10 =	smul.u32 $0xC350, s3  }
0x6: {  	s16 =	smul.u32 $0xC8, s4  }
0x7: {  	s13 =	sor.u32 $0x30, s26;
	s14 =	smul.u32 $0xC8, s14  }
0x8: {  	s12 =	sor.u32 $0x40, s26;
	s20 =	smul.u32 $0xC8, s13  }
0x9: {  	s1 =	simm.s32 $0x0;
	s8 =	sor.u32 $0x50, s26;
	s17 =	smul.u32 $0xC8, s12  }
0xa: {  	[smem:$0x7FF] =	sst s1;
	s7 =	sor.u32 $0x60, s26;
	s18 =	smul.u32 $0xC8, s8  }
0xb: {  	p0 =	sgt.u32 s26, $0x9;
	s5 =	ssub.s32 $0x2, s3;
	s24 =	smul.u32 $0xC8, s7  }
0xc: {  	s3 =	sor.u32 $0x90, s26;
	s12 =	smul.u32 $0x6400, s12;
	s6 =	sshrl.u32 s5, $0x1  }
0xd: {  	s4 =	sor.u32 $0xA0, s26;
	s8 =	smul.u32 $0x6400, s8;
	s9 =	ssub.s32 s5, s6  }
0xe: {  	s6 =	sor.u32 $0x70, s26;
	s5 =	sor.u32 $0x80, s26;
	s15 =	sadd.s32 s15, s10  }
0xf: {  	s19 =	sadd.s32 s10, s16;
	s14 =	sadd.s32 s10, s14;
	s16 =	sadd.s32 s10, s20  }
0x10: {  	s22 =	sadd.s32 s10, s17;
	s23 =	sadd.s32 s10, s18;
	s17 =	sadd.s32 s10, s24  }
0x11: {  	s0 =	sshrl.u32 s0, $0x2;
	s15 =	sshll.u32 s15, $0x2;
	s25 =	smul.u32 $0xC8, s6  }
0x12: {  	s14 =	sshll.u32 s14, $0x2;
	s21 =	sshll.u32 s16, $0x2;
	s20 =	smul.u32 $0xC8, s5  }
0x13: {  	s16 =	sshll.u32 s23, $0x2;
	s6 =	smul.u32 $0x6400, s6;
	s15 =	sadd.s32 s11, s15  }
0x14: {  	s5 =	smul.u32 $0x6400, s5;
	s14 =	sadd.s32 s11, s14;
	[dreg:$0x7] =	wrdreg s15  }
0x15: {  	s16 =	sadd.s32 s11, s16;
	s15 =	sshll.u32 s19, $0x2;
	[dreg:$0x9] =	wrdreg s14  }
0x16: {  	s14 =	sadd.s32 s11, s21;
	[dreg:$0xc] =	wrdreg s16;
	s19 =	sadd.s32 s10, s25  }
0x17: {  	s21 =	smul.u32 $0xC8, s3;
	s23 =	sadd.s32 s10, s20;
	s16 =	rddreg [dreg:$0x1]  }
0x18: {  	s25 =	smul.u32 $0xC8, s4;
	s15 =	sadd.s32 s11, s15;
	[dreg:$0xa] =	wrdreg s14  }
0x19: {  	s14 =	sshll.u32 s17, $0x2;
	s17 =	sor.u32 $0xB0, s26;
	[dreg:$0x8] =	wrdreg s15  }
0x1a: {  	s15 =	sshll.u32 s22, $0x2;
	s14 =	sadd.s32 s11, s14;
	s24 =	sadd.s32 s10, s21  }
0x1b: {  	s20 =	sadd.s32 s10, s25;
	s21 =	smul.u32 $0xC8, s17;
	s15 =	sadd.s32 s11, s15  }
0x1c: {  	[dreg:$0xd] =	wrdreg s14;
	s14 =	sshll.u32 s23, $0x2;
	s18 =	sshll.u32 s24, $0x2  }
0x1d: {  	[dreg:$0xb] =	wrdreg s15;
	s15 =	sshll.u32 s19, $0x2;
	s14 =	sadd.s32 s11, s14  }
0x1e: {  	s19 =	sor.u32 $0xC0, s26;
	s22 =	sadd.s32 s11, s15;
	[dreg:$0xf] =	wrdreg s14  }
0x1f: {  	s14 =	sadd.s32 s11, s18;
	s23 =	smul.u32 $0xC8, s19;
	[dreg:$0xe] =	wrdreg s22  }
0x20: {  	s24 =	sadd.s32 s10, s21;
	[dreg:$0x10] =	wrdreg s14;
	s22 =	sshll.u32 s20, $0x2  }
0x21: {  	s20 =	sor.u32 $0xD0, s26;
	s14 =	sadd.s32 s11, s22;
	s15 =	sadd.s32 s10, s23  }
0x22: {  	s25 =	smul.u32 $0xC8, s20;
	[dreg:$0x11] =	wrdreg s14;
	s14 =	sshll.u32 s24, $0x2  }
0x23: {  	s23 =	sor.u32 $0xE0, s26;
	s15 =	sshll.u32 s15, $0x2;
	s14 =	sadd.s32 s11, s14  }
0x24: {  	s21 =	smul.u32 $0xC8, s23;
	s24 =	sor.u32 $0xF0, s26;
	[dreg:$0x12] =	wrdreg s14  }
0x25: {  	s18 =	sadd.s32 s10, s25;
	s14 =	sadd.s32 s11, s15;
	s15 =	rddreg [dreg:$0x0]  }
0x26: {  	s22 =	sadd.s32 s10, s21;
	s21 =	smul.u32 $0xC8, s24;
	[dreg:$0x13] =	wrdreg s14  }
0x27: {  	s14 =	sshll.u32 s18, $0x2;
	s25 =	sshll.u32 s22, $0x2;
	s18 =	rddreg [dreg:$0x2]  }
0x28: {  	s14 =	sadd.s32 s11, s14;
	s22 =	sadd.s32 s10, s21;
	s21 =	rddreg [dreg:$0x3]  }
0x29: {  	s3 =	smul.u32 $0x6400, s3;
	[dreg:$0x14] =	wrdreg s14;
	s14 =	sadd.s32 s11, s25  }
0x2a: {  	s4 =	smul.u32 $0x6400, s4;
	[dreg:$0x15] =	wrdreg s14;
	s14 =	sshll.u32 s22, $0x2  }
0x2b: {  	v0 =	vmov s10;
	s10 =	simm.s32 $0x1;
	s22 =	rddreg [dreg:$0x5];
	s11 =	sadd.s32 s11, s14  }
0x2c: {  	s28 =	sadd.s32 s0, s22;
	s14 =	sshrl.u32 s2, $0x2;
	s2 =	smul.u32 $0x6400, s7  }
0x2d: {  	s7 =	sshrl.u32 s8, $0x2;
	[dreg:$0x16] =	wrdreg s11;
	s11 =	smul.u32 $0x6400, s13  }
0x2e: {  	s29 =	sadd.s32 s14, s22;
	s14 =	sshrl.u32 s12, $0x2;
	s0 =	sadd.s32 s7, s22  }
0x2f: {  	s12 =	smul.u32 $0x6400, s17;
	s17 =	sshrl.u32 s3, $0x2;
	s3 =	sshrl.u32 s4, $0x2  }
0x30: {  	s4 =	smul.u32 $0x6400, s23;
	_ =	strace $0x80000047;
	s31 =	sadd.s32 s14, s22  }
0x31: {  	[dreg:$0x17] =	wrdreg s0;
	s8 =	sshrl.u32 s2, $0x2;
	s14 =	smul.u32 $0x6400, s19  }
0x32: {  	s2 =	smul.u32 $0x6400, s20;
	s20 =	sadd.s32 s17, s22;
	s13 =	sshrl.u32 s11, $0x2  }
0x33: {  	s0 =	sadd.s32 s8, s22;
	s11 =	sshrl.u32 s6, $0x2;
	s30 =	sadd.s32 s13, s22  }
0x34: {  	[dreg:$0x18] =	wrdreg s0;
	s0 =	sadd.s32 s11, s22;
	s13 =	sshrl.u32 s5, $0x2  }
0x35: {  	s11 =	sshrl.u32 s12, $0x2;
	s5 =	sshrl.u32 s14, $0x2;
	s14 =	sshrl.u32 s2, $0x2  }
0x36: {  	s12 =	smul.u32 $0xC350, s26;
	[dreg:$0x19] =	wrdreg s0;
	s0 =	sadd.s32 s3, s22  }
0x37: {  	s2 =	sshrl.u32 s4, $0x2;
	s17 =	sadd.s32 s5, s22;
	[dreg:$0x1a] =	wrdreg s0  }
0x38: {  	s19 =	sadd.s32 s13, s22;
	s23 =	sadd.s32 s14, s22;
	[dreg:$0x1c] =	wrdreg s17  }
0x39: {  	s13 =	smul.u32 $0x6400, s24;
	s24 =	sadd.s32 s11, s22;
	[dreg:$0x1d] =	wrdreg s23  }
0x3a: {  	s25 =	smul.u32 $0x6400, s26;
	s0 =	sadd.s32 s2, s22;
	[dreg:$0x1b] =	wrdreg s24  }
0x3b: {  	s4 =	sshrl.u32 s12, $0x3;
	s23 =	smax.u32 s9, $0x1;
	[dreg:$0x1e] =	wrdreg s0  }
0x3c: {  	s25 =	sshrl.u32 s25, $0x2;
	s6 =	sadd.s32 s16, s4;
	[smem:$0x7FD] =	sst s23  }
0x3d: {  	s25 =	sadd.s32 s25, s22;
	s7 =	sadd.s32 s18, s4;
	[smem:$0x7F7] =	sst s6  }
0x3e: {  	v1 =	vimm.f32 $0.0e+00;
	v2 =	vimm.s32 $0x0;
	s3 =	sshrl.u32 s13, $0x2;
	s8 =	sadd.s32 s15, s4;
	[smem:$0x7F8] =	sst s7  }
0x3f: {  	v3 =	vimm.s32 $0x1;
	v4 =	vimm.s32 $0x2;
	v5 =	vimm.s32 $0x3;
	s13 =	sadd.s32 $0xFA, s4;
	s5 =	sadd.s32 s3, s22;
	[smem:$0x7F9] =	sst s8  }
0x40: {  	v6 =	vimm.s32 $0x4;
	v7 =	vimm.s32 $0x5;
	v8 =	vimm.s32 $0x6;
	s11 =	simm.s32 $0x28;
	s14 =	sadd.s32 s16, s13;
	[dreg:$0x1f] =	wrdreg s5  }
0x41: {  	v9 =	vimm.s32 $0x7;
	v10 =	vimm.s32 $0x8;
	v11 =	vimm.s32 $0x9;
	s9 =	simm.s32 $0xF;
	s17 =	sadd.s32 s18, s13;
	[smem:$0x7FA] =	sst s14  }
0x42: {  	v12 =	vimm.s32 $0xA;
	v13 =	vimm.s32 $0xB;
	v14 =	vimm.s32 $0xC;
	s23 =	simm.s32 $0x1E000;
	s0 =	sadd.s32 s15, s13;
	[smem:$0x7FB] =	sst s17  }
0x43: {  	v15 =	vimm.s32 $0xD;
	v16 =	vimm.s32 $0xE;
	v17 =	vimm.s32 $0xF;
	[smem:$0x7FC] =	sst s0;
	s17 =	sadd.s32 $0xFA0, s12;
	s12 =	simm.s32 $0x50  }
.LBB2_1:
0x44: {  	s0 =	simm.s32 $0x80;
	s13 =	simm.s32 $0x0  }
.LBB2_2:
0x45: {  	p1 =	sne.s32 s0, $0x6380;
	[tilespmem:s13+$0x1E000] =	vst v1;
	s14 =	smov.u32 s0;
	s0 =	sadd.s32 $0x80, s0  }
.Ltmp0:
0x46: {  	[tilespmem:s13+$0x1E010] =	vst v1;
	(pc) =	sbr.rel @p1 .LBB2_2-.Ltmp0, $2  }
0x47: {  	_ =	sdelay $0x2  }
0x48: {  	s13 =	sshra.s32 s14, $0x2  }
0x49: {  	[tilespmem:s13+$0x1E000] =	vst v1  }
0x4a: {  	[tilespmem:s13+$0x1E010] =	vst v1  }
0x4b: {  	[spmem:s25] =	stream.linear.scatter [tilespmem:s23], [sflag:$0xF], $0x1900, $0x38;
	[tilespmem:$0x1F900] =	vst v63  }
0x4c: {  	_ =	swait.ge [sflag:s9], $0x1900  }
0x4d: {  	[sflag:s9] =	ssyncset.done $0x0  }
0x4e: {  	[sflag:s9] =	ssyncadd.s32 $0xFFFFE700  }
0x4f: {  	[spmem:s28] =	stream.linear.scatter [tilespmem:s23], [sflag:$0xF], $0x1900, $0x38;
	[tilespmem:$0x1F900] =	vst v63  }
0x50: {  	_ =	swait.ge [sflag:s9], $0x1900  }
0x51: {  	[sflag:s9] =	ssyncset.done $0x0  }
0x52: {  	[sflag:s9] =	ssyncadd.s32 $0xFFFFE700  }
0x53: {  	[spmem:s29] =	stream.linear.scatter [tilespmem:s23], [sflag:$0xF], $0x1900, $0x38;
	[tilespmem:$0x1F900] =	vst v63  }
0x54: {  	_ =	swait.ge [sflag:s9], $0x1900  }
0x55: {  	[sflag:s9] =	ssyncset.done $0x0  }
0x56: {  	[sflag:s9] =	ssyncadd.s32 $0xFFFFE700  }
0x57: {  	[spmem:s30] =	stream.linear.scatter [tilespmem:s23], [sflag:$0xF], $0x1900, $0x38;
	[tilespmem:$0x1F900] =	vst v63  }
0x58: {  	_ =	swait.ge [sflag:s9], $0x1900  }
0x59: {  	[sflag:s9] =	ssyncset.done $0x0  }
0x5a: {  	[sflag:s9] =	ssyncadd.s32 $0xFFFFE700  }
0x5b: {  	[spmem:s31] =	stream.linear.scatter [tilespmem:s23], [sflag:$0xF], $0x1900, $0x38;
	[tilespmem:$0x1F900] =	vst v63  }
0x5c: {  	_ =	swait.ge [sflag:s9], $0x1900  }
0x5d: {  	[sflag:s9] =	ssyncset.done $0x0  }
0x5e: {  	s0 =	rddreg [dreg:$0x17];
	[sflag:s9] =	ssyncadd.s32 $0xFFFFE700  }
0x5f: {  	[spmem:s0] =	stream.linear.scatter [tilespmem:s23], [sflag:$0xF], $0x1900, $0x38;
	[tilespmem:$0x1F900] =	vst v63  }
0x60: {  	_ =	swait.ge [sflag:s9], $0x1900  }
0x61: {  	[sflag:s9] =	ssyncset.done $0x0  }
0x62: {  	s13 =	rddreg [dreg:$0x18];
	[sflag:s9] =	ssyncadd.s32 $0xFFFFE700  }
0x63: {  	[spmem:s13] =	stream.linear.scatter [tilespmem:s23], [sflag:$0xF], $0x1900, $0x38;
	[tilespmem:$0x1F900] =	vst v63  }
0x64: {  	_ =	swait.ge [sflag:s9], $0x1900  }
0x65: {  	[sflag:s9] =	ssyncset.done $0x0  }
0x66: {  	s14 =	rddreg [dreg:$0x19];
	[sflag:s9] =	ssyncadd.s32 $0xFFFFE700  }
0x67: {  	[spmem:s14] =	stream.linear.scatter [tilespmem:s23], [sflag:$0xF], $0x1900, $0x38;
	[tilespmem:$0x1F900] =	vst v63  }
0x68: {  	_ =	swait.ge [sflag:s9], $0x1900  }
0x69: {  	[sflag:s9] =	ssyncset.done $0x0  }
0x6a: {  	[sflag:s9] =	ssyncadd.s32 $0xFFFFE700  }
0x6b: {  	[spmem:s19] =	stream.linear.scatter [tilespmem:s23], [sflag:$0xF], $0x1900, $0x38;
	[tilespmem:$0x1F900] =	vst v63  }
0x6c: {  	_ =	swait.ge [sflag:s9], $0x1900  }
0x6d: {  	[sflag:s9] =	ssyncset.done $0x0  }
0x6e: {  	[sflag:s9] =	ssyncadd.s32 $0xFFFFE700  }
0x6f: {  	[spmem:s20] =	stream.linear.scatter [tilespmem:s23], [sflag:$0xF], $0x1900, $0x38;
	[tilespmem:$0x1F900] =	vst v63  }
0x70: {  	_ =	swait.ge [sflag:s9], $0x1900  }
0x71: {  	[sflag:s9] =	ssyncset.done $0x0  }
0x72: {  	s7 =	smov.u32 s19;
	s19 =	rddreg [dreg:$0x1a];
	[sflag:s9] =	ssyncadd.s32 $0xFFFFE700  }
0x73: {  	[spmem:s19] =	stream.linear.scatter [tilespmem:s23], [sflag:$0xF], $0x1900, $0x38;
	[tilespmem:$0x1F900] =	vst v63  }
0x74: {  	_ =	swait.ge [sflag:s9], $0x1900  }
0x75: {  	[sflag:s9] =	ssyncset.done $0x0  }
0x76: {  	[sflag:s9] =	ssyncadd.s32 $0xFFFFE700  }
0x77: {  	[spmem:s24] =	stream.linear.scatter [tilespmem:s23], [sflag:$0xF], $0x1900, $0x38;
	[tilespmem:$0x1F900] =	vst v63  }
0x78: {  	_ =	swait.ge [sflag:s9], $0x1900  }
0x79: {  	[sflag:s9] =	ssyncset.done $0x0  }
0x7a: {  	s8 =	smov.u32 s20;
	s20 =	rddreg [dreg:$0x1c];
	[sflag:s9] =	ssyncadd.s32 $0xFFFFE700  }
0x7b: {  	[spmem:s20] =	stream.linear.scatter [tilespmem:s23], [sflag:$0xF], $0x1900, $0x38;
	[tilespmem:$0x1F900] =	vst v63  }
0x7c: {  	_ =	swait.ge [sflag:s9], $0x1900  }
0x7d: {  	[sflag:s9] =	ssyncset.done $0x0  }
0x7e: {  	s24 =	rddreg [dreg:$0x1d];
	[sflag:s9] =	ssyncadd.s32 $0xFFFFE700  }
0x7f: {  	[spmem:s24] =	stream.linear.scatter [tilespmem:s23], [sflag:$0xF], $0x1900, $0x38;
	[tilespmem:$0x1F900] =	vst v63  }
0x80: {  	_ =	swait.ge [sflag:s9], $0x1900  }
0x81: {  	[sflag:s9] =	ssyncset.done $0x0  }
0x82: {  	s2 =	smov.u32 s25;
	s25 =	rddreg [dreg:$0x1e];
	[sflag:s9] =	ssyncadd.s32 $0xFFFFE700  }
0x83: {  	[spmem:s25] =	stream.linear.scatter [tilespmem:s23], [sflag:$0xF], $0x1900, $0x38;
	[tilespmem:$0x1F900] =	vst v63  }
0x84: {  	_ =	swait.ge [sflag:s9], $0x1900  }
0x85: {  	[sflag:s9] =	ssyncset.done $0x0  }
0x86: {  	s0 =	simm.s32 @!p0 $0x1E000;
	s13 =	rddreg [dreg:$0x1f];
	[sflag:s9] =	ssyncadd.s32 $0xFFFFE700  }
0x87: {  	[spmem:s13] =	stream.linear.scatter @!p0 [tilespmem:s0], [sflag:$0xF], $0x1900, $0x38;
	[tilespmem:$0x1F900] =	vst v63  }
0x88: {  	s0 =	simm.s32 @!p0 $0xF  }
0x89: {  	_ =	swait.ge @!p0 [sflag:s0], $0x1900  }
0x8a: {  	[sflag:s0] =	ssyncset.done @!p0 $0x0  }
0x8b: {  	[sflag:s0] =	ssyncadd.s32 @!p0 $0xFFFFE700  }
0x8c: {  	[bflag:$0x0] =	sbarrier.arrive $0xFFFF  }
0x8d: {  	s26 =	sld [smem:$0x7F7]  }
0x8e: {  	s3 =	smov.u32 s28;
	s4 =	smov.u32 s29  }
0x8f: {  	s14 =	simm.s32 $0x186A0;
	s13 =	simm.s32 $0x0;
	s28 =	sld [smem:$0x7F8]  }
0x90: {  	[tilespmem:s14], [sflag:$0x1] =	stream.linear.gather [hbm4b:s26+s13], $0x7D0, $0x38;
	[tilespmem:$0x1F900] =	vst v63  }
0x91: {  	s5 =	smov.u32 s30;
	s29 =	simm.s32 $0x19640;
	s30 =	sld [smem:$0x7F9]  }
0x92: {  	[tilespmem:s29], [sflag:$0x1] =	stream.linear.gather [hbm4b:s28+s13], $0x7D0, $0x38;
	[tilespmem:$0x1F900] =	vst v63  }
0x93: {  	s6 =	smov.u32 s31;
	s31 =	simm.s32 $0x1A5E0  }
0x94: {  	[tilespmem:s31], [sflag:$0x1] =	stream.linear.gather [hbm4b:s30+s13], $0x7D0, $0x38;
	[tilespmem:$0x1F900] =	vst v63  }
0x95: {  	_ =	swait.ge [sflag:s10], $0x7D0  }
0x96: {  	[sflag:s10] =	ssyncset.done $0x0  }
0x97: {  	[sflag:s10] =	ssyncadd.s32 $0xFFFFF830  }
0x98: {  	_ =	swait.ge [sflag:s10], $0x7D0  }
0x99: {  	[sflag:s10] =	ssyncset.done $0x0  }
0x9a: {  	[sflag:s10] =	ssyncadd.s32 $0xFFFFF830  }
0x9b: {  	_ =	swait.ge [sflag:s10], $0x7D0  }
0x9c: {  	[sflag:s10] =	ssyncset.done $0x0  }
0x9d: {  	[sflag:s10] =	ssyncadd.s32 $0xFFFFF830  }
0x9e: {  	v18 =	vld [tilespmem:$0x186A0]  }
0x9f: {  	v19 =	vld [tilespmem:$0x1A5E0]  }
0xa0: {  	v21 =	vld [tilespmem:$0x1A5F0]  }
0xa1: {  	v20 =	vld [tilespmem:$0x186B0]  }
0xa2: {  	v22 =	vld [tilespmem:$0x186C0]  }
0xa3: {  	v23 =	vld [tilespmem:$0x1A600]  }
0xa4: {  	v61 =	vld [tilespmem:$0x1A610];
	[tilespmem:$0x1B6C0] =	vst v19  }
0xa5: {  	v63 =	vld [tilespmem:$0x1A620];
	v18 =	vadd.s32 v0, v18;
	[tilespmem:$0x1B6D0] =	vst v21  }
0xa6: {  	v19 =	vadd.s32 v0, v20;
	[tilespmem:$0x1B580] =	vst v18;
	v18 =	vld [tilespmem:$0x186D0]  }
0xa7: {  	[tilespmem:$0x1B590] =	vst v19;
	v19 =	vld [tilespmem:$0x186E0]  }
0xa8: {  	[tilespmem:$0x1B6E0] =	vst v23  }
0xa9: {  	[tilespmem:$0x1B6F0] =	vst v61  }
0xaa: {  	v62 =	vadd.s32 v0, v22;
	[tilespmem:$0x1B700] =	vst v63  }
0xab: {  	[tilespmem:$0x1B5A0] =	vst v62;
	v18 =	vadd.s32 v0, v18  }
0xac: {  	[tilespmem:$0x1B5B0] =	vst v18;
	v18 =	vadd.s32 v0, v19  }
0xad: {  	s19 =	simm.s32 $0x1B800;
	s14 =	simm.s32 $0x1B580;
	[tilespmem:$0x1B5C0] =	vst v18  }
0xae: {  	[tilespmem:s19], [sflag:$0x3] =	stream.indirect.gather [hbm4b:s21+s11], $0x20, s14, s11, $0xb8;
	[tilespmem:$0x1F900] =	vst v63  }
0xaf: {  	s20 =	simm.s32 $0x1B5A8;
	s24 =	simm.s32 $0x1BD00;
	s25 =	sld [smem:$0x7FA]  }
0xb0: {  	[tilespmem:s24], [sflag:$0x7] =	stream.indirect.gather [hbm4b:s21+s11], $0x20, s20, s11, $0xb8;
	[tilespmem:$0x1F900] =	vst v63  }
0xb1: {  	s26 =	simm.s32 $0x18E70;
	s28 =	sld [smem:$0x7FB]  }
0xb2: {  	[tilespmem:s26], [sflag:$0x2] =	stream.linear.gather [hbm4b:s25+s13], $0x7D0, $0x38;
	[tilespmem:$0x1F900] =	vst v63  }
0xb3: {  	s29 =	simm.s32 $0x19E10;
	s31 =	simm.s32 $0x1ADB0;
	s30 =	sld [smem:$0x7FC]  }
0xb4: {  	[tilespmem:s29], [sflag:$0x2] =	stream.linear.gather [hbm4b:s28+s13], $0x7D0, $0x38;
	[tilespmem:$0x1F900] =	vst v63  }
0xb5: {  	s14 =	simm.s32 $0x0;
	s19 =	simm.s32 $0x0;
	s24 =	simm.s32 $0x0  }
0xb6: {  	[tilespmem:s31], [sflag:$0x2] =	stream.linear.gather [hbm4b:s30+s13], $0x7D0, $0x38;
	[tilespmem:$0x1F900] =	vst v63  }
.LBB2_4:
0xb7: {  	s25 =	sand.u32 $0x3, s13  }
0xb8: {  	s0 =	sadd.s32 $0x3, s25  }
0xb9: {  	p1 =	seq.s32 s13, $0x270;
	_ =	swait.ge [sflag:s0], $0x500  }
.Ltmp1:
0xba: {  	[sflag:s0] =	ssyncset.done $0x0;
	(pc) =	sbr.rel @p1 .LBB2_6-.Ltmp1, $4  }
0xbb: {  	s31 =	sadd.s32 $0x7, s25;
	[sflag:s0] =	ssyncadd.s32 $0xFFFFFB00  }
0xbc: {  	_ =	swait.ge [sflag:s31], $0x500  }
0xbd: {  	[sflag:s31] =	ssyncset.done $0x0  }
0xbe: {  	[sflag:s31] =	ssyncadd.s32 $0xFFFFFB00  }
0xbf: {  	s0 =	sadd.s32 $0x1, s13  }
0xc0: {  	s20 =	smul.u32 $0x47AF, s0;
	_ =	sdelay $0x1  }
0xc1: {  	s20 =	sshrl.u32 s20, $0x10  }
0xc2: {  	s26 =	ssub.s32 s0, s20  }
0xc3: {  	s26 =	sand.u32 $0xFFFE, s26  }
0xc4: {  	s26 =	sshrl.u32 s26, $0x1  }
0xc5: {  	s20 =	sadd.s32 s20, s26  }
0xc6: {  	s20 =	sand.u32 $0xFFF0, s20  }
0xc7: {  	s20 =	sshrl.u32 s20, $0x4  }
0xc8: {  	s29 =	smul.u32 $0x19, s20  }
0xc9: {  	p1 =	slt.u32 s13, $0x3;
	s28 =	sand.u32 $0x3, s0  }
0xca: {  	s26 =	sadd.s32 @!p1 $0xB, s28;
	s0 =	ssub.s32 s0, s29  }
0xcb: {  	_ =	swait.ge @!p1 [sflag:s26], $0xA00;
	s29 =	sand.u32 $0xFFFF, s0  }
0xcc: {  	[sflag:s26] =	ssyncset.done @!p1 $0x0;
	s20 =	sand.u32 $0x1, s20;
	p2 =	sne.s32 s29, $0x0  }
0xcd: {  	[sflag:s26] =	ssyncadd.s32 @!p1 $0xFFFFF600;
	s26 =	sadd.s32 @!p2 $0x1, s20  }
0xce: {  	_ =	swait.ge @!p2 [sflag:s26], $0x7D0  }
0xcf: {  	[sflag:s26] =	ssyncset.done @!p2 $0x0  }
0xd0: {  	[sflag:s26] =	ssyncadd.s32 @!p2 $0xFFFFF830  }
0xd1: {  	_ =	swait.ge @!p2 [sflag:s26], $0x7D0  }
0xd2: {  	[sflag:s26] =	ssyncset.done @!p2 $0x0  }
0xd3: {  	s0 =	smul.u32 $0x50, s0;
	[sflag:s26] =	ssyncadd.s32 @!p2 $0xFFFFF830  }
0xd4: {  	s20 =	smul.u32 $0x7D0, s20;
	_ =	swait.ge @!p2 [sflag:s26], $0x7D0  }
0xd5: {  	s0 =	sand.u32 $0xFFF0, s0;
	[sflag:s26] =	ssyncset.done @!p2 $0x0  }
0xd6: {  	s0 =	sadd.s32 s0, s20;
	[sflag:s26] =	ssyncadd.s32 @!p2 $0xFFFFF830  }
0xd7: {  	v18 =	vld [tilespmem:s0+$0x186A0];
	_ =	sdelay $0x3  }
0xd8: {  	s20 =	smul.u32 $0x50, s28  }
0xd9: {  	v18 =	vadd.s32 v0, v18  }
0xda: {  	[tilespmem:s20+$0x1B580] =	vst v18  }
0xdb: {  	v18 =	vld [tilespmem:s0+$0x1A5E0];
	_ =	sdelay $0x4  }
0xdc: {  	[tilespmem:s20+$0x1B6C0] =	vst v18  }
0xdd: {  	v18 =	vld [tilespmem:s0+$0x186B0];
	_ =	sdelay $0x4  }
0xde: {  	v18 =	vadd.s32 v0, v18  }
0xdf: {  	[tilespmem:s20+$0x1B590] =	vst v18  }
0xe0: {  	v18 =	vld [tilespmem:s0+$0x1A5F0];
	_ =	sdelay $0x4  }
0xe1: {  	[tilespmem:s20+$0x1B6D0] =	vst v18  }
0xe2: {  	v18 =	vld [tilespmem:s0+$0x186C0];
	_ =	sdelay $0x4  }
0xe3: {  	v18 =	vadd.s32 v0, v18  }
0xe4: {  	[tilespmem:s20+$0x1B5A0] =	vst v18  }
0xe5: {  	v18 =	vld [tilespmem:s0+$0x1A600];
	_ =	sdelay $0x4  }
0xe6: {  	[tilespmem:s20+$0x1B6E0] =	vst v18  }
0xe7: {  	v18 =	vld [tilespmem:s0+$0x186D0];
	_ =	sdelay $0x4  }
0xe8: {  	v18 =	vadd.s32 v0, v18  }
0xe9: {  	[tilespmem:s20+$0x1B5B0] =	vst v18  }
0xea: {  	v18 =	vld [tilespmem:s0+$0x1A610];
	_ =	sdelay $0x4  }
0xeb: {  	[tilespmem:s20+$0x1B6F0] =	vst v18  }
0xec: {  	v18 =	vld [tilespmem:s0+$0x186E0];
	_ =	sdelay $0x4  }
0xed: {  	v18 =	vadd.s32 v0, v18  }
0xee: {  	[tilespmem:s20+$0x1B5C0] =	vst v18  }
0xef: {  	v18 =	vld [tilespmem:s0+$0x1A620];
	_ =	sdelay $0x1  }
0xf0: {  	s30 =	smul.u32 $0x2800, s28;
	_ =	sdelay $0x1  }
0xf1: {  	s0 =	sshrl.u32 s30, $0x2  }
0xf2: {  	s26 =	sadd.s32 $0x1B580, s20;
	s30 =	sadd.s32 $0x3, s28;
	s31 =	sadd.s32 $0x1B800, s0;
	[tilespmem:s20+$0x1B700] =	vst v18  }
0xf3: {  	[tilespmem:s31], [sflag:s30] =	stream.indirect.gather [hbm4b:s21+s11], $0x20, s26, s11, $0xb8;
	[tilespmem:$0x1F900] =	vst v63  }
0xf4: {  	s0 =	sadd.s32 $0x1BD00, s0;
	s20 =	sadd.s32 $0x1B5A8, s20;
	s31 =	sadd.s32 $0x7, s28  }
0xf5: {  	[tilespmem:s0], [sflag:s31] =	stream.indirect.gather [hbm4b:s21+s11], $0x20, s20, s11, $0xb8;
	[tilespmem:$0x1F900] =	vst v63  }
.LBB2_6:
0xf6: {  	s0 =	sand.u32 $0xFFFF, s19  }
0xf7: {  	s0 =	smul.u32 $0x47AF, s0;
	_ =	sdelay $0x1  }
0xf8: {  	s0 =	sshrl.u32 s0, $0x10  }
0xf9: {  	s20 =	ssub.s32 s19, s0  }
0xfa: {  	s20 =	sand.u32 $0xFFFE, s20  }
0xfb: {  	s20 =	sshrl.u32 s20, $0x1  }
0xfc: {  	s26 =	sand.u32 $0x3, s14;
	s0 =	sadd.s32 s0, s20;
	s20 =	smulhi.u32 $0x51EB851F, s13  }
0xfd: {  	s26 =	smul.u32 $0x2800, s26;
	s0 =	sshrl.u32 s0, $0x4  }
0xfe: {  	s0 =	smul.u32 $0x1F40, s0;
	s20 =	sshrl.u32 s20, $0x3  }
0xff: {  	s26 =	sshrl.u32 s26, $0x2;
	s20 =	sand.u32 $0x1, s20  }
0x100: {  	s26 =	sadd.s32 $0x1B900, s26;
	s20 =	smul.u32 $0x1F40, s20;
	s0 =	ssub.s32 s24, s0  }
0x101: {  	v23 =	vld [tilespmem:s26+$0xFFFFFFA0];
	s0 =	sand.u32 $0xFFFF, s0  }
0x102: {  	v21 =	vld [tilespmem:s26+$0xFFFFFFF0];
	s0 =	sadd.s32 s0, s20  }
0x103: {  	v19 =	vld [tilespmem:s26+$0xFFFFFF60];
	s0 =	sshrl.u32 s0, $0x2  }
0x104: {  	v25 =	vld [tilespmem:s26+$0xFFFFFFD0];
	s0 =	sadd.s32 $0x19640, s0  }
0x105: {  	v26 =	vld [tilespmem:s26+$0x80];
	v22 =	vmov s0  }
0x106: {  	v29 =	vld [tilespmem:s26+$0xFFFFFF10]  }
0x107: {  	v32 =	vld [tilespmem:s26+$0xE0]  }
0x108: {  	v28 =	vld [tilespmem:s26+$0xFFFFFF40]  }
0x109: {  	v20 =	vld [tilespmem:s26+$0xFFFFFF90];
	s20 =	smul.u32 $0x47AF, s13;
	s0 =	simm.s32 $0x0  }
0x10a: {  	v18 =	vld.idx.msk [tilespmem:v22+s0+$0x0 ss:$0x1], $0xffff  }
0x10b: {  	v27 =	vld [tilespmem:s26+$0xFFFFFFC0];
	s0 =	sshrl.u32 s20, $0x10  }
0x10c: {  	v31 =	vld [tilespmem:s26+$0xFFFFFF00];
	s20 =	ssub.s32 s13, s0  }
0x10d: {  	v30 =	vld [tilespmem:s26+$0xD0];
	s20 =	sand.u32 $0xFFFE, s20  }
0x10e: {  	v40 =	vld [tilespmem:s26+$0xC0];
	s20 =	sshrl.u32 s20, $0x1  }
0x10f: {  	v38 =	vld [tilespmem:s26+$0x90];
	s0 =	sadd.s32 s0, s20;
	s20 =	smul.u32 $0x2800, s25;
	v36 =	vperm.xlane v18, v2;
	v24 =	vperm.xlane v18, v17  }
0x110: {  	v39 =	vld [tilespmem:s26+$0xFFFFFF50];
	s0 =	sand.u32 $0xFFF0, s0;
	v37 =	vperm.xlane v18, v4;
	v34 =	vperm.xlane v18, v16  }
0x111: {  	s31 =	simm.s32 $0x40;
	v35 =	vld [tilespmem:s26+$0xB0];
	v33 =	vperm.xlane v18, v14;
	s30 =	sshrl.u32 s0, $0x4;
	s20 =	sshrl.u32 s20, $0x2;
	v42 =	vmul.f32 v31, v36  }
0x112: {  	v31 =	vperm.xlane v18, v15;
	s29 =	sand.u32 $0x1, s30;
	s28 =	sadd.s32 $0x1B800, s20;
	v41 =	vmul.f32 v28, v37;
	v28 =	vld [tilespmem:s26+$0x60];
	s20 =	smov.u32 s26  }
.LBB2_7:
0x113: {  	p1 =	sne.s32 s31, $0x100  }
0x114: {  	[tilespmem:s26+$0xFFFFFF00] =	vst v42;
	v42 =	vld [tilespmem:s26+$0xFFFFFFB0];
	v40 =	vmul.f32 v40, v34;
	v32 =	vmul.f32 v32, v24;
	s20 =	sadd.s32 $0x200, s20;
	s0 =	smov.u32 s31;
	s31 =	sadd.s32 $0x40, s31  }
0x115: {  	[tilespmem:s26+$0xFFFFFF40] =	vst v41;
	v41 =	vperm.xlane v18, v12;
	v38 =	vmul.f32 v38, v33;
	v43 =	vld [tilespmem:s26+$0xA0]  }
0x116: {  	v29 =	vmul.f32 v29, v36;
	v36 =	vmul.f32 v39, v37;
	v37 =	vld [tilespmem:s26+$0x70];
	[tilespmem:s26+$0xE0] =	vst v32  }
0x117: {  	v32 =	vperm.xlane v18, v7;
	v39 =	vld [tilespmem:s26+$0xFFFFFFE0];
	v35 =	vmul.f32 v35, v31;
	[tilespmem:s26+$0xC0] =	vst v40  }
0x118: {  	v30 =	vmul.f32 v30, v34;
	[tilespmem:s26+$0xFFFFFF10] =	vst v29;
	v29 =	vperm.xlane v18, v8;
	v40 =	vld [tilespmem:s26+$0x40]  }
0x119: {  	v44 =	vperm.xlane v18, v13;
	v23 =	vmul.f32 v23, v32;
	v34 =	vld [tilespmem:s26+$0xFFFFFF20];
	[tilespmem:s26+$0x90] =	vst v38  }
0x11a: {  	[tilespmem:s26+$0xFFFFFF50] =	vst v36;
	v36 =	vperm.xlane v18, v11;
	v38 =	vld [tilespmem:s26+$0x20];
	v31 =	vmul.f32 v43, v31  }
0x11b: {  	v32 =	vmul.f32 v42, v32;
	v42 =	vld [tilespmem:s26+$0x50];
	v37 =	vmul.f32 v37, v44;
	[tilespmem:s26+$0xD0] =	vst v30  }
0x11c: {  	v26 =	vmul.f32 v26, v33;
	v30 =	vperm.xlane v18, v9;
	v43 =	vld [tilespmem:s26+$0x30];
	[tilespmem:s26+$0xA0] =	vst v31  }
0x11d: {  	v27 =	vmul.f32 v27, v29;
	v31 =	vperm.xlane v18, v5;
	v33 =	vld [tilespmem:s26+$0x0];
	[tilespmem:s26+$0x70] =	vst v37  }
0x11e: {  	v28 =	vmul.f32 v28, v44;
	v25 =	vmul.f32 v25, v29;
	v29 =	vld [tilespmem:s26+$0x10];
	[tilespmem:s26+$0x80] =	vst v26  }
0x11f: {  	v37 =	vperm.xlane v18, v10;
	v40 =	vmul.f32 v40, v41;
	v26 =	vld [tilespmem:s26+$0xFFFFFF30];
	[tilespmem:s26+$0xB0] =	vst v35  }
0x120: {  	v35 =	vperm.xlane v18, v3;
	v44 =	vld [tilespmem:s26+$0xFFFFFF70];
	[tilespmem:s26+$0xFFFFFFD0] =	vst v25;
	v41 =	vmul.f32 v42, v41  }
0x121: {  	v21 =	vmul.f32 v21, v30;
	v25 =	vmul.f32 v39, v30;
	[tilespmem:s26+$0xFFFFFFC0] =	vst v27;
	v27 =	vld [tilespmem:s26+$0xF0]  }
0x122: {  	v39 =	vmul.f32 v43, v36;
	v30 =	vld [tilespmem:s26+$0xFFFFFF80];
	[tilespmem:s26+$0xFFFFFFA0] =	vst v23;
	v33 =	vmul.f32 v33, v37  }
0x123: {  	v23 =	vld [tilespmem:s20+$0xFFFFFFA0];
	[tilespmem:s26+$0xFFFFFFF0] =	vst v21;
	v37 =	vmul.f32 v29, v37;
	v29 =	vmul.f32 v38, v36  }
0x124: {  	v21 =	vmul.f32 v34, v35;
	v34 =	vmul.f32 v26, v35;
	[tilespmem:s26+$0x60] =	vst v28  }
0x125: {  	v19 =	vmul.f32 v19, v31;
	v26 =	vmul.f32 v44, v31;
	[tilespmem:s26+$0xFFFFFFB0] =	vst v32  }
0x126: {  	v18 =	vperm.xlane v18, v6;
	[tilespmem:s26+$0xFFFFFF20] =	vst v21;
	v21 =	vmul.f32 v27, v24  }
0x127: {  	[tilespmem:s26+$0xFFFFFF60] =	vst v19  }
0x128: {  	v24 =	vmul.f32 v30, v18;
	v18 =	vmul.f32 v20, v18;
	[tilespmem:s26+$0x40] =	vst v40  }
0x129: {  	[tilespmem:s26+$0xFFFFFFE0] =	vst v25  }
0x12a: {  	[tilespmem:s26+$0xF0] =	vst v21  }
0x12b: {  	[tilespmem:s26+$0xFFFFFF90] =	vst v18  }
0x12c: {  	[tilespmem:s26+$0xFFFFFF70] =	vst v26  }
0x12d: {  	v21 =	vld [tilespmem:s20+$0xFFFFFFF0];
	[tilespmem:s26+$0x20] =	vst v29  }
0x12e: {  	v19 =	vld [tilespmem:s20+$0xFFFFFF60];
	[tilespmem:s26+$0x30] =	vst v39  }
0x12f: {  	v25 =	vld [tilespmem:s20+$0xFFFFFFD0];
	[tilespmem:s26+$0xFFFFFF80] =	vst v24  }
0x130: {  	v26 =	vld [tilespmem:s20+$0x80];
	[tilespmem:s26+$0x50] =	vst v41  }
0x131: {  	v29 =	vld [tilespmem:s20+$0xFFFFFF10];
	[tilespmem:s26+$0x0] =	vst v33  }
0x132: {  	v32 =	vld [tilespmem:s20+$0xE0];
	[tilespmem:s26+$0xFFFFFF30] =	vst v34  }
0x133: {  	s0 =	sshra.s32 s0, $0x2;
	v28 =	vld [tilespmem:s20+$0xFFFFFF40];
	[tilespmem:s26+$0x10] =	vst v37;
	s26 =	smov.u32 s20  }
0x134: {  	v18 =	vld.idx.msk [tilespmem:v22+s0+$0x0 ss:$0x1], $0xffff  }
0x135: {  	v20 =	vld [tilespmem:s20+$0xFFFFFF90]  }
0x136: {  	v27 =	vld [tilespmem:s20+$0xFFFFFFC0]  }
0x137: {  	v31 =	vld [tilespmem:s20+$0xFFFFFF00]  }
0x138: {  	v30 =	vld [tilespmem:s20+$0xD0]  }
.Ltmp2:
0x139: {  	v40 =	vld [tilespmem:s20+$0xC0];
	(pc) =	sbr.rel @p1 .LBB2_7-.Ltmp2, $4  }
0x13a: {  	v36 =	vperm.xlane v18, v2;
	v24 =	vperm.xlane v18, v17;
	v38 =	vld [tilespmem:s20+$0x90]  }
0x13b: {  	v37 =	vperm.xlane v18, v4;
	v34 =	vperm.xlane v18, v16;
	v39 =	vld [tilespmem:s20+$0xFFFFFF50]  }
0x13c: {  	v42 =	vmul.f32 v31, v36;
	v31 =	vperm.xlane v18, v15;
	v35 =	vld [tilespmem:s20+$0xB0]  }
0x13d: {  	v33 =	vperm.xlane v18, v14;
	v41 =	vmul.f32 v28, v37;
	v28 =	vld [tilespmem:s20+$0x60]  }
0x13e: {  	[tilespmem:s26+$0xFFFFFF00] =	vst v42;
	v22 =	vmul.f32 v32, v24  }
0x13f: {  	v51 =	vmul.f32 v40, v34;
	[tilespmem:s26+$0xFFFFFF40] =	vst v41  }
0x140: {  	v29 =	vmul.f32 v29, v36;
	[tilespmem:s26+$0xE0] =	vst v22  }
0x141: {  	v56 =	vmul.f32 v30, v34;
	[tilespmem:s26+$0xC0] =	vst v51  }
0x142: {  	v54 =	vmul.f32 v38, v33;
	[tilespmem:s26+$0xFFFFFF10] =	vst v29  }
0x143: {  	v62 =	vperm.xlane v18, v8;
	v26 =	vmul.f32 v26, v33;
	[tilespmem:s26+$0xD0] =	vst v56  }
0x144: {  	v37 =	vmul.f32 v39, v37;
	[tilespmem:s26+$0x90] =	vst v54  }
0x145: {  	v43 =	vperm.xlane v18, v7;
	v25 =	vmul.f32 v25, v62;
	[tilespmem:s26+$0x80] =	vst v26  }
0x146: {  	v52 =	vld [tilespmem:s26+$0xA0];
	v45 =	vperm.xlane v18, v9;
	v27 =	vmul.f32 v27, v62;
	[tilespmem:s26+$0xFFFFFF50] =	vst v37  }
0x147: {  	v53 =	vld [tilespmem:s26+$0x70];
	v23 =	vmul.f32 v23, v43;
	[tilespmem:s26+$0xFFFFFFD0] =	vst v25  }
0x148: {  	v55 =	vld [tilespmem:s26+$0xFFFFFFB0];
	v58 =	vperm.xlane v18, v13;
	v21 =	vmul.f32 v21, v45;
	[tilespmem:s26+$0xFFFFFFC0] =	vst v27  }
0x149: {  	v57 =	vld [tilespmem:s26+$0xFFFFFF20];
	v41 =	vmul.f32 v35, v31;
	[tilespmem:s26+$0xFFFFFFA0] =	vst v23  }
0x14a: {  	v61 =	vld [tilespmem:s26+$0x40];
	v28 =	vmul.f32 v28, v58;
	[tilespmem:s26+$0xFFFFFFF0] =	vst v21  }
0x14b: {  	v59 =	vld [tilespmem:s26+$0xFFFFFFE0];
	v60 =	vmul.f32 v52, v31;
	[tilespmem:s26+$0xB0] =	vst v41  }
0x14c: {  	v50 =	vperm.xlane v18, v3;
	v36 =	vmul.f32 v53, v58;
	[tilespmem:s26+$0x60] =	vst v28  }
0x14d: {  	v54 =	vperm.xlane v18, v12;
	v51 =	vmul.f32 v55, v43;
	[tilespmem:s26+$0xA0] =	vst v60  }
0x14e: {  	v47 =	vld [tilespmem:s26+$0xFFFFFF70];
	v30 =	vmul.f32 v57, v50;
	[tilespmem:s26+$0x70] =	vst v36  }
0x14f: {  	v44 =	vld [tilespmem:s26+$0x30];
	v52 =	vperm.xlane v18, v5;
	v56 =	vmul.f32 v61, v54;
	[tilespmem:s26+$0xFFFFFFB0] =	vst v51  }
0x150: {  	v48 =	vld [tilespmem:s26+$0xFFFFFF80];
	s0 =	sadd.s32 $0x1, s13;
	v22 =	vmul.f32 v59, v45;
	v57 =	vperm.xlane v18, v6;
	[tilespmem:s26+$0xFFFFFF20] =	vst v30  }
0x151: {  	s20 =	smulhi.u32 $0x51EB851F, s0;
	v53 =	vld [tilespmem:s26+$0xF0];
	v19 =	vmul.f32 v19, v52;
	[tilespmem:s26+$0x40] =	vst v56  }
0x152: {  	v46 =	vld [tilespmem:s26+$0x0];
	v58 =	vperm.xlane v18, v11;
	v20 =	vmul.f32 v20, v57;
	[tilespmem:s26+$0xFFFFFFE0] =	vst v22  }
0x153: {  	v42 =	vld [tilespmem:s26+$0x20];
	s20 =	sshrl.u32 s20, $0x3;
	v59 =	vmul.f32 v47, v52;
	[tilespmem:s26+$0xFFFFFF60] =	vst v19  }
0x154: {  	v49 =	vld [tilespmem:s26+$0x10];
	s20 =	smul.u32 $0x19, s20;
	v60 =	vmul.f32 v44, v58;
	[tilespmem:s26+$0xFFFFFF90] =	vst v20  }
0x155: {  	v63 =	vld [tilespmem:s26+$0x50];
	v18 =	vperm.xlane v18, v10;
	v61 =	vmul.f32 v48, v57;
	[tilespmem:s26+$0xFFFFFF70] =	vst v59  }
0x156: {  	p1 =	sgt.u32 s13, $0x23E;
	v55 =	vld [tilespmem:s26+$0xFFFFFF30];
	s20 =	ssub.s32 s0, s20;
	[tilespmem:s26+$0x30] =	vst v60;
	v19 =	vmul.f32 v53, v24  }
0x157: {  	p2 =	sne.s32 @!p1 s20, $0x0;
	v62 =	vmul.f32 v46, v18;
	[tilespmem:s26+$0xFFFFFF80] =	vst v61  }
0x158: {  	p1 =	por p2, p1;
	[tilespmem:s26+$0xF0] =	vst v19;
	v19 =	vmul.f32 v42, v58  }
0x159: {  	v18 =	vmul.f32 v49, v18;
	s13 =	smul.u32 @!p1 $0x7D0, s30;
	[tilespmem:s26+$0x0] =	vst v62  }
0x15a: {  	[tilespmem:s26+$0x20] =	vst v19;
	v19 =	vmul.f32 v63, v54  }
0x15b: {  	s20 =	smul.u32 @!p1 $0x7D0, s29;
	[tilespmem:s26+$0x10] =	vst v18;
	s13 =	sadd.s32 @!p1 s13, s17;
	v63 =	vmul.f32 v55, v50  }
0x15c: {  	s29 =	sadd.s32 @!p1 $0x1, s29;
	s13 =	sshrl.u32 @!p1 s13, $0x3;
	[tilespmem:s26+$0x50] =	vst v19  }
0x15d: {  	s31 =	simm.s32 @!p1 $0x0;
	s30 =	sadd.s32 @!p1 s16, s13;
	[tilespmem:s26+$0xFFFFFF30] =	vst v63;
	s26 =	sadd.s32 @!p1 $0x186A0, s20  }
0x15e: {  	[tilespmem:s26], [sflag:s29] =	stream.linear.gather @!p1 [hbm4b:s30+s31], $0x7D0, $0x38;
	[tilespmem:$0x1F900] =	vst v63  }
0x15f: {  	s26 =	sadd.s32 @!p1 $0x19640, s20;
	s30 =	sadd.s32 @!p1 s18, s13  }
0x160: {  	[tilespmem:s26], [sflag:s29] =	stream.linear.gather @!p1 [hbm4b:s30+s31], $0x7D0, $0x38;
	[tilespmem:$0x1F900] =	vst v63  }
0x161: {  	s20 =	sadd.s32 @!p1 $0x1A5E0, s20;
	s13 =	sadd.s32 @!p1 s15, s13  }
0x162: {  	[tilespmem:s20], [sflag:s29] =	stream.linear.gather @!p1 [hbm4b:s13+s31], $0x7D0, $0x38;
	[tilespmem:$0x1F900] =	vst v63  }
0x163: {  	s30 =	smul.u32 $0x140, s25;
	p1 =	sne.s32 s0, $0x271  }
.Ltmp3:
0x164: {  	_ = 	snop;
	(pc) =	sbr.rel @p1 .LBB2_4-.Ltmp3, $4  }
0x165: {  	s30 =	sshrl.u32 s30, $0x2  }
0x166: {  	s24 =	sadd.s32 $0x140, s24;
	s31 =	sadd.s32 $0xB, s25;
	s13 =	sadd.s32 $0x1B6C0, s30  }
0x167: {  	[spmem:s22] =	stream.indirect.scatter.add.f32 [tilespmem:s28], [sflag:s31], $0x20, s13, s12, $0xb8;
	[tilespmem:$0x1F900] =	vst v63  }
0x168: {  	s19 =	sadd.s32 $0x1, s19;
	s14 =	sadd.s32 $0x1, s14;
	s13 =	smov.u32 s0  }
0x169: {  	s0 =	simm.s32 $0xB  }
0x16a: {  	_ =	swait.ge [sflag:s0], $0xA00  }
0x16b: {  	[sflag:s0] =	ssyncset.done $0x0  }
0x16c: {  	s20 =	simm.s32 $0xE;
	[sflag:s0] =	ssyncadd.s32 $0xFFFFF600  }
0x16d: {  	_ =	swait.ge [sflag:s20], $0xA00  }
0x16e: {  	[sflag:s20] =	ssyncset.done $0x0  }
0x16f: {  	s24 =	simm.s32 $0xD;
	[sflag:s20] =	ssyncadd.s32 $0xFFFFF600  }
0x170: {  	_ =	swait.ge [sflag:s24], $0xA00  }
0x171: {  	[sflag:s24] =	ssyncset.done $0x0  }
0x172: {  	s25 =	stileid.u32;
	[sflag:s24] =	ssyncadd.s32 $0xFFFFF600  }
0x173: {  	s0 =	sshll.u32 s25, $0x6;
	[bflag:$0x0] =	sbarrier.arrive $0xFFFF  }
0x174: {  	s13 =	sshrl.u32 s2, $0x3;
	s0 =	sor.u32 $0x1C0F, s0;
	s14 =	rddreg [dreg:$0x7]  }
0x175: {  	[hbm:s14], [sflag:s0] =	dma.local [spmem:s13], $0x320  }
0x176: {  	_ =	swait.ge [sflag:s9], $0x320  }
0x177: {  	s26 =	sshrl.u32 s3, $0x3;
	[sflag:s9] =	ssyncset.done $0x0  }
0x178: {  	s25 =	smov.u32 s2;
	s2 =	rddreg [dreg:$0x8];
	[sflag:s9] =	ssyncadd.s32 $0xFFFFFCE0  }
0x179: {  	[hbm:s2], [sflag:s0] =	dma.local [spmem:s26], $0x320  }
0x17a: {  	_ =	swait.ge [sflag:s9], $0x320  }
0x17b: {  	s28 =	smov.u32 s3;
	s29 =	smov.u32 s4;
	[sflag:s9] =	ssyncset.done $0x0  }
0x17c: {  	s3 =	sshrl.u32 s4, $0x3;
	s4 =	rddreg [dreg:$0x9];
	[sflag:s9] =	ssyncadd.s32 $0xFFFFFCE0  }
0x17d: {  	[hbm:s4], [sflag:s0] =	dma.local [spmem:s3], $0x320  }
0x17e: {  	_ =	swait.ge [sflag:s9], $0x320  }
0x17f: {  	[sflag:s9] =	ssyncset.done $0x0  }
0x180: {  	s14 =	sshrl.u32 s5, $0x3;
	s19 =	rddreg [dreg:$0xa];
	[sflag:s9] =	ssyncadd.s32 $0xFFFFFCE0  }
0x181: {  	[hbm:s19], [sflag:s0] =	dma.local [spmem:s14], $0x320  }
0x182: {  	_ =	swait.ge [sflag:s9], $0x320  }
0x183: {  	[sflag:s9] =	ssyncset.done $0x0  }
0x184: {  	s20 =	sshrl.u32 s6, $0x3;
	s24 =	rddreg [dreg:$0xb];
	[sflag:s9] =	ssyncadd.s32 $0xFFFFFCE0  }
0x185: {  	[hbm:s24], [sflag:s0] =	dma.local [spmem:s20], $0x320  }
0x186: {  	_ =	swait.ge [sflag:s9], $0x320  }
0x187: {  	[sflag:s9] =	ssyncset.done $0x0;
	s26 =	rddreg [dreg:$0x17]  }
0x188: {  	s3 =	rddreg [dreg:$0xc];
	[sflag:s9] =	ssyncadd.s32 $0xFFFFFCE0;
	s2 =	sshrl.u32 s26, $0x3  }
0x189: {  	[hbm:s3], [sflag:s0] =	dma.local [spmem:s2], $0x320  }
0x18a: {  	s30 =	smov.u32 s5;
	_ =	swait.ge [sflag:s9], $0x320  }
0x18b: {  	s31 =	smov.u32 s6;
	[sflag:s9] =	ssyncset.done $0x0;
	s4 =	rddreg [dreg:$0x18]  }
0x18c: {  	s6 =	rddreg [dreg:$0xd];
	[sflag:s9] =	ssyncadd.s32 $0xFFFFFCE0;
	s5 =	sshrl.u32 s4, $0x3  }
0x18d: {  	[hbm:s6], [sflag:s0] =	dma.local [spmem:s5], $0x320  }
0x18e: {  	_ =	swait.ge [sflag:s9], $0x320  }
0x18f: {  	[sflag:s9] =	ssyncset.done $0x0;
	s14 =	rddreg [dreg:$0x19]  }
0x190: {  	s20 =	rddreg [dreg:$0xe];
	[sflag:s9] =	ssyncadd.s32 $0xFFFFFCE0;
	s19 =	sshrl.u32 s14, $0x3  }
0x191: {  	[hbm:s20], [sflag:s0] =	dma.local [spmem:s19], $0x320  }
0x192: {  	_ =	swait.ge [sflag:s9], $0x320  }
0x193: {  	[sflag:s9] =	ssyncset.done $0x0  }
0x194: {  	s24 =	sshrl.u32 s7, $0x3;
	s26 =	rddreg [dreg:$0xf];
	[sflag:s9] =	ssyncadd.s32 $0xFFFFFCE0  }
0x195: {  	[hbm:s26], [sflag:s0] =	dma.local [spmem:s24], $0x320  }
0x196: {  	_ =	swait.ge [sflag:s9], $0x320  }
0x197: {  	[sflag:s9] =	ssyncset.done $0x0  }
0x198: {  	s2 =	sshrl.u32 s8, $0x3;
	s3 =	rddreg [dreg:$0x10];
	[sflag:s9] =	ssyncadd.s32 $0xFFFFFCE0  }
0x199: {  	[hbm:s3], [sflag:s0] =	dma.local [spmem:s2], $0x320  }
0x19a: {  	_ =	swait.ge [sflag:s9], $0x320  }
0x19b: {  	[sflag:s9] =	ssyncset.done $0x0;
	s4 =	rddreg [dreg:$0x1a]  }
0x19c: {  	s6 =	rddreg [dreg:$0x11];
	[sflag:s9] =	ssyncadd.s32 $0xFFFFFCE0;
	s5 =	sshrl.u32 s4, $0x3  }
0x19d: {  	[hbm:s6], [sflag:s0] =	dma.local [spmem:s5], $0x320  }
0x19e: {  	s19 =	smov.u32 s7;
	_ =	swait.ge [sflag:s9], $0x320  }
0x19f: {  	s20 =	smov.u32 s8;
	[sflag:s9] =	ssyncset.done $0x0;
	s24 =	rddreg [dreg:$0x1b]  }
0x1a0: {  	s8 =	rddreg [dreg:$0x12];
	[sflag:s9] =	ssyncadd.s32 $0xFFFFFCE0;
	s7 =	sshrl.u32 s24, $0x3  }
0x1a1: {  	[hbm:s8], [sflag:s0] =	dma.local [spmem:s7], $0x320  }
0x1a2: {  	_ =	swait.ge [sflag:s9], $0x320  }
0x1a3: {  	[sflag:s9] =	ssyncset.done $0x0;
	s14 =	rddreg [dreg:$0x1c]  }
0x1a4: {  	s2 =	rddreg [dreg:$0x13];
	[sflag:s9] =	ssyncadd.s32 $0xFFFFFCE0;
	s26 =	sshrl.u32 s14, $0x3  }
0x1a5: {  	[hbm:s2], [sflag:s0] =	dma.local [spmem:s26], $0x320  }
0x1a6: {  	_ =	swait.ge [sflag:s9], $0x320  }
0x1a7: {  	[sflag:s9] =	ssyncset.done $0x0;
	s3 =	rddreg [dreg:$0x1d]  }
0x1a8: {  	s5 =	rddreg [dreg:$0x14];
	[sflag:s9] =	ssyncadd.s32 $0xFFFFFCE0;
	s4 =	sshrl.u32 s3, $0x3  }
0x1a9: {  	[hbm:s5], [sflag:s0] =	dma.local [spmem:s4], $0x320  }
0x1aa: {  	_ =	swait.ge [sflag:s9], $0x320  }
0x1ab: {  	[sflag:s9] =	ssyncset.done $0x0;
	s6 =	rddreg [dreg:$0x1e]  }
0x1ac: {  	s8 =	rddreg [dreg:$0x15];
	[sflag:s9] =	ssyncadd.s32 $0xFFFFFCE0;
	s7 =	sshrl.u32 s6, $0x3  }
0x1ad: {  	[hbm:s8], [sflag:s0] =	dma.local [spmem:s7], $0x320  }
0x1ae: {  	_ =	swait.ge [sflag:s9], $0x320  }
0x1af: {  	[sflag:s9] =	ssyncset.done $0x0;
	s2 =	rddreg [dreg:$0x1f]  }
0x1b0: {  	s14 =	rddreg [dreg:$0x16];
	[sflag:s9] =	ssyncadd.s32 $0xFFFFFCE0;
	s13 =	sshrl.u32 @!p0 s2, $0x3  }
0x1b1: {  	[hbm:s14], [sflag:s0] =	dma.local @!p0 [spmem:s13], $0x320  }
0x1b2: {  	s0 =	simm.s32 @!p0 $0xF  }
0x1b3: {  	_ =	swait.ge @!p0 [sflag:s0], $0x320  }
0x1b4: {  	s26 =	sld [smem:$0x7FD];
	_ =	sdelay $0x1  }
0x1b5: {  	s1 =	sadd.s32 $0x1, s1  }
0x1b6: {  	p1 =	sne.s32 s1, s26  }
.Ltmp4:
0x1b7: {  	_ = 	snop;
	(pc) =	sbr.rel @p1 .LBB2_1-.Ltmp4, $3  }
0x1b8: {  	_ =	sdelay $0x1  }
0x1b9: {  	[sflag:s0] =	ssyncset.done @!p0 $0x0  }
0x1ba: {  	[sflag:s0] =	ssyncadd.s32 @!p0 $0xFFFFFCE0  }
0x1bb: {  	_ =	sfence.sel $0x180000  }
0x1bc: {  	[bflag:$0x0] =	sbarrier.arrive $0xFFFF  }
0x1bd: {  	_ =	strace $0x90000047  }
0x1be: {  	s0 =	stileid.u32;
	[bflag:$0x2] =	sbarrier.arrive $0xFFFF  }
0x1bf: {  	p0 =	sne.s32 s0, $0x0;
	s0 =	rddreg [dreg:$0x6]  }
0x1c0: {  	s0 =	sadd.s32 @!p0 $0x100000, s0  }
0x1c1: {  	[sflag:s0] =	ssyncadd.tile.s32 @!p0 $0x1;
	_ =	shalt  }
.Lfunc_end2:
_tile_overlayer_lowered:
.L_overlay_start_2:
0x1c2: {  	(tag) =	ssettag $0x2  }
0x1c3: {  	s0 =	rddreg [dreg:$0x0];
	s2 =	stileid.u32  }
0x1c4: {  	s1 =	rddreg [dreg:$0x1];
	p0 =	sne.s32 s2, $0x0  }
0x1c5: {  	s3 =	rddreg [dreg:$0x2];
	[bflag:$0x3] =	sbarrier.arrive $0xFFFF;
	s2 =	simm.s32 @!p0 $0x1C0F  }
0x1c6: {  	[timem:s3], [sflag:s2] =	dma.local @!p0 [hbm:s0], s1  }
0x1c7: {  	s0 =	simm.s32 @!p0 $0xF  }
0x1c8: {  	_ =	swait.ge @!p0 [sflag:s0], s1  }
0x1c9: {  	s1 =	ssub.s32 @!p0 $0x0, s1;
	[sflag:s0] =	ssyncset.done @!p0 $0x0  }
0x1ca: {  	[sflag:s0] =	ssyncadd.s32 @!p0 s1  }
0x1cb: {  	[bflag:$0x3] =	sbarrier.arrive $0xFFFF  }
0x1cc: {  	_ =	shalt  }

</sc_bundles>
